<compile_context>
chip_gen: v7x
topology: tpu7x:2x2x1
jax: 0.10.2.dev20260603
libtpu: 0.0.44.dev20260713+nightly
codegen_flags: <defaults>
</compile_context>

<pallas_src>
import functools
import jax
import jax.numpy as jnp
from jax import lax
from jax.experimental import pallas as pl
from jax.experimental.pallas import tpu as pltpu
from jax.experimental.pallas import tpu_sc as plsc

D_MODEL = 768
B_TOTAL = 4 * 4096
NC, NS = 2, 16
NW = NC * NS
B_PER_W = B_TOTAL // NW
NBUF = 4
K = 32
NCHUNK = B_PER_W // K
DEFER = 0

_mesh = plsc.VectorSubcoreMesh(core_axis_name="c", subcore_axis_name="s")


@functools.partial(
    pl.kernel,
    mesh=_mesh,
    out_type=jax.ShapeDtypeStruct((B_TOTAL, D_MODEL), jnp.float32),
    scratch_types=[
        pltpu.VMEM((NCHUNK, K), jnp.int32),
        pltpu.VMEM((NBUF, K, D_MODEL), jnp.float32),
        pltpu.SemaphoreType.DMA((NBUF,)),
    ],
)
def _embed_sc(ids_hbm, table_hbm, out_hbm, idx_v, rows_v, sems):
    wid = lax.axis_index("s") * NC + lax.axis_index("c")
    base = wid * B_PER_W

    pltpu.sync_copy(ids_hbm.at[wid], idx_v)

    def gather(j):
        return pltpu.async_copy(
            table_hbm.at[idx_v.at[j]], rows_v.at[j % NBUF], sems.at[j % NBUF]
        )

    def store(j):
        return pltpu.async_copy(
            rows_v.at[j % NBUF], out_hbm.at[pl.ds(base + j * K, K)],
            sems.at[j % NBUF]
        )

    gh = [None] * NCHUNK
    sh = [None] * NCHUNK
    for b in range(min(NBUF, NCHUNK)):
        gh[b] = gather(b)
    for j in range(NCHUNK):
        gh[j].wait()
        sh[j] = store(j)
        jp = j - DEFER
        jn = jp + NBUF
        if jp >= 0 and jn < NCHUNK:
            sh[jp].wait()
            sh[jp] = None
            gh[jn] = gather(jn)
    for j in range(NCHUNK):
        if sh[j] is not None:
            sh[j].wait()


def kernel(token_ids, weight):
    ids = token_ids.reshape(NW, NCHUNK, K).astype(jnp.int32)
    out = _embed_sc(ids, weight)
    return out.reshape(token_ids.shape + (D_MODEL,))

# --- scband reference (transcript-rebuilt; emitter-appended) ---
"""Pipeline reference for scband-token-embedding-60610578481967 (READ-ONLY COPY).

The authoritative reference and input builder live on the scoring server;
editing this copy changes nothing except your own understanding.
"""

import jax, jax.numpy as jnp
import numpy as np

VOCAB_SIZE = 100000
D_MODEL = 768

def setup_inputs(seed: int = 0) -> dict:
    key = jax.random.key(seed)
    k1, k2 = jax.random.split(key)
    token_ids = jax.random.randint(k1, (4, 4096), 0, VOCAB_SIZE, dtype=jnp.int64 if jax.config.jax_enable_x64 else jnp.int32)
    weight = jax.random.normal(k2, (VOCAB_SIZE, D_MODEL), dtype=jnp.float32)
    return {"token_ids": token_ids, "weight": weight}

def reference(token_ids, weight):
    # nn.Embedding lookup: (B, S) int -> (B, S, d_model)
    return jnp.take(weight, token_ids, axis=0)

if __name__ == "__main__":
    import jax
    _d = setup_inputs()
    print(jax.jit(kernel)(*tuple(_d.values())))

</pallas_src>

<mosaic_0001>
#map = affine_map<(d0, d1) -> (0, 0, 0)>
#map1 = affine_map<(d0, d1) -> (0, 0)>
module attributes {stable_mosaic.version = 14 : i64} {
  func.func @_embed_sc(%arg0: i32, %arg1: i32, %arg2: memref<32x16x32xi32, #tpu.memory_space<hbm>>, %arg3: memref<100000x768xf32, #tpu.memory_space<hbm>>, %arg4: memref<16384x768xf32, #tpu.memory_space<hbm>>, %arg5: memref<16x32xi32, #tpu.memory_space<vmem>>, %arg6: memref<4x32x768xf32, #tpu.memory_space<vmem>>, %arg7: memref<4x!tpu.dma_semaphore, #tpu.memory_space<semaphore_mem>>) attributes {dimension_semantics = [#tpu.dimension_semantics<core_parallel>, #tpu.dimension_semantics<subcore_parallel>], iteration_bounds = array<i64: 2, 16>, scalar_prefetch = 0 : i64, scratch_operands = 3 : i64, tpu.core_type = #tpu.core_type<sc_vector_subcore>, window_params = [{transform_indices = #map}, {transform_indices = #map1}, {transform_indices = #map1}]} {
    %mul3A = arith.constant 2 : i32
    %mul3A_0 = arith.muli %arg1, %mul3A : i32
    %add3A = arith.addi %mul3A_0, %arg0 : i32
    %mul3A_1 = arith.constant 512 : i32
    %mul3A_2 = arith.muli %add3A, %mul3A_1 : i32
    "tpu.region"() ({
      %run_scoped3A = tpu.sem_alloc : memref<!tpu.dma_semaphore, #tpu.memory_space<semaphore_mem>>
      %dma_start3A_1025 = arith.constant 0 : i32
      %dma_start3A_1026 = arith.constant 0 : i32
      %dma_start3A_1027 = tpu.memref_slice %arg2[%add3A, %dma_start3A_1025, %dma_start3A_1026] : memref<32x16x32xi32, #tpu.memory_space<hbm>> -> memref<1x16x32xi32, #tpu.memory_space<hbm>>
      %dma_start3A_1028 = tpu.memref_squeeze %dma_start3A_1027 : memref<1x16x32xi32, #tpu.memory_space<hbm>> -> memref<16x32xi32, #tpu.memory_space<hbm>>
      %dma_start3A_1029 = arith.constant 0 : i32
      %dma_start3A_1030 = arith.constant 0 : i32
      %dma_start3A_1031 = tpu.memref_slice %arg2[%add3A, %dma_start3A_1029, %dma_start3A_1030] : memref<32x16x32xi32, #tpu.memory_space<hbm>> -> memref<1x16x32xi32, #tpu.memory_space<hbm>>
      %dma_start3A_1032 = tpu.memref_squeeze %dma_start3A_1031 : memref<1x16x32xi32, #tpu.memory_space<hbm>> -> memref<16x32xi32, #tpu.memory_space<hbm>>
      tpu.enqueue_dma source(%dma_start3A_1032 : memref<16x32xi32, #tpu.memory_space<hbm>>) target(%arg5 : memref<16x32xi32, #tpu.memory_space<vmem>>) target_semaphore(%run_scoped3A : memref<!tpu.dma_semaphore, #tpu.memory_space<semaphore_mem>>)
      %dma_wait3A_1033 = arith.constant 0 : i32
      %dma_wait3A_1034 = arith.constant 0 : i32
      %dma_wait3A_1035 = tpu.memref_slice %arg2[%add3A, %dma_wait3A_1033, %dma_wait3A_1034] : memref<32x16x32xi32, #tpu.memory_space<hbm>> -> memref<1x16x32xi32, #tpu.memory_space<hbm>>
      %dma_wait3A_1036 = tpu.memref_squeeze %dma_wait3A_1035 : memref<1x16x32xi32, #tpu.memory_space<hbm>> -> memref<16x32xi32, #tpu.memory_space<hbm>>
      %dma_wait3A_1037 = arith.constant 0 : i32
      %dma_wait3A_1038 = arith.constant 0 : i32
      %dma_wait3A_1039 = tpu.memref_slice %arg2[%add3A, %dma_wait3A_1037, %dma_wait3A_1038] : memref<32x16x32xi32, #tpu.memory_space<hbm>> -> memref<1x16x32xi32, #tpu.memory_space<hbm>>
      %dma_wait3A_1040 = tpu.memref_squeeze %dma_wait3A_1039 : memref<1x16x32xi32, #tpu.memory_space<hbm>> -> memref<16x32xi32, #tpu.memory_space<hbm>>
      tpu.wait_dma2 semaphore(%run_scoped3A : memref<!tpu.dma_semaphore, #tpu.memory_space<semaphore_mem>>) src(%dma_wait3A_1040 : memref<16x32xi32, #tpu.memory_space<hbm>>) dst(%arg5 : memref<16x32xi32, #tpu.memory_space<vmem>>)
      tpu.yield
    }) : () -> ()
    %dma_start3A = arith.constant 0 : i32
    %dma_start3A_3 = arith.constant 0 : i32
    %dma_start3A_4 = arith.constant 0 : i32
    %dma_start3A_5 = arith.constant 0 : i32
    %dma_start3A_6 = arith.constant 0 : i32
    %dma_start3A_7 = tpu.memref_slice %arg6[%dma_start3A_3, %dma_start3A_5, %dma_start3A_6] : memref<4x32x768xf32, #tpu.memory_space<vmem>> -> memref<1x32x768xf32, #tpu.memory_space<vmem>>
    %dma_start3A_8 = tpu.memref_squeeze %dma_start3A_7 : memref<1x32x768xf32, #tpu.memory_space<vmem>> -> memref<32x768xf32, #tpu.memory_space<vmem>>
    %dma_start3A_9 = arith.constant 0 : i32
    %dma_start3A_10 = tpu.memref_slice %arg5[%dma_start3A, %dma_start3A_9] : memref<16x32xi32, #tpu.memory_space<vmem>> -> memref<1x32xi32, #tpu.memory_space<vmem>>
    %dma_start3A_11 = tpu.memref_squeeze %dma_start3A_10 : memref<1x32xi32, #tpu.memory_space<vmem>> -> memref<32xi32, #tpu.memory_space<vmem>>
    %dma_start3A_12 = arith.constant 0 : i32
    %dma_start3A_13 = arith.constant 0 : i32
    %dma_start3A_14 = tpu.memref_slice %arg3[%dma_start3A_12, %dma_start3A_13] : memref<100000x768xf32, #tpu.memory_space<hbm>> -> memref<100000x768xf32, #tpu.memory_space<hbm>>
    %dma_start3A_15 = tpu.memref_slice %arg7[%dma_start3A_4] : memref<4x!tpu.dma_semaphore, #tpu.memory_space<semaphore_mem>> -> memref<1x!tpu.dma_semaphore, #tpu.memory_space<semaphore_mem>>
    %dma_start3A_16 = tpu.memref_squeeze %dma_start3A_15 : memref<1x!tpu.dma_semaphore, #tpu.memory_space<semaphore_mem>> -> memref<!tpu.dma_semaphore, #tpu.memory_space<semaphore_mem>>
    tpu.enqueue_indirect_dma source(%dma_start3A_14 : memref<100000x768xf32, #tpu.memory_space<hbm>>) target(%dma_start3A_8 : memref<32x768xf32, #tpu.memory_space<vmem>>) offsets(%dma_start3A_11 : memref<32xi32, #tpu.memory_space<vmem>>) semaphore(%dma_start3A_16 : memref<!tpu.dma_semaphore, #tpu.memory_space<semaphore_mem>>)
    %dma_start3A_17 = arith.constant 1 : i32
    %dma_start3A_18 = arith.constant 1 : i32
    %dma_start3A_19 = arith.constant 1 : i32
    %dma_start3A_20 = arith.constant 0 : i32
    %dma_start3A_21 = arith.constant 0 : i32
    %dma_start3A_22 = tpu.memref_slice %arg6[%dma_start3A_18, %dma_start3A_20, %dma_start3A_21] : memref<4x32x768xf32, #tpu.memory_space<vmem>> -> memref<1x32x768xf32, #tpu.memory_space<vmem>>
    %dma_start3A_23 = tpu.memref_squeeze %dma_start3A_22 : memref<1x32x768xf32, #tpu.memory_space<vmem>> -> memref<32x768xf32, #tpu.memory_space<vmem>>
    %dma_start3A_24 = arith.constant 0 : i32
    %dma_start3A_25 = tpu.memref_slice %arg5[%dma_start3A_17, %dma_start3A_24] : memref<16x32xi32, #tpu.memory_space<vmem>> -> memref<1x32xi32, #tpu.memory_space<vmem>>
    %dma_start3A_26 = tpu.memref_squeeze %dma_start3A_25 : memref<1x32xi32, #tpu.memory_space<vmem>> -> memref<32xi32, #tpu.memory_space<vmem>>
    %dma_start3A_27 = arith.constant 0 : i32
    %dma_start3A_28 = arith.constant 0 : i32
    %dma_start3A_29 = tpu.memref_slice %arg3[%dma_start3A_27, %dma_start3A_28] : memref<100000x768xf32, #tpu.memory_space<hbm>> -> memref<100000x768xf32, #tpu.memory_space<hbm>>
    %dma_start3A_30 = tpu.memref_slice %arg7[%dma_start3A_19] : memref<4x!tpu.dma_semaphore, #tpu.memory_space<semaphore_mem>> -> memref<1x!tpu.dma_semaphore, #tpu.memory_space<semaphore_mem>>
    %dma_start3A_31 = tpu.memref_squeeze %dma_start3A_30 : memref<1x!tpu.dma_semaphore, #tpu.memory_space<semaphore_mem>> -> memref<!tpu.dma_semaphore, #tpu.memory_space<semaphore_mem>>
    tpu.enqueue_indirect_dma source(%dma_start3A_29 : memref<100000x768xf32, #tpu.memory_space<hbm>>) target(%dma_start3A_23 : memref<32x768xf32, #tpu.memory_space<vmem>>) offsets(%dma_start3A_26 : memref<32xi32, #tpu.memory_space<vmem>>) semaphore(%dma_start3A_31 : memref<!tpu.dma_semaphore, #tpu.memory_space<semaphore_mem>>)
    %dma_start3A_32 = arith.constant 2 : i32
    %dma_start3A_33 = arith.constant 2 : i32
    %dma_start3A_34 = arith.constant 2 : i32
    %dma_start3A_35 = arith.constant 0 : i32
    %dma_start3A_36 = arith.constant 0 : i32
    %dma_start3A_37 = tpu.memref_slice %arg6[%dma_start3A_33, %dma_start3A_35, %dma_start3A_36] : memref<4x32x768xf32, #tpu.memory_space<vmem>> -> memref<1x32x768xf32, #tpu.memory_space<vmem>>
    %dma_start3A_38 = tpu.memref_squeeze %dma_start3A_37 : memref<1x32x768xf32, #tpu.memory_space<vmem>> -> memref<32x768xf32, #tpu.memory_space<vmem>>
    %dma_start3A_39 = arith.constant 0 : i32
    %dma_start3A_40 = tpu.memref_slice %arg5[%dma_start3A_32, %dma_start3A_39] : memref<16x32xi32, #tpu.memory_space<vmem>> -> memref<1x32xi32, #tpu.memory_space<vmem>>
    %dma_start3A_41 = tpu.memref_squeeze %dma_start3A_40 : memref<1x32xi32, #tpu.memory_space<vmem>> -> memref<32xi32, #tpu.memory_space<vmem>>
    %dma_start3A_42 = arith.constant 0 : i32
    %dma_start3A_43 = arith.constant 0 : i32
    %dma_start3A_44 = tpu.memref_slice %arg3[%dma_start3A_42, %dma_start3A_43] : memref<100000x768xf32, #tpu.memory_space<hbm>> -> memref<100000x768xf32, #tpu.memory_space<hbm>>
    %dma_start3A_45 = tpu.memref_slice %arg7[%dma_start3A_34] : memref<4x!tpu.dma_semaphore, #tpu.memory_space<semaphore_mem>> -> memref<1x!tpu.dma_semaphore, #tpu.memory_space<semaphore_mem>>
    %dma_start3A_46 = tpu.memref_squeeze %dma_start3A_45 : memref<1x!tpu.dma_semaphore, #tpu.memory_space<semaphore_mem>> -> memref<!tpu.dma_semaphore, #tpu.memory_space<semaphore_mem>>
    tpu.enqueue_indirect_dma source(%dma_start3A_44 : memref<100000x768xf32, #tpu.memory_space<hbm>>) target(%dma_start3A_38 : memref<32x768xf32, #tpu.memory_space<vmem>>) offsets(%dma_start3A_41 : memref<32xi32, #tpu.memory_space<vmem>>) semaphore(%dma_start3A_46 : memref<!tpu.dma_semaphore, #tpu.memory_space<semaphore_mem>>)
    %dma_start3A_47 = arith.constant 3 : i32
    %dma_start3A_48 = arith.constant 3 : i32
    %dma_start3A_49 = arith.constant 3 : i32
    %dma_start3A_50 = arith.constant 0 : i32
    %dma_start3A_51 = arith.constant 0 : i32
    %dma_start3A_52 = tpu.memref_slice %arg6[%dma_start3A_48, %dma_start3A_50, %dma_start3A_51] : memref<4x32x768xf32, #tpu.memory_space<vmem>> -> memref<1x32x768xf32, #tpu.memory_space<vmem>>
    %dma_start3A_53 = tpu.memref_squeeze %dma_start3A_52 : memref<1x32x768xf32, #tpu.memory_space<vmem>> -> memref<32x768xf32, #tpu.memory_space<vmem>>
    %dma_start3A_54 = arith.constant 0 : i32
    %dma_start3A_55 = tpu.memref_slice %arg5[%dma_start3A_47, %dma_start3A_54] : memref<16x32xi32, #tpu.memory_space<vmem>> -> memref<1x32xi32, #tpu.memory_space<vmem>>
    %dma_start3A_56 = tpu.memref_squeeze %dma_start3A_55 : memref<1x32xi32, #tpu.memory_space<vmem>> -> memref<32xi32, #tpu.memory_space<vmem>>
    %dma_start3A_57 = arith.constant 0 : i32
    %dma_start3A_58 = arith.constant 0 : i32
    %dma_start3A_59 = tpu.memref_slice %arg3[%dma_start3A_57, %dma_start3A_58] : memref<100000x768xf32, #tpu.memory_space<hbm>> -> memref<100000x768xf32, #tpu.memory_space<hbm>>
    %dma_start3A_60 = tpu.memref_slice %arg7[%dma_start3A_49] : memref<4x!tpu.dma_semaphore, #tpu.memory_space<semaphore_mem>> -> memref<1x!tpu.dma_semaphore, #tpu.memory_space<semaphore_mem>>
    %dma_start3A_61 = tpu.memref_squeeze %dma_start3A_60 : memref<1x!tpu.dma_semaphore, #tpu.memory_space<semaphore_mem>> -> memref<!tpu.dma_semaphore, #tpu.memory_space<semaphore_mem>>
    tpu.enqueue_indirect_dma source(%dma_start3A_59 : memref<100000x768xf32, #tpu.memory_space<hbm>>) target(%dma_start3A_53 : memref<32x768xf32, #tpu.memory_space<vmem>>) offsets(%dma_start3A_56 : memref<32xi32, #tpu.memory_space<vmem>>) semaphore(%dma_start3A_61 : memref<!tpu.dma_semaphore, #tpu.memory_space<semaphore_mem>>)
    %dma_wait3A = arith.constant 0 : i32
    %dma_wait3A_62 = arith.constant 0 : i32
    %dma_wait3A_63 = arith.constant 0 : i32
    %dma_wait3A_64 = arith.constant 0 : i32
    %dma_wait3A_65 = arith.constant 0 : i32
    %dma_wait3A_66 = tpu.memref_slice %arg6[%dma_wait3A_62, %dma_wait3A_64, %dma_wait3A_65] : memref<4x32x768xf32, #tpu.memory_space<vmem>> -> memref<1x32x768xf32, #tpu.memory_space<vmem>>
    %dma_wait3A_67 = tpu.memref_squeeze %dma_wait3A_66 : memref<1x32x768xf32, #tpu.memory_space<vmem>> -> memref<32x768xf32, #tpu.memory_space<vmem>>
    %dma_wait3A_68 = arith.constant 0 : i32
    %dma_wait3A_69 = tpu.memref_slice %arg5[%dma_wait3A, %dma_wait3A_68] : memref<16x32xi32, #tpu.memory_space<vmem>> -> memref<1x32xi32, #tpu.memory_space<vmem>>
    %dma_wait3A_70 = tpu.memref_squeeze %dma_wait3A_69 : memref<1x32xi32, #tpu.memory_space<vmem>> -> memref<32xi32, #tpu.memory_space<vmem>>
    %dma_wait3A_71 = arith.constant 0 : i32
    %dma_wait3A_72 = arith.constant 0 : i32
    %dma_wait3A_73 = tpu.memref_slice %arg3[%dma_wait3A_71, %dma_wait3A_72] : memref<100000x768xf32, #tpu.memory_space<hbm>> -> memref<100000x768xf32, #tpu.memory_space<hbm>>
    %dma_wait3A_74 = tpu.memref_slice %arg7[%dma_wait3A_63] : memref<4x!tpu.dma_semaphore, #tpu.memory_space<semaphore_mem>> -> memref<1x!tpu.dma_semaphore, #tpu.memory_space<semaphore_mem>>
    %dma_wait3A_75 = tpu.memref_squeeze %dma_wait3A_74 : memref<1x!tpu.dma_semaphore, #tpu.memory_space<semaphore_mem>> -> memref<!tpu.dma_semaphore, #tpu.memory_space<semaphore_mem>>
    tpu.wait_indirect_dma semaphore(%dma_wait3A_75 : memref<!tpu.dma_semaphore, #tpu.memory_space<semaphore_mem>>) src(%dma_wait3A_73 : memref<100000x768xf32, #tpu.memory_space<hbm>>) dst(%dma_wait3A_67 : memref<32x768xf32, #tpu.memory_space<vmem>>)
    %add3A_76 = arith.constant 0 : i32
    %add3A_77 = arith.addi %mul3A_2, %add3A_76 : i32
    %dma_start3A_78 = arith.constant 0 : i32
    %dma_start3A_79 = arith.constant 0 : i32
    %dma_start3A_80 = arith.constant 0 : i32
    %dma_start3A_81 = arith.constant 0 : i32
    %dma_start3A_82 = tpu.memref_slice %arg6[%dma_start3A_78, %dma_start3A_80, %dma_start3A_81] : memref<4x32x768xf32, #tpu.memory_space<vmem>> -> memref<1x32x768xf32, #tpu.memory_space<vmem>>
    %dma_start3A_83 = tpu.memref_squeeze %dma_start3A_82 : memref<1x32x768xf32, #tpu.memory_space<vmem>> -> memref<32x768xf32, #tpu.memory_space<vmem>>
    %dma_start3A_84 = arith.constant 0 : i32
    %dma_start3A_85 = tpu.memref_slice %arg4[%add3A_77, %dma_start3A_84] : memref<16384x768xf32, #tpu.memory_space<hbm>> -> memref<32x768xf32, #tpu.memory_space<hbm>>
    %dma_start3A_86 = tpu.memref_slice %arg7[%dma_start3A_79] : memref<4x!tpu.dma_semaphore, #tpu.memory_space<semaphore_mem>> -> memref<1x!tpu.dma_semaphore, #tpu.memory_space<semaphore_mem>>
    %dma_start3A_87 = tpu.memref_squeeze %dma_start3A_86 : memref<1x!tpu.dma_semaphore, #tpu.memory_space<semaphore_mem>> -> memref<!tpu.dma_semaphore, #tpu.memory_space<semaphore_mem>>
    %dma_start3A_88 = arith.constant 0 : i32
    %dma_start3A_89 = tpu.memref_slice %arg4[%add3A_77, %dma_start3A_88] : memref<16384x768xf32, #tpu.memory_space<hbm>> -> memref<32x768xf32, #tpu.memory_space<hbm>>
    %dma_start3A_90 = arith.constant 0 : i32
    %dma_start3A_91 = arith.constant 0 : i32
    %dma_start3A_92 = tpu.memref_slice %arg6[%dma_start3A_78, %dma_start3A_90, %dma_start3A_91] : memref<4x32x768xf32, #tpu.memory_space<vmem>> -> memref<1x32x768xf32, #tpu.memory_space<vmem>>
    %dma_start3A_93 = tpu.memref_squeeze %dma_start3A_92 : memref<1x32x768xf32, #tpu.memory_space<vmem>> -> memref<32x768xf32, #tpu.memory_space<vmem>>
    tpu.enqueue_dma source(%dma_start3A_93 : memref<32x768xf32, #tpu.memory_space<vmem>>) target(%dma_start3A_89 : memref<32x768xf32, #tpu.memory_space<hbm>>) target_semaphore(%dma_start3A_87 : memref<!tpu.dma_semaphore, #tpu.memory_space<semaphore_mem>>)
    %dma_wait3A_94 = arith.constant 0 : i32
    %dma_wait3A_95 = arith.constant 0 : i32
    %dma_wait3A_96 = arith.constant 0 : i32
    %dma_wait3A_97 = arith.constant 0 : i32
    %dma_wait3A_98 = tpu.memref_slice %arg6[%dma_wait3A_94, %dma_wait3A_96, %dma_wait3A_97] : memref<4x32x768xf32, #tpu.memory_space<vmem>> -> memref<1x32x768xf32, #tpu.memory_space<vmem>>
    %dma_wait3A_99 = tpu.memref_squeeze %dma_wait3A_98 : memref<1x32x768xf32, #tpu.memory_space<vmem>> -> memref<32x768xf32, #tpu.memory_space<vmem>>
    %dma_wait3A_100 = arith.constant 0 : i32
    %dma_wait3A_101 = tpu.memref_slice %arg4[%add3A_77, %dma_wait3A_100] : memref<16384x768xf32, #tpu.memory_space<hbm>> -> memref<32x768xf32, #tpu.memory_space<hbm>>
    %dma_wait3A_102 = tpu.memref_slice %arg7[%dma_wait3A_95] : memref<4x!tpu.dma_semaphore, #tpu.memory_space<semaphore_mem>> -> memref<1x!tpu.dma_semaphore, #tpu.memory_space<semaphore_mem>>
    %dma_wait3A_103 = tpu.memref_squeeze %dma_wait3A_102 : memref<1x!tpu.dma_semaphore, #tpu.memory_space<semaphore_mem>> -> memref<!tpu.dma_semaphore, #tpu.memory_space<semaphore_mem>>
    %dma_wait3A_104 = arith.constant 0 : i32
    %dma_wait3A_105 = tpu.memref_slice %arg4[%add3A_77, %dma_wait3A_104] : memref<16384x768xf32, #tpu.memory_space<hbm>> -> memref<32x768xf32, #tpu.memory_space<hbm>>
    %dma_wait3A_106 = arith.constant 0 : i32
    %dma_wait3A_107 = arith.constant 0 : i32
    %dma_wait3A_108 = tpu.memref_slice %arg6[%dma_wait3A_94, %dma_wait3A_106, %dma_wait3A_107] : memref<4x32x768xf32, #tpu.memory_space<vmem>> -> memref<1x32x768xf32, #tpu.memory_space<vmem>>
    %dma_wait3A_109 = tpu.memref_squeeze %dma_wait3A_108 : memref<1x32x768xf32, #tpu.memory_space<vmem>> -> memref<32x768xf32, #tpu.memory_space<vmem>>
    tpu.wait_dma2 semaphore(%dma_wait3A_103 : memref<!tpu.dma_semaphore, #tpu.memory_space<semaphore_mem>>) src(%dma_wait3A_109 : memref<32x768xf32, #tpu.memory_space<vmem>>) dst(%dma_wait3A_105 : memref<32x768xf32, #tpu.memory_space<hbm>>)
    %dma_start3A_110 = arith.constant 4 : i32
    %dma_start3A_111 = arith.constant 0 : i32
    %dma_start3A_112 = arith.constant 0 : i32
    %dma_start3A_113 = arith.constant 0 : i32
    %dma_start3A_114 = arith.constant 0 : i32
    %dma_start3A_115 = tpu.memref_slice %arg6[%dma_start3A_111, %dma_start3A_113, %dma_start3A_114] : memref<4x32x768xf32, #tpu.memory_space<vmem>> -> memref<1x32x768xf32, #tpu.memory_space<vmem>>
    %dma_start3A_116 = tpu.memref_squeeze %dma_start3A_115 : memref<1x32x768xf32, #tpu.memory_space<vmem>> -> memref<32x768xf32, #tpu.memory_space<vmem>>
    %dma_start3A_117 = arith.constant 0 : i32
    %dma_start3A_118 = tpu.memref_slice %arg5[%dma_start3A_110, %dma_start3A_117] : memref<16x32xi32, #tpu.memory_space<vmem>> -> memref<1x32xi32, #tpu.memory_space<vmem>>
    %dma_start3A_119 = tpu.memref_squeeze %dma_start3A_118 : memref<1x32xi32, #tpu.memory_space<vmem>> -> memref<32xi32, #tpu.memory_space<vmem>>
    %dma_start3A_120 = arith.constant 0 : i32
    %dma_start3A_121 = arith.constant 0 : i32
    %dma_start3A_122 = tpu.memref_slice %arg3[%dma_start3A_120, %dma_start3A_121] : memref<100000x768xf32, #tpu.memory_space<hbm>> -> memref<100000x768xf32, #tpu.memory_space<hbm>>
    %dma_start3A_123 = tpu.memref_slice %arg7[%dma_start3A_112] : memref<4x!tpu.dma_semaphore, #tpu.memory_space<semaphore_mem>> -> memref<1x!tpu.dma_semaphore, #tpu.memory_space<semaphore_mem>>
    %dma_start3A_124 = tpu.memref_squeeze %dma_start3A_123 : memref<1x!tpu.dma_semaphore, #tpu.memory_space<semaphore_mem>> -> memref<!tpu.dma_semaphore, #tpu.memory_space<semaphore_mem>>
    tpu.enqueue_indirect_dma source(%dma_start3A_122 : memref<100000x768xf32, #tpu.memory_space<hbm>>) target(%dma_start3A_116 : memref<32x768xf32, #tpu.memory_space<vmem>>) offsets(%dma_start3A_119 : memref<32xi32, #tpu.memory_space<vmem>>) semaphore(%dma_start3A_124 : memref<!tpu.dma_semaphore, #tpu.memory_space<semaphore_mem>>)
    %dma_wait3A_125 = arith.constant 1 : i32
    %dma_wait3A_126 = arith.constant 1 : i32
    %dma_wait3A_127 = arith.constant 1 : i32
    %dma_wait3A_128 = arith.constant 0 : i32
    %dma_wait3A_129 = arith.constant 0 : i32
    %dma_wait3A_130 = tpu.memref_slice %arg6[%dma_wait3A_126, %dma_wait3A_128, %dma_wait3A_129] : memref<4x32x768xf32, #tpu.memory_space<vmem>> -> memref<1x32x768xf32, #tpu.memory_space<vmem>>
    %dma_wait3A_131 = tpu.memref_squeeze %dma_wait3A_130 : memref<1x32x768xf32, #tpu.memory_space<vmem>> -> memref<32x768xf32, #tpu.memory_space<vmem>>
    %dma_wait3A_132 = arith.constant 0 : i32
    %dma_wait3A_133 = tpu.memref_slice %arg5[%dma_wait3A_125, %dma_wait3A_132] : memref<16x32xi32, #tpu.memory_space<vmem>> -> memref<1x32xi32, #tpu.memory_space<vmem>>
    %dma_wait3A_134 = tpu.memref_squeeze %dma_wait3A_133 : memref<1x32xi32, #tpu.memory_space<vmem>> -> memref<32xi32, #tpu.memory_space<vmem>>
    %dma_wait3A_135 = arith.constant 0 : i32
    %dma_wait3A_136 = arith.constant 0 : i32
    %dma_wait3A_137 = tpu.memref_slice %arg3[%dma_wait3A_135, %dma_wait3A_136] : memref<100000x768xf32, #tpu.memory_space<hbm>> -> memref<100000x768xf32, #tpu.memory_space<hbm>>
    %dma_wait3A_138 = tpu.memref_slice %arg7[%dma_wait3A_127] : memref<4x!tpu.dma_semaphore, #tpu.memory_space<semaphore_mem>> -> memref<1x!tpu.dma_semaphore, #tpu.memory_space<semaphore_mem>>
    %dma_wait3A_139 = tpu.memref_squeeze %dma_wait3A_138 : memref<1x!tpu.dma_semaphore, #tpu.memory_space<semaphore_mem>> -> memref<!tpu.dma_semaphore, #tpu.memory_space<semaphore_mem>>
    tpu.wait_indirect_dma semaphore(%dma_wait3A_139 : memref<!tpu.dma_semaphore, #tpu.memory_space<semaphore_mem>>) src(%dma_wait3A_137 : memref<100000x768xf32, #tpu.memory_space<hbm>>) dst(%dma_wait3A_131 : memref<32x768xf32, #tpu.memory_space<vmem>>)
    %add3A_140 = arith.constant 32 : i32
    %add3A_141 = arith.addi %mul3A_2, %add3A_140 : i32
    %dma_start3A_142 = arith.constant 1 : i32
    %dma_start3A_143 = arith.constant 1 : i32
    %dma_start3A_144 = arith.constant 0 : i32
    %dma_start3A_145 = arith.constant 0 : i32
    %dma_start3A_146 = tpu.memref_slice %arg6[%dma_start3A_142, %dma_start3A_144, %dma_start3A_145] : memref<4x32x768xf32, #tpu.memory_space<vmem>> -> memref<1x32x768xf32, #tpu.memory_space<vmem>>
    %dma_start3A_147 = tpu.memref_squeeze %dma_start3A_146 : memref<1x32x768xf32, #tpu.memory_space<vmem>> -> memref<32x768xf32, #tpu.memory_space<vmem>>
    %dma_start3A_148 = arith.constant 0 : i32
    %dma_start3A_149 = tpu.memref_slice %arg4[%add3A_141, %dma_start3A_148] : memref<16384x768xf32, #tpu.memory_space<hbm>> -> memref<32x768xf32, #tpu.memory_space<hbm>>
    %dma_start3A_150 = tpu.memref_slice %arg7[%dma_start3A_143] : memref<4x!tpu.dma_semaphore, #tpu.memory_space<semaphore_mem>> -> memref<1x!tpu.dma_semaphore, #tpu.memory_space<semaphore_mem>>
    %dma_start3A_151 = tpu.memref_squeeze %dma_start3A_150 : memref<1x!tpu.dma_semaphore, #tpu.memory_space<semaphore_mem>> -> memref<!tpu.dma_semaphore, #tpu.memory_space<semaphore_mem>>
    %dma_start3A_152 = arith.constant 0 : i32
    %dma_start3A_153 = tpu.memref_slice %arg4[%add3A_141, %dma_start3A_152] : memref<16384x768xf32, #tpu.memory_space<hbm>> -> memref<32x768xf32, #tpu.memory_space<hbm>>
    %dma_start3A_154 = arith.constant 0 : i32
    %dma_start3A_155 = arith.constant 0 : i32
    %dma_start3A_156 = tpu.memref_slice %arg6[%dma_start3A_142, %dma_start3A_154, %dma_start3A_155] : memref<4x32x768xf32, #tpu.memory_space<vmem>> -> memref<1x32x768xf32, #tpu.memory_space<vmem>>
    %dma_start3A_157 = tpu.memref_squeeze %dma_start3A_156 : memref<1x32x768xf32, #tpu.memory_space<vmem>> -> memref<32x768xf32, #tpu.memory_space<vmem>>
    tpu.enqueue_dma source(%dma_start3A_157 : memref<32x768xf32, #tpu.memory_space<vmem>>) target(%dma_start3A_153 : memref<32x768xf32, #tpu.memory_space<hbm>>) target_semaphore(%dma_start3A_151 : memref<!tpu.dma_semaphore, #tpu.memory_space<semaphore_mem>>)
    %dma_wait3A_158 = arith.constant 1 : i32
    %dma_wait3A_159 = arith.constant 1 : i32
    %dma_wait3A_160 = arith.constant 0 : i32
    %dma_wait3A_161 = arith.constant 0 : i32
    %dma_wait3A_162 = tpu.memref_slice %arg6[%dma_wait3A_158, %dma_wait3A_160, %dma_wait3A_161] : memref<4x32x768xf32, #tpu.memory_space<vmem>> -> memref<1x32x768xf32, #tpu.memory_space<vmem>>
    %dma_wait3A_163 = tpu.memref_squeeze %dma_wait3A_162 : memref<1x32x768xf32, #tpu.memory_space<vmem>> -> memref<32x768xf32, #tpu.memory_space<vmem>>
    %dma_wait3A_164 = arith.constant 0 : i32
    %dma_wait3A_165 = tpu.memref_slice %arg4[%add3A_141, %dma_wait3A_164] : memref<16384x768xf32, #tpu.memory_space<hbm>> -> memref<32x768xf32, #tpu.memory_space<hbm>>
    %dma_wait3A_166 = tpu.memref_slice %arg7[%dma_wait3A_159] : memref<4x!tpu.dma_semaphore, #tpu.memory_space<semaphore_mem>> -> memref<1x!tpu.dma_semaphore, #tpu.memory_space<semaphore_mem>>
    %dma_wait3A_167 = tpu.memref_squeeze %dma_wait3A_166 : memref<1x!tpu.dma_semaphore, #tpu.memory_space<semaphore_mem>> -> memref<!tpu.dma_semaphore, #tpu.memory_space<semaphore_mem>>
    %dma_wait3A_168 = arith.constant 0 : i32
    %dma_wait3A_169 = tpu.memref_slice %arg4[%add3A_141, %dma_wait3A_168] : memref<16384x768xf32, #tpu.memory_space<hbm>> -> memref<32x768xf32, #tpu.memory_space<hbm>>
    %dma_wait3A_170 = arith.constant 0 : i32
    %dma_wait3A_171 = arith.constant 0 : i32
    %dma_wait3A_172 = tpu.memref_slice %arg6[%dma_wait3A_158, %dma_wait3A_170, %dma_wait3A_171] : memref<4x32x768xf32, #tpu.memory_space<vmem>> -> memref<1x32x768xf32, #tpu.memory_space<vmem>>
    %dma_wait3A_173 = tpu.memref_squeeze %dma_wait3A_172 : memref<1x32x768xf32, #tpu.memory_space<vmem>> -> memref<32x768xf32, #tpu.memory_space<vmem>>
    tpu.wait_dma2 semaphore(%dma_wait3A_167 : memref<!tpu.dma_semaphore, #tpu.memory_space<semaphore_mem>>) src(%dma_wait3A_173 : memref<32x768xf32, #tpu.memory_space<vmem>>) dst(%dma_wait3A_169 : memref<32x768xf32, #tpu.memory_space<hbm>>)
    %dma_start3A_174 = arith.constant 5 : i32
    %dma_start3A_175 = arith.constant 1 : i32
    %dma_start3A_176 = arith.constant 1 : i32
    %dma_start3A_177 = arith.constant 0 : i32
    %dma_start3A_178 = arith.constant 0 : i32
    %dma_start3A_179 = tpu.memref_slice %arg6[%dma_start3A_175, %dma_start3A_177, %dma_start3A_178] : memref<4x32x768xf32, #tpu.memory_space<vmem>> -> memref<1x32x768xf32, #tpu.memory_space<vmem>>
    %dma_start3A_180 = tpu.memref_squeeze %dma_start3A_179 : memref<1x32x768xf32, #tpu.memory_space<vmem>> -> memref<32x768xf32, #tpu.memory_space<vmem>>
    %dma_start3A_181 = arith.constant 0 : i32
    %dma_start3A_182 = tpu.memref_slice %arg5[%dma_start3A_174, %dma_start3A_181] : memref<16x32xi32, #tpu.memory_space<vmem>> -> memref<1x32xi32, #tpu.memory_space<vmem>>
    %dma_start3A_183 = tpu.memref_squeeze %dma_start3A_182 : memref<1x32xi32, #tpu.memory_space<vmem>> -> memref<32xi32, #tpu.memory_space<vmem>>
    %dma_start3A_184 = arith.constant 0 : i32
    %dma_start3A_185 = arith.constant 0 : i32
    %dma_start3A_186 = tpu.memref_slice %arg3[%dma_start3A_184, %dma_start3A_185] : memref<100000x768xf32, #tpu.memory_space<hbm>> -> memref<100000x768xf32, #tpu.memory_space<hbm>>
    %dma_start3A_187 = tpu.memref_slice %arg7[%dma_start3A_176] : memref<4x!tpu.dma_semaphore, #tpu.memory_space<semaphore_mem>> -> memref<1x!tpu.dma_semaphore, #tpu.memory_space<semaphore_mem>>
    %dma_start3A_188 = tpu.memref_squeeze %dma_start3A_187 : memref<1x!tpu.dma_semaphore, #tpu.memory_space<semaphore_mem>> -> memref<!tpu.dma_semaphore, #tpu.memory_space<semaphore_mem>>
    tpu.enqueue_indirect_dma source(%dma_start3A_186 : memref<100000x768xf32, #tpu.memory_space<hbm>>) target(%dma_start3A_180 : memref<32x768xf32, #tpu.memory_space<vmem>>) offsets(%dma_start3A_183 : memref<32xi32, #tpu.memory_space<vmem>>) semaphore(%dma_start3A_188 : memref<!tpu.dma_semaphore, #tpu.memory_space<semaphore_mem>>)
    %dma_wait3A_189 = arith.constant 2 : i32
    %dma_wait3A_190 = arith.constant 2 : i32
    %dma_wait3A_191 = arith.constant 2 : i32
    %dma_wait3A_192 = arith.constant 0 : i32
    %dma_wait3A_193 = arith.constant 0 : i32
    %dma_wait3A_194 = tpu.memref_slice %arg6[%dma_wait3A_190, %dma_wait3A_192, %dma_wait3A_193] : memref<4x32x768xf32, #tpu.memory_space<vmem>> -> memref<1x32x768xf32, #tpu.memory_space<vmem>>
    %dma_wait3A_195 = tpu.memref_squeeze %dma_wait3A_194 : memref<1x32x768xf32, #tpu.memory_space<vmem>> -> memref<32x768xf32, #tpu.memory_space<vmem>>
    %dma_wait3A_196 = arith.constant 0 : i32
    %dma_wait3A_197 = tpu.memref_slice %arg5[%dma_wait3A_189, %dma_wait3A_196] : memref<16x32xi32, #tpu.memory_space<vmem>> -> memref<1x32xi32, #tpu.memory_space<vmem>>
    %dma_wait3A_198 = tpu.memref_squeeze %dma_wait3A_197 : memref<1x32xi32, #tpu.memory_space<vmem>> -> memref<32xi32, #tpu.memory_space<vmem>>
    %dma_wait3A_199 = arith.constant 0 : i32
    %dma_wait3A_200 = arith.constant 0 : i32
    %dma_wait3A_201 = tpu.memref_slice %arg3[%dma_wait3A_199, %dma_wait3A_200] : memref<100000x768xf32, #tpu.memory_space<hbm>> -> memref<100000x768xf32, #tpu.memory_space<hbm>>
    %dma_wait3A_202 = tpu.memref_slice %arg7[%dma_wait3A_191] : memref<4x!tpu.dma_semaphore, #tpu.memory_space<semaphore_mem>> -> memref<1x!tpu.dma_semaphore, #tpu.memory_space<semaphore_mem>>
    %dma_wait3A_203 = tpu.memref_squeeze %dma_wait3A_202 : memref<1x!tpu.dma_semaphore, #tpu.memory_space<semaphore_mem>> -> memref<!tpu.dma_semaphore, #tpu.memory_space<semaphore_mem>>
    tpu.wait_indirect_dma semaphore(%dma_wait3A_203 : memref<!tpu.dma_semaphore, #tpu.memory_space<semaphore_mem>>) src(%dma_wait3A_201 : memref<100000x768xf32, #tpu.memory_space<hbm>>) dst(%dma_wait3A_195 : memref<32x768xf32, #tpu.memory_space<vmem>>)
    %add3A_204 = arith.constant 64 : i32
    %add3A_205 = arith.addi %mul3A_2, %add3A_204 : i32
    %dma_start3A_206 = arith.constant 2 : i32
    %dma_start3A_207 = arith.constant 2 : i32
    %dma_start3A_208 = arith.constant 0 : i32
    %dma_start3A_209 = arith.constant 0 : i32
    %dma_start3A_210 = tpu.memref_slice %arg6[%dma_start3A_206, %dma_start3A_208, %dma_start3A_209] : memref<4x32x768xf32, #tpu.memory_space<vmem>> -> memref<1x32x768xf32, #tpu.memory_space<vmem>>
    %dma_start3A_211 = tpu.memref_squeeze %dma_start3A_210 : memref<1x32x768xf32, #tpu.memory_space<vmem>> -> memref<32x768xf32, #tpu.memory_space<vmem>>
    %dma_start3A_212 = arith.constant 0 : i32
    %dma_start3A_213 = tpu.memref_slice %arg4[%add3A_205, %dma_start3A_212] : memref<16384x768xf32, #tpu.memory_space<hbm>> -> memref<32x768xf32, #tpu.memory_space<hbm>>
    %dma_start3A_214 = tpu.memref_slice %arg7[%dma_start3A_207] : memref<4x!tpu.dma_semaphore, #tpu.memory_space<semaphore_mem>> -> memref<1x!tpu.dma_semaphore, #tpu.memory_space<semaphore_mem>>
    %dma_start3A_215 = tpu.memref_squeeze %dma_start3A_214 : memref<1x!tpu.dma_semaphore, #tpu.memory_space<semaphore_mem>> -> memref<!tpu.dma_semaphore, #tpu.memory_space<semaphore_mem>>
    %dma_start3A_216 = arith.constant 0 : i32
    %dma_start3A_217 = tpu.memref_slice %arg4[%add3A_205, %dma_start3A_216] : memref<16384x768xf32, #tpu.memory_space<hbm>> -> memref<32x768xf32, #tpu.memory_space<hbm>>
    %dma_start3A_218 = arith.constant 0 : i32
    %dma_start3A_219 = arith.constant 0 : i32
    %dma_start3A_220 = tpu.memref_slice %arg6[%dma_start3A_206, %dma_start3A_218, %dma_start3A_219] : memref<4x32x768xf32, #tpu.memory_space<vmem>> -> memref<1x32x768xf32, #tpu.memory_space<vmem>>
    %dma_start3A_221 = tpu.memref_squeeze %dma_start3A_220 : memref<1x32x768xf32, #tpu.memory_space<vmem>> -> memref<32x768xf32, #tpu.memory_space<vmem>>
    tpu.enqueue_dma source(%dma_start3A_221 : memref<32x768xf32, #tpu.memory_space<vmem>>) target(%dma_start3A_217 : memref<32x768xf32, #tpu.memory_space<hbm>>) target_semaphore(%dma_start3A_215 : memref<!tpu.dma_semaphore, #tpu.memory_space<semaphore_mem>>)
    %dma_wait3A_222 = arith.constant 2 : i32
    %dma_wait3A_223 = arith.constant 2 : i32
    %dma_wait3A_224 = arith.constant 0 : i32
    %dma_wait3A_225 = arith.constant 0 : i32
    %dma_wait3A_226 = tpu.memref_slice %arg6[%dma_wait3A_222, %dma_wait3A_224, %dma_wait3A_225] : memref<4x32x768xf32, #tpu.memory_space<vmem>> -> memref<1x32x768xf32, #tpu.memory_space<vmem>>
    %dma_wait3A_227 = tpu.memref_squeeze %dma_wait3A_226 : memref<1x32x768xf32, #tpu.memory_space<vmem>> -> memref<32x768xf32, #tpu.memory_space<vmem>>
    %dma_wait3A_228 = arith.constant 0 : i32
    %dma_wait3A_229 = tpu.memref_slice %arg4[%add3A_205, %dma_wait3A_228] : memref<16384x768xf32, #tpu.memory_space<hbm>> -> memref<32x768xf32, #tpu.memory_space<hbm>>
    %dma_wait3A_230 = tpu.memref_slice %arg7[%dma_wait3A_223] : memref<4x!tpu.dma_semaphore, #tpu.memory_space<semaphore_mem>> -> memref<1x!tpu.dma_semaphore, #tpu.memory_space<semaphore_mem>>
    %dma_wait3A_231 = tpu.memref_squeeze %dma_wait3A_230 : memref<1x!tpu.dma_semaphore, #tpu.memory_space<semaphore_mem>> -> memref<!tpu.dma_semaphore, #tpu.memory_space<semaphore_mem>>
    %dma_wait3A_232 = arith.constant 0 : i32
    %dma_wait3A_233 = tpu.memref_slice %arg4[%add3A_205, %dma_wait3A_232] : memref<16384x768xf32, #tpu.memory_space<hbm>> -> memref<32x768xf32, #tpu.memory_space<hbm>>
    %dma_wait3A_234 = arith.constant 0 : i32
    %dma_wait3A_235 = arith.constant 0 : i32
    %dma_wait3A_236 = tpu.memref_slice %arg6[%dma_wait3A_222, %dma_wait3A_234, %dma_wait3A_235] : memref<4x32x768xf32, #tpu.memory_space<vmem>> -> memref<1x32x768xf32, #tpu.memory_space<vmem>>
    %dma_wait3A_237 = tpu.memref_squeeze %dma_wait3A_236 : memref<1x32x768xf32, #tpu.memory_space<vmem>> -> memref<32x768xf32, #tpu.memory_space<vmem>>
    tpu.wait_dma2 semaphore(%dma_wait3A_231 : memref<!tpu.dma_semaphore, #tpu.memory_space<semaphore_mem>>) src(%dma_wait3A_237 : memref<32x768xf32, #tpu.memory_space<vmem>>) dst(%dma_wait3A_233 : memref<32x768xf32, #tpu.memory_space<hbm>>)
    %dma_start3A_238 = arith.constant 6 : i32
    %dma_start3A_239 = arith.constant 2 : i32
    %dma_start3A_240 = arith.constant 2 : i32
    %dma_start3A_241 = arith.constant 0 : i32
    %dma_start3A_242 = arith.constant 0 : i32
    %dma_start3A_243 = tpu.memref_slice %arg6[%dma_start3A_239, %dma_start3A_241, %dma_start3A_242] : memref<4x32x768xf32, #tpu.memory_space<vmem>> -> memref<1x32x768xf32, #tpu.memory_space<vmem>>
    %dma_start3A_244 = tpu.memref_squeeze %dma_start3A_243 : memref<1x32x768xf32, #tpu.memory_space<vmem>> -> memref<32x768xf32, #tpu.memory_space<vmem>>
    %dma_start3A_245 = arith.constant 0 : i32
    %dma_start3A_246 = tpu.memref_slice %arg5[%dma_start3A_238, %dma_start3A_245] : memref<16x32xi32, #tpu.memory_space<vmem>> -> memref<1x32xi32, #tpu.memory_space<vmem>>
    %dma_start3A_247 = tpu.memref_squeeze %dma_start3A_246 : memref<1x32xi32, #tpu.memory_space<vmem>> -> memref<32xi32, #tpu.memory_space<vmem>>
    %dma_start3A_248 = arith.constant 0 : i32
    %dma_start3A_249 = arith.constant 0 : i32
    %dma_start3A_250 = tpu.memref_slice %arg3[%dma_start3A_248, %dma_start3A_249] : memref<100000x768xf32, #tpu.memory_space<hbm>> -> memref<100000x768xf32, #tpu.memory_space<hbm>>
    %dma_start3A_251 = tpu.memref_slice %arg7[%dma_start3A_240] : memref<4x!tpu.dma_semaphore, #tpu.memory_space<semaphore_mem>> -> memref<1x!tpu.dma_semaphore, #tpu.memory_space<semaphore_mem>>
    %dma_start3A_252 = tpu.memref_squeeze %dma_start3A_251 : memref<1x!tpu.dma_semaphore, #tpu.memory_space<semaphore_mem>> -> memref<!tpu.dma_semaphore, #tpu.memory_space<semaphore_mem>>
    tpu.enqueue_indirect_dma source(%dma_start3A_250 : memref<100000x768xf32, #tpu.memory_space<hbm>>) target(%dma_start3A_244 : memref<32x768xf32, #tpu.memory_space<vmem>>) offsets(%dma_start3A_247 : memref<32xi32, #tpu.memory_space<vmem>>) semaphore(%dma_start3A_252 : memref<!tpu.dma_semaphore, #tpu.memory_space<semaphore_mem>>)
    %dma_wait3A_253 = arith.constant 3 : i32
    %dma_wait3A_254 = arith.constant 3 : i32
    %dma_wait3A_255 = arith.constant 3 : i32
    %dma_wait3A_256 = arith.constant 0 : i32
    %dma_wait3A_257 = arith.constant 0 : i32
    %dma_wait3A_258 = tpu.memref_slice %arg6[%dma_wait3A_254, %dma_wait3A_256, %dma_wait3A_257] : memref<4x32x768xf32, #tpu.memory_space<vmem>> -> memref<1x32x768xf32, #tpu.memory_space<vmem>>
    %dma_wait3A_259 = tpu.memref_squeeze %dma_wait3A_258 : memref<1x32x768xf32, #tpu.memory_space<vmem>> -> memref<32x768xf32, #tpu.memory_space<vmem>>
    %dma_wait3A_260 = arith.constant 0 : i32
    %dma_wait3A_261 = tpu.memref_slice %arg5[%dma_wait3A_253, %dma_wait3A_260] : memref<16x32xi32, #tpu.memory_space<vmem>> -> memref<1x32xi32, #tpu.memory_space<vmem>>
    %dma_wait3A_262 = tpu.memref_squeeze %dma_wait3A_261 : memref<1x32xi32, #tpu.memory_space<vmem>> -> memref<32xi32, #tpu.memory_space<vmem>>
    %dma_wait3A_263 = arith.constant 0 : i32
    %dma_wait3A_264 = arith.constant 0 : i32
    %dma_wait3A_265 = tpu.memref_slice %arg3[%dma_wait3A_263, %dma_wait3A_264] : memref<100000x768xf32, #tpu.memory_space<hbm>> -> memref<100000x768xf32, #tpu.memory_space<hbm>>
    %dma_wait3A_266 = tpu.memref_slice %arg7[%dma_wait3A_255] : memref<4x!tpu.dma_semaphore, #tpu.memory_space<semaphore_mem>> -> memref<1x!tpu.dma_semaphore, #tpu.memory_space<semaphore_mem>>
    %dma_wait3A_267 = tpu.memref_squeeze %dma_wait3A_266 : memref<1x!tpu.dma_semaphore, #tpu.memory_space<semaphore_mem>> -> memref<!tpu.dma_semaphore, #tpu.memory_space<semaphore_mem>>
    tpu.wait_indirect_dma semaphore(%dma_wait3A_267 : memref<!tpu.dma_semaphore, #tpu.memory_space<semaphore_mem>>) src(%dma_wait3A_265 : memref<100000x768xf32, #tpu.memory_space<hbm>>) dst(%dma_wait3A_259 : memref<32x768xf32, #tpu.memory_space<vmem>>)
    %add3A_268 = arith.constant 96 : i32
    %add3A_269 = arith.addi %mul3A_2, %add3A_268 : i32
    %dma_start3A_270 = arith.constant 3 : i32
    %dma_start3A_271 = arith.constant 3 : i32
    %dma_start3A_272 = arith.constant 0 : i32
    %dma_start3A_273 = arith.constant 0 : i32
    %dma_start3A_274 = tpu.memref_slice %arg6[%dma_start3A_270, %dma_start3A_272, %dma_start3A_273] : memref<4x32x768xf32, #tpu.memory_space<vmem>> -> memref<1x32x768xf32, #tpu.memory_space<vmem>>
    %dma_start3A_275 = tpu.memref_squeeze %dma_start3A_274 : memref<1x32x768xf32, #tpu.memory_space<vmem>> -> memref<32x768xf32, #tpu.memory_space<vmem>>
    %dma_start3A_276 = arith.constant 0 : i32
    %dma_start3A_277 = tpu.memref_slice %arg4[%add3A_269, %dma_start3A_276] : memref<16384x768xf32, #tpu.memory_space<hbm>> -> memref<32x768xf32, #tpu.memory_space<hbm>>
    %dma_start3A_278 = tpu.memref_slice %arg7[%dma_start3A_271] : memref<4x!tpu.dma_semaphore, #tpu.memory_space<semaphore_mem>> -> memref<1x!tpu.dma_semaphore, #tpu.memory_space<semaphore_mem>>
    %dma_start3A_279 = tpu.memref_squeeze %dma_start3A_278 : memref<1x!tpu.dma_semaphore, #tpu.memory_space<semaphore_mem>> -> memref<!tpu.dma_semaphore, #tpu.memory_space<semaphore_mem>>
    %dma_start3A_280 = arith.constant 0 : i32
    %dma_start3A_281 = tpu.memref_slice %arg4[%add3A_269, %dma_start3A_280] : memref<16384x768xf32, #tpu.memory_space<hbm>> -> memref<32x768xf32, #tpu.memory_space<hbm>>
    %dma_start3A_282 = arith.constant 0 : i32
    %dma_start3A_283 = arith.constant 0 : i32
    %dma_start3A_284 = tpu.memref_slice %arg6[%dma_start3A_270, %dma_start3A_282, %dma_start3A_283] : memref<4x32x768xf32, #tpu.memory_space<vmem>> -> memref<1x32x768xf32, #tpu.memory_space<vmem>>
    %dma_start3A_285 = tpu.memref_squeeze %dma_start3A_284 : memref<1x32x768xf32, #tpu.memory_space<vmem>> -> memref<32x768xf32, #tpu.memory_space<vmem>>
    tpu.enqueue_dma source(%dma_start3A_285 : memref<32x768xf32, #tpu.memory_space<vmem>>) target(%dma_start3A_281 : memref<32x768xf32, #tpu.memory_space<hbm>>) target_semaphore(%dma_start3A_279 : memref<!tpu.dma_semaphore, #tpu.memory_space<semaphore_mem>>)
    %dma_wait3A_286 = arith.constant 3 : i32
    %dma_wait3A_287 = arith.constant 3 : i32
    %dma_wait3A_288 = arith.constant 0 : i32
    %dma_wait3A_289 = arith.constant 0 : i32
    %dma_wait3A_290 = tpu.memref_slice %arg6[%dma_wait3A_286, %dma_wait3A_288, %dma_wait3A_289] : memref<4x32x768xf32, #tpu.memory_space<vmem>> -> memref<1x32x768xf32, #tpu.memory_space<vmem>>
    %dma_wait3A_291 = tpu.memref_squeeze %dma_wait3A_290 : memref<1x32x768xf32, #tpu.memory_space<vmem>> -> memref<32x768xf32, #tpu.memory_space<vmem>>
    %dma_wait3A_292 = arith.constant 0 : i32
    %dma_wait3A_293 = tpu.memref_slice %arg4[%add3A_269, %dma_wait3A_292] : memref<16384x768xf32, #tpu.memory_space<hbm>> -> memref<32x768xf32, #tpu.memory_space<hbm>>
    %dma_wait3A_294 = tpu.memref_slice %arg7[%dma_wait3A_287] : memref<4x!tpu.dma_semaphore, #tpu.memory_space<semaphore_mem>> -> memref<1x!tpu.dma_semaphore, #tpu.memory_space<semaphore_mem>>
    %dma_wait3A_295 = tpu.memref_squeeze %dma_wait3A_294 : memref<1x!tpu.dma_semaphore, #tpu.memory_space<semaphore_mem>> -> memref<!tpu.dma_semaphore, #tpu.memory_space<semaphore_mem>>
    %dma_wait3A_296 = arith.constant 0 : i32
    %dma_wait3A_297 = tpu.memref_slice %arg4[%add3A_269, %dma_wait3A_296] : memref<16384x768xf32, #tpu.memory_space<hbm>> -> memref<32x768xf32, #tpu.memory_space<hbm>>
    %dma_wait3A_298 = arith.constant 0 : i32
    %dma_wait3A_299 = arith.constant 0 : i32
    %dma_wait3A_300 = tpu.memref_slice %arg6[%dma_wait3A_286, %dma_wait3A_298, %dma_wait3A_299] : memref<4x32x768xf32, #tpu.memory_space<vmem>> -> memref<1x32x768xf32, #tpu.memory_space<vmem>>
    %dma_wait3A_301 = tpu.memref_squeeze %dma_wait3A_300 : memref<1x32x768xf32, #tpu.memory_space<vmem>> -> memref<32x768xf32, #tpu.memory_space<vmem>>
    tpu.wait_dma2 semaphore(%dma_wait3A_295 : memref<!tpu.dma_semaphore, #tpu.memory_space<semaphore_mem>>) src(%dma_wait3A_301 : memref<32x768xf32, #tpu.memory_space<vmem>>) dst(%dma_wait3A_297 : memref<32x768xf32, #tpu.memory_space<hbm>>)
    %dma_start3A_302 = arith.constant 7 : i32
    %dma_start3A_303 = arith.constant 3 : i32
    %dma_start3A_304 = arith.constant 3 : i32
    %dma_start3A_305 = arith.constant 0 : i32
    %dma_start3A_306 = arith.constant 0 : i32
    %dma_start3A_307 = tpu.memref_slice %arg6[%dma_start3A_303, %dma_start3A_305, %dma_start3A_306] : memref<4x32x768xf32, #tpu.memory_space<vmem>> -> memref<1x32x768xf32, #tpu.memory_space<vmem>>
    %dma_start3A_308 = tpu.memref_squeeze %dma_start3A_307 : memref<1x32x768xf32, #tpu.memory_space<vmem>> -> memref<32x768xf32, #tpu.memory_space<vmem>>
    %dma_start3A_309 = arith.constant 0 : i32
    %dma_start3A_310 = tpu.memref_slice %arg5[%dma_start3A_302, %dma_start3A_309] : memref<16x32xi32, #tpu.memory_space<vmem>> -> memref<1x32xi32, #tpu.memory_space<vmem>>
    %dma_start3A_311 = tpu.memref_squeeze %dma_start3A_310 : memref<1x32xi32, #tpu.memory_space<vmem>> -> memref<32xi32, #tpu.memory_space<vmem>>
    %dma_start3A_312 = arith.constant 0 : i32
    %dma_start3A_313 = arith.constant 0 : i32
    %dma_start3A_314 = tpu.memref_slice %arg3[%dma_start3A_312, %dma_start3A_313] : memref<100000x768xf32, #tpu.memory_space<hbm>> -> memref<100000x768xf32, #tpu.memory_space<hbm>>
    %dma_start3A_315 = tpu.memref_slice %arg7[%dma_start3A_304] : memref<4x!tpu.dma_semaphore, #tpu.memory_space<semaphore_mem>> -> memref<1x!tpu.dma_semaphore, #tpu.memory_space<semaphore_mem>>
    %dma_start3A_316 = tpu.memref_squeeze %dma_start3A_315 : memref<1x!tpu.dma_semaphore, #tpu.memory_space<semaphore_mem>> -> memref<!tpu.dma_semaphore, #tpu.memory_space<semaphore_mem>>
    tpu.enqueue_indirect_dma source(%dma_start3A_314 : memref<100000x768xf32, #tpu.memory_space<hbm>>) target(%dma_start3A_308 : memref<32x768xf32, #tpu.memory_space<vmem>>) offsets(%dma_start3A_311 : memref<32xi32, #tpu.memory_space<vmem>>) semaphore(%dma_start3A_316 : memref<!tpu.dma_semaphore, #tpu.memory_space<semaphore_mem>>)
    %dma_wait3A_317 = arith.constant 4 : i32
    %dma_wait3A_318 = arith.constant 0 : i32
    %dma_wait3A_319 = arith.constant 0 : i32
    %dma_wait3A_320 = arith.constant 0 : i32
    %dma_wait3A_321 = arith.constant 0 : i32
    %dma_wait3A_322 = tpu.memref_slice %arg6[%dma_wait3A_318, %dma_wait3A_320, %dma_wait3A_321] : memref<4x32x768xf32, #tpu.memory_space<vmem>> -> memref<1x32x768xf32, #tpu.memory_space<vmem>>
    %dma_wait3A_323 = tpu.memref_squeeze %dma_wait3A_322 : memref<1x32x768xf32, #tpu.memory_space<vmem>> -> memref<32x768xf32, #tpu.memory_space<vmem>>
    %dma_wait3A_324 = arith.constant 0 : i32
    %dma_wait3A_325 = tpu.memref_slice %arg5[%dma_wait3A_317, %dma_wait3A_324] : memref<16x32xi32, #tpu.memory_space<vmem>> -> memref<1x32xi32, #tpu.memory_space<vmem>>
    %dma_wait3A_326 = tpu.memref_squeeze %dma_wait3A_325 : memref<1x32xi32, #tpu.memory_space<vmem>> -> memref<32xi32, #tpu.memory_space<vmem>>
    %dma_wait3A_327 = arith.constant 0 : i32
    %dma_wait3A_328 = arith.constant 0 : i32
    %dma_wait3A_329 = tpu.memref_slice %arg3[%dma_wait3A_327, %dma_wait3A_328] : memref<100000x768xf32, #tpu.memory_space<hbm>> -> memref<100000x768xf32, #tpu.memory_space<hbm>>
    %dma_wait3A_330 = tpu.memref_slice %arg7[%dma_wait3A_319] : memref<4x!tpu.dma_semaphore, #tpu.memory_space<semaphore_mem>> -> memref<1x!tpu.dma_semaphore, #tpu.memory_space<semaphore_mem>>
    %dma_wait3A_331 = tpu.memref_squeeze %dma_wait3A_330 : memref<1x!tpu.dma_semaphore, #tpu.memory_space<semaphore_mem>> -> memref<!tpu.dma_semaphore, #tpu.memory_space<semaphore_mem>>
    tpu.wait_indirect_dma semaphore(%dma_wait3A_331 : memref<!tpu.dma_semaphore, #tpu.memory_space<semaphore_mem>>) src(%dma_wait3A_329 : memref<100000x768xf32, #tpu.memory_space<hbm>>) dst(%dma_wait3A_323 : memref<32x768xf32, #tpu.memory_space<vmem>>)
    %add3A_332 = arith.constant 128 : i32
    %add3A_333 = arith.addi %mul3A_2, %add3A_332 : i32
    %dma_start3A_334 = arith.constant 0 : i32
    %dma_start3A_335 = arith.constant 0 : i32
    %dma_start3A_336 = arith.constant 0 : i32
    %dma_start3A_337 = arith.constant 0 : i32
    %dma_start3A_338 = tpu.memref_slice %arg6[%dma_start3A_334, %dma_start3A_336, %dma_start3A_337] : memref<4x32x768xf32, #tpu.memory_space<vmem>> -> memref<1x32x768xf32, #tpu.memory_space<vmem>>
    %dma_start3A_339 = tpu.memref_squeeze %dma_start3A_338 : memref<1x32x768xf32, #tpu.memory_space<vmem>> -> memref<32x768xf32, #tpu.memory_space<vmem>>
    %dma_start3A_340 = arith.constant 0 : i32
    %dma_start3A_341 = tpu.memref_slice %arg4[%add3A_333, %dma_start3A_340] : memref<16384x768xf32, #tpu.memory_space<hbm>> -> memref<32x768xf32, #tpu.memory_space<hbm>>
    %dma_start3A_342 = tpu.memref_slice %arg7[%dma_start3A_335] : memref<4x!tpu.dma_semaphore, #tpu.memory_space<semaphore_mem>> -> memref<1x!tpu.dma_semaphore, #tpu.memory_space<semaphore_mem>>
    %dma_start3A_343 = tpu.memref_squeeze %dma_start3A_342 : memref<1x!tpu.dma_semaphore, #tpu.memory_space<semaphore_mem>> -> memref<!tpu.dma_semaphore, #tpu.memory_space<semaphore_mem>>
    %dma_start3A_344 = arith.constant 0 : i32
    %dma_start3A_345 = tpu.memref_slice %arg4[%add3A_333, %dma_start3A_344] : memref<16384x768xf32, #tpu.memory_space<hbm>> -> memref<32x768xf32, #tpu.memory_space<hbm>>
    %dma_start3A_346 = arith.constant 0 : i32
    %dma_start3A_347 = arith.constant 0 : i32
    %dma_start3A_348 = tpu.memref_slice %arg6[%dma_start3A_334, %dma_start3A_346, %dma_start3A_347] : memref<4x32x768xf32, #tpu.memory_space<vmem>> -> memref<1x32x768xf32, #tpu.memory_space<vmem>>
    %dma_start3A_349 = tpu.memref_squeeze %dma_start3A_348 : memref<1x32x768xf32, #tpu.memory_space<vmem>> -> memref<32x768xf32, #tpu.memory_space<vmem>>
    tpu.enqueue_dma source(%dma_start3A_349 : memref<32x768xf32, #tpu.memory_space<vmem>>) target(%dma_start3A_345 : memref<32x768xf32, #tpu.memory_space<hbm>>) target_semaphore(%dma_start3A_343 : memref<!tpu.dma_semaphore, #tpu.memory_space<semaphore_mem>>)
    %dma_wait3A_350 = arith.constant 0 : i32
    %dma_wait3A_351 = arith.constant 0 : i32
    %dma_wait3A_352 = arith.constant 0 : i32
    %dma_wait3A_353 = arith.constant 0 : i32
    %dma_wait3A_354 = tpu.memref_slice %arg6[%dma_wait3A_350, %dma_wait3A_352, %dma_wait3A_353] : memref<4x32x768xf32, #tpu.memory_space<vmem>> -> memref<1x32x768xf32, #tpu.memory_space<vmem>>
    %dma_wait3A_355 = tpu.memref_squeeze %dma_wait3A_354 : memref<1x32x768xf32, #tpu.memory_space<vmem>> -> memref<32x768xf32, #tpu.memory_space<vmem>>
    %dma_wait3A_356 = arith.constant 0 : i32
    %dma_wait3A_357 = tpu.memref_slice %arg4[%add3A_333, %dma_wait3A_356] : memref<16384x768xf32, #tpu.memory_space<hbm>> -> memref<32x768xf32, #tpu.memory_space<hbm>>
    %dma_wait3A_358 = tpu.memref_slice %arg7[%dma_wait3A_351] : memref<4x!tpu.dma_semaphore, #tpu.memory_space<semaphore_mem>> -> memref<1x!tpu.dma_semaphore, #tpu.memory_space<semaphore_mem>>
    %dma_wait3A_359 = tpu.memref_squeeze %dma_wait3A_358 : memref<1x!tpu.dma_semaphore, #tpu.memory_space<semaphore_mem>> -> memref<!tpu.dma_semaphore, #tpu.memory_space<semaphore_mem>>
    %dma_wait3A_360 = arith.constant 0 : i32
    %dma_wait3A_361 = tpu.memref_slice %arg4[%add3A_333, %dma_wait3A_360] : memref<16384x768xf32, #tpu.memory_space<hbm>> -> memref<32x768xf32, #tpu.memory_space<hbm>>
    %dma_wait3A_362 = arith.constant 0 : i32
    %dma_wait3A_363 = arith.constant 0 : i32
    %dma_wait3A_364 = tpu.memref_slice %arg6[%dma_wait3A_350, %dma_wait3A_362, %dma_wait3A_363] : memref<4x32x768xf32, #tpu.memory_space<vmem>> -> memref<1x32x768xf32, #tpu.memory_space<vmem>>
    %dma_wait3A_365 = tpu.memref_squeeze %dma_wait3A_364 : memref<1x32x768xf32, #tpu.memory_space<vmem>> -> memref<32x768xf32, #tpu.memory_space<vmem>>
    tpu.wait_dma2 semaphore(%dma_wait3A_359 : memref<!tpu.dma_semaphore, #tpu.memory_space<semaphore_mem>>) src(%dma_wait3A_365 : memref<32x768xf32, #tpu.memory_space<vmem>>) dst(%dma_wait3A_361 : memref<32x768xf32, #tpu.memory_space<hbm>>)
    %dma_start3A_366 = arith.constant 8 : i32
    %dma_start3A_367 = arith.constant 0 : i32
    %dma_start3A_368 = arith.constant 0 : i32
    %dma_start3A_369 = arith.constant 0 : i32
    %dma_start3A_370 = arith.constant 0 : i32
    %dma_start3A_371 = tpu.memref_slice %arg6[%dma_start3A_367, %dma_start3A_369, %dma_start3A_370] : memref<4x32x768xf32, #tpu.memory_space<vmem>> -> memref<1x32x768xf32, #tpu.memory_space<vmem>>
    %dma_start3A_372 = tpu.memref_squeeze %dma_start3A_371 : memref<1x32x768xf32, #tpu.memory_space<vmem>> -> memref<32x768xf32, #tpu.memory_space<vmem>>
    %dma_start3A_373 = arith.constant 0 : i32
    %dma_start3A_374 = tpu.memref_slice %arg5[%dma_start3A_366, %dma_start3A_373] : memref<16x32xi32, #tpu.memory_space<vmem>> -> memref<1x32xi32, #tpu.memory_space<vmem>>
    %dma_start3A_375 = tpu.memref_squeeze %dma_start3A_374 : memref<1x32xi32, #tpu.memory_space<vmem>> -> memref<32xi32, #tpu.memory_space<vmem>>
    %dma_start3A_376 = arith.constant 0 : i32
    %dma_start3A_377 = arith.constant 0 : i32
    %dma_start3A_378 = tpu.memref_slice %arg3[%dma_start3A_376, %dma_start3A_377] : memref<100000x768xf32, #tpu.memory_space<hbm>> -> memref<100000x768xf32, #tpu.memory_space<hbm>>
    %dma_start3A_379 = tpu.memref_slice %arg7[%dma_start3A_368] : memref<4x!tpu.dma_semaphore, #tpu.memory_space<semaphore_mem>> -> memref<1x!tpu.dma_semaphore, #tpu.memory_space<semaphore_mem>>
    %dma_start3A_380 = tpu.memref_squeeze %dma_start3A_379 : memref<1x!tpu.dma_semaphore, #tpu.memory_space<semaphore_mem>> -> memref<!tpu.dma_semaphore, #tpu.memory_space<semaphore_mem>>
    tpu.enqueue_indirect_dma source(%dma_start3A_378 : memref<100000x768xf32, #tpu.memory_space<hbm>>) target(%dma_start3A_372 : memref<32x768xf32, #tpu.memory_space<vmem>>) offsets(%dma_start3A_375 : memref<32xi32, #tpu.memory_space<vmem>>) semaphore(%dma_start3A_380 : memref<!tpu.dma_semaphore, #tpu.memory_space<semaphore_mem>>)
    %dma_wait3A_381 = arith.constant 5 : i32
    %dma_wait3A_382 = arith.constant 1 : i32
    %dma_wait3A_383 = arith.constant 1 : i32
    %dma_wait3A_384 = arith.constant 0 : i32
    %dma_wait3A_385 = arith.constant 0 : i32
    %dma_wait3A_386 = tpu.memref_slice %arg6[%dma_wait3A_382, %dma_wait3A_384, %dma_wait3A_385] : memref<4x32x768xf32, #tpu.memory_space<vmem>> -> memref<1x32x768xf32, #tpu.memory_space<vmem>>
    %dma_wait3A_387 = tpu.memref_squeeze %dma_wait3A_386 : memref<1x32x768xf32, #tpu.memory_space<vmem>> -> memref<32x768xf32, #tpu.memory_space<vmem>>
    %dma_wait3A_388 = arith.constant 0 : i32
    %dma_wait3A_389 = tpu.memref_slice %arg5[%dma_wait3A_381, %dma_wait3A_388] : memref<16x32xi32, #tpu.memory_space<vmem>> -> memref<1x32xi32, #tpu.memory_space<vmem>>
    %dma_wait3A_390 = tpu.memref_squeeze %dma_wait3A_389 : memref<1x32xi32, #tpu.memory_space<vmem>> -> memref<32xi32, #tpu.memory_space<vmem>>
    %dma_wait3A_391 = arith.constant 0 : i32
    %dma_wait3A_392 = arith.constant 0 : i32
    %dma_wait3A_393 = tpu.memref_slice %arg3[%dma_wait3A_391, %dma_wait3A_392] : memref<100000x768xf32, #tpu.memory_space<hbm>> -> memref<100000x768xf32, #tpu.memory_space<hbm>>
    %dma_wait3A_394 = tpu.memref_slice %arg7[%dma_wait3A_383] : memref<4x!tpu.dma_semaphore, #tpu.memory_space<semaphore_mem>> -> memref<1x!tpu.dma_semaphore, #tpu.memory_space<semaphore_mem>>
    %dma_wait3A_395 = tpu.memref_squeeze %dma_wait3A_394 : memref<1x!tpu.dma_semaphore, #tpu.memory_space<semaphore_mem>> -> memref<!tpu.dma_semaphore, #tpu.memory_space<semaphore_mem>>
    tpu.wait_indirect_dma semaphore(%dma_wait3A_395 : memref<!tpu.dma_semaphore, #tpu.memory_space<semaphore_mem>>) src(%dma_wait3A_393 : memref<100000x768xf32, #tpu.memory_space<hbm>>) dst(%dma_wait3A_387 : memref<32x768xf32, #tpu.memory_space<vmem>>)
    %add3A_396 = arith.constant 160 : i32
    %add3A_397 = arith.addi %mul3A_2, %add3A_396 : i32
    %dma_start3A_398 = arith.constant 1 : i32
    %dma_start3A_399 = arith.constant 1 : i32
    %dma_start3A_400 = arith.constant 0 : i32
    %dma_start3A_401 = arith.constant 0 : i32
    %dma_start3A_402 = tpu.memref_slice %arg6[%dma_start3A_398, %dma_start3A_400, %dma_start3A_401] : memref<4x32x768xf32, #tpu.memory_space<vmem>> -> memref<1x32x768xf32, #tpu.memory_space<vmem>>
    %dma_start3A_403 = tpu.memref_squeeze %dma_start3A_402 : memref<1x32x768xf32, #tpu.memory_space<vmem>> -> memref<32x768xf32, #tpu.memory_space<vmem>>
    %dma_start3A_404 = arith.constant 0 : i32
    %dma_start3A_405 = tpu.memref_slice %arg4[%add3A_397, %dma_start3A_404] : memref<16384x768xf32, #tpu.memory_space<hbm>> -> memref<32x768xf32, #tpu.memory_space<hbm>>
    %dma_start3A_406 = tpu.memref_slice %arg7[%dma_start3A_399] : memref<4x!tpu.dma_semaphore, #tpu.memory_space<semaphore_mem>> -> memref<1x!tpu.dma_semaphore, #tpu.memory_space<semaphore_mem>>
    %dma_start3A_407 = tpu.memref_squeeze %dma_start3A_406 : memref<1x!tpu.dma_semaphore, #tpu.memory_space<semaphore_mem>> -> memref<!tpu.dma_semaphore, #tpu.memory_space<semaphore_mem>>
    %dma_start3A_408 = arith.constant 0 : i32
    %dma_start3A_409 = tpu.memref_slice %arg4[%add3A_397, %dma_start3A_408] : memref<16384x768xf32, #tpu.memory_space<hbm>> -> memref<32x768xf32, #tpu.memory_space<hbm>>
    %dma_start3A_410 = arith.constant 0 : i32
    %dma_start3A_411 = arith.constant 0 : i32
    %dma_start3A_412 = tpu.memref_slice %arg6[%dma_start3A_398, %dma_start3A_410, %dma_start3A_411] : memref<4x32x768xf32, #tpu.memory_space<vmem>> -> memref<1x32x768xf32, #tpu.memory_space<vmem>>
    %dma_start3A_413 = tpu.memref_squeeze %dma_start3A_412 : memref<1x32x768xf32, #tpu.memory_space<vmem>> -> memref<32x768xf32, #tpu.memory_space<vmem>>
    tpu.enqueue_dma source(%dma_start3A_413 : memref<32x768xf32, #tpu.memory_space<vmem>>) target(%dma_start3A_409 : memref<32x768xf32, #tpu.memory_space<hbm>>) target_semaphore(%dma_start3A_407 : memref<!tpu.dma_semaphore, #tpu.memory_space<semaphore_mem>>)
    %dma_wait3A_414 = arith.constant 1 : i32
    %dma_wait3A_415 = arith.constant 1 : i32
    %dma_wait3A_416 = arith.constant 0 : i32
    %dma_wait3A_417 = arith.constant 0 : i32
    %dma_wait3A_418 = tpu.memref_slice %arg6[%dma_wait3A_414, %dma_wait3A_416, %dma_wait3A_417] : memref<4x32x768xf32, #tpu.memory_space<vmem>> -> memref<1x32x768xf32, #tpu.memory_space<vmem>>
    %dma_wait3A_419 = tpu.memref_squeeze %dma_wait3A_418 : memref<1x32x768xf32, #tpu.memory_space<vmem>> -> memref<32x768xf32, #tpu.memory_space<vmem>>
    %dma_wait3A_420 = arith.constant 0 : i32
    %dma_wait3A_421 = tpu.memref_slice %arg4[%add3A_397, %dma_wait3A_420] : memref<16384x768xf32, #tpu.memory_space<hbm>> -> memref<32x768xf32, #tpu.memory_space<hbm>>
    %dma_wait3A_422 = tpu.memref_slice %arg7[%dma_wait3A_415] : memref<4x!tpu.dma_semaphore, #tpu.memory_space<semaphore_mem>> -> memref<1x!tpu.dma_semaphore, #tpu.memory_space<semaphore_mem>>
    %dma_wait3A_423 = tpu.memref_squeeze %dma_wait3A_422 : memref<1x!tpu.dma_semaphore, #tpu.memory_space<semaphore_mem>> -> memref<!tpu.dma_semaphore, #tpu.memory_space<semaphore_mem>>
    %dma_wait3A_424 = arith.constant 0 : i32
    %dma_wait3A_425 = tpu.memref_slice %arg4[%add3A_397, %dma_wait3A_424] : memref<16384x768xf32, #tpu.memory_space<hbm>> -> memref<32x768xf32, #tpu.memory_space<hbm>>
    %dma_wait3A_426 = arith.constant 0 : i32
    %dma_wait3A_427 = arith.constant 0 : i32
    %dma_wait3A_428 = tpu.memref_slice %arg6[%dma_wait3A_414, %dma_wait3A_426, %dma_wait3A_427] : memref<4x32x768xf32, #tpu.memory_space<vmem>> -> memref<1x32x768xf32, #tpu.memory_space<vmem>>
    %dma_wait3A_429 = tpu.memref_squeeze %dma_wait3A_428 : memref<1x32x768xf32, #tpu.memory_space<vmem>> -> memref<32x768xf32, #tpu.memory_space<vmem>>
    tpu.wait_dma2 semaphore(%dma_wait3A_423 : memref<!tpu.dma_semaphore, #tpu.memory_space<semaphore_mem>>) src(%dma_wait3A_429 : memref<32x768xf32, #tpu.memory_space<vmem>>) dst(%dma_wait3A_425 : memref<32x768xf32, #tpu.memory_space<hbm>>)
    %dma_start3A_430 = arith.constant 9 : i32
    %dma_start3A_431 = arith.constant 1 : i32
    %dma_start3A_432 = arith.constant 1 : i32
    %dma_start3A_433 = arith.constant 0 : i32
    %dma_start3A_434 = arith.constant 0 : i32
    %dma_start3A_435 = tpu.memref_slice %arg6[%dma_start3A_431, %dma_start3A_433, %dma_start3A_434] : memref<4x32x768xf32, #tpu.memory_space<vmem>> -> memref<1x32x768xf32, #tpu.memory_space<vmem>>
    %dma_start3A_436 = tpu.memref_squeeze %dma_start3A_435 : memref<1x32x768xf32, #tpu.memory_space<vmem>> -> memref<32x768xf32, #tpu.memory_space<vmem>>
    %dma_start3A_437 = arith.constant 0 : i32
    %dma_start3A_438 = tpu.memref_slice %arg5[%dma_start3A_430, %dma_start3A_437] : memref<16x32xi32, #tpu.memory_space<vmem>> -> memref<1x32xi32, #tpu.memory_space<vmem>>
    %dma_start3A_439 = tpu.memref_squeeze %dma_start3A_438 : memref<1x32xi32, #tpu.memory_space<vmem>> -> memref<32xi32, #tpu.memory_space<vmem>>
    %dma_start3A_440 = arith.constant 0 : i32
    %dma_start3A_441 = arith.constant 0 : i32
    %dma_start3A_442 = tpu.memref_slice %arg3[%dma_start3A_440, %dma_start3A_441] : memref<100000x768xf32, #tpu.memory_space<hbm>> -> memref<100000x768xf32, #tpu.memory_space<hbm>>
    %dma_start3A_443 = tpu.memref_slice %arg7[%dma_start3A_432] : memref<4x!tpu.dma_semaphore, #tpu.memory_space<semaphore_mem>> -> memref<1x!tpu.dma_semaphore, #tpu.memory_space<semaphore_mem>>
    %dma_start3A_444 = tpu.memref_squeeze %dma_start3A_443 : memref<1x!tpu.dma_semaphore, #tpu.memory_space<semaphore_mem>> -> memref<!tpu.dma_semaphore, #tpu.memory_space<semaphore_mem>>
    tpu.enqueue_indirect_dma source(%dma_start3A_442 : memref<100000x768xf32, #tpu.memory_space<hbm>>) target(%dma_start3A_436 : memref<32x768xf32, #tpu.memory_space<vmem>>) offsets(%dma_start3A_439 : memref<32xi32, #tpu.memory_space<vmem>>) semaphore(%dma_start3A_444 : memref<!tpu.dma_semaphore, #tpu.memory_space<semaphore_mem>>)
    %dma_wait3A_445 = arith.constant 6 : i32
    %dma_wait3A_446 = arith.constant 2 : i32
    %dma_wait3A_447 = arith.constant 2 : i32
    %dma_wait3A_448 = arith.constant 0 : i32
    %dma_wait3A_449 = arith.constant 0 : i32
    %dma_wait3A_450 = tpu.memref_slice %arg6[%dma_wait3A_446, %dma_wait3A_448, %dma_wait3A_449] : memref<4x32x768xf32, #tpu.memory_space<vmem>> -> memref<1x32x768xf32, #tpu.memory_space<vmem>>
    %dma_wait3A_451 = tpu.memref_squeeze %dma_wait3A_450 : memref<1x32x768xf32, #tpu.memory_space<vmem>> -> memref<32x768xf32, #tpu.memory_space<vmem>>
    %dma_wait3A_452 = arith.constant 0 : i32
    %dma_wait3A_453 = tpu.memref_slice %arg5[%dma_wait3A_445, %dma_wait3A_452] : memref<16x32xi32, #tpu.memory_space<vmem>> -> memref<1x32xi32, #tpu.memory_space<vmem>>
    %dma_wait3A_454 = tpu.memref_squeeze %dma_wait3A_453 : memref<1x32xi32, #tpu.memory_space<vmem>> -> memref<32xi32, #tpu.memory_space<vmem>>
    %dma_wait3A_455 = arith.constant 0 : i32
    %dma_wait3A_456 = arith.constant 0 : i32
    %dma_wait3A_457 = tpu.memref_slice %arg3[%dma_wait3A_455, %dma_wait3A_456] : memref<100000x768xf32, #tpu.memory_space<hbm>> -> memref<100000x768xf32, #tpu.memory_space<hbm>>
    %dma_wait3A_458 = tpu.memref_slice %arg7[%dma_wait3A_447] : memref<4x!tpu.dma_semaphore, #tpu.memory_space<semaphore_mem>> -> memref<1x!tpu.dma_semaphore, #tpu.memory_space<semaphore_mem>>
    %dma_wait3A_459 = tpu.memref_squeeze %dma_wait3A_458 : memref<1x!tpu.dma_semaphore, #tpu.memory_space<semaphore_mem>> -> memref<!tpu.dma_semaphore, #tpu.memory_space<semaphore_mem>>
    tpu.wait_indirect_dma semaphore(%dma_wait3A_459 : memref<!tpu.dma_semaphore, #tpu.memory_space<semaphore_mem>>) src(%dma_wait3A_457 : memref<100000x768xf32, #tpu.memory_space<hbm>>) dst(%dma_wait3A_451 : memref<32x768xf32, #tpu.memory_space<vmem>>)
    %add3A_460 = arith.constant 192 : i32
    %add3A_461 = arith.addi %mul3A_2, %add3A_460 : i32
    %dma_start3A_462 = arith.constant 2 : i32
    %dma_start3A_463 = arith.constant 2 : i32
    %dma_start3A_464 = arith.constant 0 : i32
    %dma_start3A_465 = arith.constant 0 : i32
    %dma_start3A_466 = tpu.memref_slice %arg6[%dma_start3A_462, %dma_start3A_464, %dma_start3A_465] : memref<4x32x768xf32, #tpu.memory_space<vmem>> -> memref<1x32x768xf32, #tpu.memory_space<vmem>>
    %dma_start3A_467 = tpu.memref_squeeze %dma_start3A_466 : memref<1x32x768xf32, #tpu.memory_space<vmem>> -> memref<32x768xf32, #tpu.memory_space<vmem>>
    %dma_start3A_468 = arith.constant 0 : i32
    %dma_start3A_469 = tpu.memref_slice %arg4[%add3A_461, %dma_start3A_468] : memref<16384x768xf32, #tpu.memory_space<hbm>> -> memref<32x768xf32, #tpu.memory_space<hbm>>
    %dma_start3A_470 = tpu.memref_slice %arg7[%dma_start3A_463] : memref<4x!tpu.dma_semaphore, #tpu.memory_space<semaphore_mem>> -> memref<1x!tpu.dma_semaphore, #tpu.memory_space<semaphore_mem>>
    %dma_start3A_471 = tpu.memref_squeeze %dma_start3A_470 : memref<1x!tpu.dma_semaphore, #tpu.memory_space<semaphore_mem>> -> memref<!tpu.dma_semaphore, #tpu.memory_space<semaphore_mem>>
    %dma_start3A_472 = arith.constant 0 : i32
    %dma_start3A_473 = tpu.memref_slice %arg4[%add3A_461, %dma_start3A_472] : memref<16384x768xf32, #tpu.memory_space<hbm>> -> memref<32x768xf32, #tpu.memory_space<hbm>>
    %dma_start3A_474 = arith.constant 0 : i32
    %dma_start3A_475 = arith.constant 0 : i32
    %dma_start3A_476 = tpu.memref_slice %arg6[%dma_start3A_462, %dma_start3A_474, %dma_start3A_475] : memref<4x32x768xf32, #tpu.memory_space<vmem>> -> memref<1x32x768xf32, #tpu.memory_space<vmem>>
    %dma_start3A_477 = tpu.memref_squeeze %dma_start3A_476 : memref<1x32x768xf32, #tpu.memory_space<vmem>> -> memref<32x768xf32, #tpu.memory_space<vmem>>
    tpu.enqueue_dma source(%dma_start3A_477 : memref<32x768xf32, #tpu.memory_space<vmem>>) target(%dma_start3A_473 : memref<32x768xf32, #tpu.memory_space<hbm>>) target_semaphore(%dma_start3A_471 : memref<!tpu.dma_semaphore, #tpu.memory_space<semaphore_mem>>)
    %dma_wait3A_478 = arith.constant 2 : i32
    %dma_wait3A_479 = arith.constant 2 : i32
    %dma_wait3A_480 = arith.constant 0 : i32
    %dma_wait3A_481 = arith.constant 0 : i32
    %dma_wait3A_482 = tpu.memref_slice %arg6[%dma_wait3A_478, %dma_wait3A_480, %dma_wait3A_481] : memref<4x32x768xf32, #tpu.memory_space<vmem>> -> memref<1x32x768xf32, #tpu.memory_space<vmem>>
    %dma_wait3A_483 = tpu.memref_squeeze %dma_wait3A_482 : memref<1x32x768xf32, #tpu.memory_space<vmem>> -> memref<32x768xf32, #tpu.memory_space<vmem>>
    %dma_wait3A_484 = arith.constant 0 : i32
    %dma_wait3A_485 = tpu.memref_slice %arg4[%add3A_461, %dma_wait3A_484] : memref<16384x768xf32, #tpu.memory_space<hbm>> -> memref<32x768xf32, #tpu.memory_space<hbm>>
    %dma_wait3A_486 = tpu.memref_slice %arg7[%dma_wait3A_479] : memref<4x!tpu.dma_semaphore, #tpu.memory_space<semaphore_mem>> -> memref<1x!tpu.dma_semaphore, #tpu.memory_space<semaphore_mem>>
    %dma_wait3A_487 = tpu.memref_squeeze %dma_wait3A_486 : memref<1x!tpu.dma_semaphore, #tpu.memory_space<semaphore_mem>> -> memref<!tpu.dma_semaphore, #tpu.memory_space<semaphore_mem>>
    %dma_wait3A_488 = arith.constant 0 : i32
    %dma_wait3A_489 = tpu.memref_slice %arg4[%add3A_461, %dma_wait3A_488] : memref<16384x768xf32, #tpu.memory_space<hbm>> -> memref<32x768xf32, #tpu.memory_space<hbm>>
    %dma_wait3A_490 = arith.constant 0 : i32
    %dma_wait3A_491 = arith.constant 0 : i32
    %dma_wait3A_492 = tpu.memref_slice %arg6[%dma_wait3A_478, %dma_wait3A_490, %dma_wait3A_491] : memref<4x32x768xf32, #tpu.memory_space<vmem>> -> memref<1x32x768xf32, #tpu.memory_space<vmem>>
    %dma_wait3A_493 = tpu.memref_squeeze %dma_wait3A_492 : memref<1x32x768xf32, #tpu.memory_space<vmem>> -> memref<32x768xf32, #tpu.memory_space<vmem>>
    tpu.wait_dma2 semaphore(%dma_wait3A_487 : memref<!tpu.dma_semaphore, #tpu.memory_space<semaphore_mem>>) src(%dma_wait3A_493 : memref<32x768xf32, #tpu.memory_space<vmem>>) dst(%dma_wait3A_489 : memref<32x768xf32, #tpu.memory_space<hbm>>)
    %dma_start3A_494 = arith.constant 10 : i32
    %dma_start3A_495 = arith.constant 2 : i32
    %dma_start3A_496 = arith.constant 2 : i32
    %dma_start3A_497 = arith.constant 0 : i32
    %dma_start3A_498 = arith.constant 0 : i32
    %dma_start3A_499 = tpu.memref_slice %arg6[%dma_start3A_495, %dma_start3A_497, %dma_start3A_498] : memref<4x32x768xf32, #tpu.memory_space<vmem>> -> memref<1x32x768xf32, #tpu.memory_space<vmem>>
    %dma_start3A_500 = tpu.memref_squeeze %dma_start3A_499 : memref<1x32x768xf32, #tpu.memory_space<vmem>> -> memref<32x768xf32, #tpu.memory_space<vmem>>
    %dma_start3A_501 = arith.constant 0 : i32
    %dma_start3A_502 = tpu.memref_slice %arg5[%dma_start3A_494, %dma_start3A_501] : memref<16x32xi32, #tpu.memory_space<vmem>> -> memref<1x32xi32, #tpu.memory_space<vmem>>
    %dma_start3A_503 = tpu.memref_squeeze %dma_start3A_502 : memref<1x32xi32, #tpu.memory_space<vmem>> -> memref<32xi32, #tpu.memory_space<vmem>>
    %dma_start3A_504 = arith.constant 0 : i32
    %dma_start3A_505 = arith.constant 0 : i32
    %dma_start3A_506 = tpu.memref_slice %arg3[%dma_start3A_504, %dma_start3A_505] : memref<100000x768xf32, #tpu.memory_space<hbm>> -> memref<100000x768xf32, #tpu.memory_space<hbm>>
    %dma_start3A_507 = tpu.memref_slice %arg7[%dma_start3A_496] : memref<4x!tpu.dma_semaphore, #tpu.memory_space<semaphore_mem>> -> memref<1x!tpu.dma_semaphore, #tpu.memory_space<semaphore_mem>>
    %dma_start3A_508 = tpu.memref_squeeze %dma_start3A_507 : memref<1x!tpu.dma_semaphore, #tpu.memory_space<semaphore_mem>> -> memref<!tpu.dma_semaphore, #tpu.memory_space<semaphore_mem>>
    tpu.enqueue_indirect_dma source(%dma_start3A_506 : memref<100000x768xf32, #tpu.memory_space<hbm>>) target(%dma_start3A_500 : memref<32x768xf32, #tpu.memory_space<vmem>>) offsets(%dma_start3A_503 : memref<32xi32, #tpu.memory_space<vmem>>) semaphore(%dma_start3A_508 : memref<!tpu.dma_semaphore, #tpu.memory_space<semaphore_mem>>)
    %dma_wait3A_509 = arith.constant 7 : i32
    %dma_wait3A_510 = arith.constant 3 : i32
    %dma_wait3A_511 = arith.constant 3 : i32
    %dma_wait3A_512 = arith.constant 0 : i32
    %dma_wait3A_513 = arith.constant 0 : i32
    %dma_wait3A_514 = tpu.memref_slice %arg6[%dma_wait3A_510, %dma_wait3A_512, %dma_wait3A_513] : memref<4x32x768xf32, #tpu.memory_space<vmem>> -> memref<1x32x768xf32, #tpu.memory_space<vmem>>
    %dma_wait3A_515 = tpu.memref_squeeze %dma_wait3A_514 : memref<1x32x768xf32, #tpu.memory_space<vmem>> -> memref<32x768xf32, #tpu.memory_space<vmem>>
    %dma_wait3A_516 = arith.constant 0 : i32
    %dma_wait3A_517 = tpu.memref_slice %arg5[%dma_wait3A_509, %dma_wait3A_516] : memref<16x32xi32, #tpu.memory_space<vmem>> -> memref<1x32xi32, #tpu.memory_space<vmem>>
    %dma_wait3A_518 = tpu.memref_squeeze %dma_wait3A_517 : memref<1x32xi32, #tpu.memory_space<vmem>> -> memref<32xi32, #tpu.memory_space<vmem>>
    %dma_wait3A_519 = arith.constant 0 : i32
    %dma_wait3A_520 = arith.constant 0 : i32
    %dma_wait3A_521 = tpu.memref_slice %arg3[%dma_wait3A_519, %dma_wait3A_520] : memref<100000x768xf32, #tpu.memory_space<hbm>> -> memref<100000x768xf32, #tpu.memory_space<hbm>>
    %dma_wait3A_522 = tpu.memref_slice %arg7[%dma_wait3A_511] : memref<4x!tpu.dma_semaphore, #tpu.memory_space<semaphore_mem>> -> memref<1x!tpu.dma_semaphore, #tpu.memory_space<semaphore_mem>>
    %dma_wait3A_523 = tpu.memref_squeeze %dma_wait3A_522 : memref<1x!tpu.dma_semaphore, #tpu.memory_space<semaphore_mem>> -> memref<!tpu.dma_semaphore, #tpu.memory_space<semaphore_mem>>
    tpu.wait_indirect_dma semaphore(%dma_wait3A_523 : memref<!tpu.dma_semaphore, #tpu.memory_space<semaphore_mem>>) src(%dma_wait3A_521 : memref<100000x768xf32, #tpu.memory_space<hbm>>) dst(%dma_wait3A_515 : memref<32x768xf32, #tpu.memory_space<vmem>>)
    %add3A_524 = arith.constant 224 : i32
    %add3A_525 = arith.addi %mul3A_2, %add3A_524 : i32
    %dma_start3A_526 = arith.constant 3 : i32
    %dma_start3A_527 = arith.constant 3 : i32
    %dma_start3A_528 = arith.constant 0 : i32
    %dma_start3A_529 = arith.constant 0 : i32
    %dma_start3A_530 = tpu.memref_slice %arg6[%dma_start3A_526, %dma_start3A_528, %dma_start3A_529] : memref<4x32x768xf32, #tpu.memory_space<vmem>> -> memref<1x32x768xf32, #tpu.memory_space<vmem>>
    %dma_start3A_531 = tpu.memref_squeeze %dma_start3A_530 : memref<1x32x768xf32, #tpu.memory_space<vmem>> -> memref<32x768xf32, #tpu.memory_space<vmem>>
    %dma_start3A_532 = arith.constant 0 : i32
    %dma_start3A_533 = tpu.memref_slice %arg4[%add3A_525, %dma_start3A_532] : memref<16384x768xf32, #tpu.memory_space<hbm>> -> memref<32x768xf32, #tpu.memory_space<hbm>>
    %dma_start3A_534 = tpu.memref_slice %arg7[%dma_start3A_527] : memref<4x!tpu.dma_semaphore, #tpu.memory_space<semaphore_mem>> -> memref<1x!tpu.dma_semaphore, #tpu.memory_space<semaphore_mem>>
    %dma_start3A_535 = tpu.memref_squeeze %dma_start3A_534 : memref<1x!tpu.dma_semaphore, #tpu.memory_space<semaphore_mem>> -> memref<!tpu.dma_semaphore, #tpu.memory_space<semaphore_mem>>
    %dma_start3A_536 = arith.constant 0 : i32
    %dma_start3A_537 = tpu.memref_slice %arg4[%add3A_525, %dma_start3A_536] : memref<16384x768xf32, #tpu.memory_space<hbm>> -> memref<32x768xf32, #tpu.memory_space<hbm>>
    %dma_start3A_538 = arith.constant 0 : i32
    %dma_start3A_539 = arith.constant 0 : i32
    %dma_start3A_540 = tpu.memref_slice %arg6[%dma_start3A_526, %dma_start3A_538, %dma_start3A_539] : memref<4x32x768xf32, #tpu.memory_space<vmem>> -> memref<1x32x768xf32, #tpu.memory_space<vmem>>
    %dma_start3A_541 = tpu.memref_squeeze %dma_start3A_540 : memref<1x32x768xf32, #tpu.memory_space<vmem>> -> memref<32x768xf32, #tpu.memory_space<vmem>>
    tpu.enqueue_dma source(%dma_start3A_541 : memref<32x768xf32, #tpu.memory_space<vmem>>) target(%dma_start3A_537 : memref<32x768xf32, #tpu.memory_space<hbm>>) target_semaphore(%dma_start3A_535 : memref<!tpu.dma_semaphore, #tpu.memory_space<semaphore_mem>>)
    %dma_wait3A_542 = arith.constant 3 : i32
    %dma_wait3A_543 = arith.constant 3 : i32
    %dma_wait3A_544 = arith.constant 0 : i32
    %dma_wait3A_545 = arith.constant 0 : i32
    %dma_wait3A_546 = tpu.memref_slice %arg6[%dma_wait3A_542, %dma_wait3A_544, %dma_wait3A_545] : memref<4x32x768xf32, #tpu.memory_space<vmem>> -> memref<1x32x768xf32, #tpu.memory_space<vmem>>
    %dma_wait3A_547 = tpu.memref_squeeze %dma_wait3A_546 : memref<1x32x768xf32, #tpu.memory_space<vmem>> -> memref<32x768xf32, #tpu.memory_space<vmem>>
    %dma_wait3A_548 = arith.constant 0 : i32
    %dma_wait3A_549 = tpu.memref_slice %arg4[%add3A_525, %dma_wait3A_548] : memref<16384x768xf32, #tpu.memory_space<hbm>> -> memref<32x768xf32, #tpu.memory_space<hbm>>
    %dma_wait3A_550 = tpu.memref_slice %arg7[%dma_wait3A_543] : memref<4x!tpu.dma_semaphore, #tpu.memory_space<semaphore_mem>> -> memref<1x!tpu.dma_semaphore, #tpu.memory_space<semaphore_mem>>
    %dma_wait3A_551 = tpu.memref_squeeze %dma_wait3A_550 : memref<1x!tpu.dma_semaphore, #tpu.memory_space<semaphore_mem>> -> memref<!tpu.dma_semaphore, #tpu.memory_space<semaphore_mem>>
    %dma_wait3A_552 = arith.constant 0 : i32
    %dma_wait3A_553 = tpu.memref_slice %arg4[%add3A_525, %dma_wait3A_552] : memref<16384x768xf32, #tpu.memory_space<hbm>> -> memref<32x768xf32, #tpu.memory_space<hbm>>
    %dma_wait3A_554 = arith.constant 0 : i32
    %dma_wait3A_555 = arith.constant 0 : i32
    %dma_wait3A_556 = tpu.memref_slice %arg6[%dma_wait3A_542, %dma_wait3A_554, %dma_wait3A_555] : memref<4x32x768xf32, #tpu.memory_space<vmem>> -> memref<1x32x768xf32, #tpu.memory_space<vmem>>
    %dma_wait3A_557 = tpu.memref_squeeze %dma_wait3A_556 : memref<1x32x768xf32, #tpu.memory_space<vmem>> -> memref<32x768xf32, #tpu.memory_space<vmem>>
    tpu.wait_dma2 semaphore(%dma_wait3A_551 : memref<!tpu.dma_semaphore, #tpu.memory_space<semaphore_mem>>) src(%dma_wait3A_557 : memref<32x768xf32, #tpu.memory_space<vmem>>) dst(%dma_wait3A_553 : memref<32x768xf32, #tpu.memory_space<hbm>>)
    %dma_start3A_558 = arith.constant 11 : i32
    %dma_start3A_559 = arith.constant 3 : i32
    %dma_start3A_560 = arith.constant 3 : i32
    %dma_start3A_561 = arith.constant 0 : i32
    %dma_start3A_562 = arith.constant 0 : i32
    %dma_start3A_563 = tpu.memref_slice %arg6[%dma_start3A_559, %dma_start3A_561, %dma_start3A_562] : memref<4x32x768xf32, #tpu.memory_space<vmem>> -> memref<1x32x768xf32, #tpu.memory_space<vmem>>
    %dma_start3A_564 = tpu.memref_squeeze %dma_start3A_563 : memref<1x32x768xf32, #tpu.memory_space<vmem>> -> memref<32x768xf32, #tpu.memory_space<vmem>>
    %dma_start3A_565 = arith.constant 0 : i32
    %dma_start3A_566 = tpu.memref_slice %arg5[%dma_start3A_558, %dma_start3A_565] : memref<16x32xi32, #tpu.memory_space<vmem>> -> memref<1x32xi32, #tpu.memory_space<vmem>>
    %dma_start3A_567 = tpu.memref_squeeze %dma_start3A_566 : memref<1x32xi32, #tpu.memory_space<vmem>> -> memref<32xi32, #tpu.memory_space<vmem>>
    %dma_start3A_568 = arith.constant 0 : i32
    %dma_start3A_569 = arith.constant 0 : i32
    %dma_start3A_570 = tpu.memref_slice %arg3[%dma_start3A_568, %dma_start3A_569] : memref<100000x768xf32, #tpu.memory_space<hbm>> -> memref<100000x768xf32, #tpu.memory_space<hbm>>
    %dma_start3A_571 = tpu.memref_slice %arg7[%dma_start3A_560] : memref<4x!tpu.dma_semaphore, #tpu.memory_space<semaphore_mem>> -> memref<1x!tpu.dma_semaphore, #tpu.memory_space<semaphore_mem>>
    %dma_start3A_572 = tpu.memref_squeeze %dma_start3A_571 : memref<1x!tpu.dma_semaphore, #tpu.memory_space<semaphore_mem>> -> memref<!tpu.dma_semaphore, #tpu.memory_space<semaphore_mem>>
    tpu.enqueue_indirect_dma source(%dma_start3A_570 : memref<100000x768xf32, #tpu.memory_space<hbm>>) target(%dma_start3A_564 : memref<32x768xf32, #tpu.memory_space<vmem>>) offsets(%dma_start3A_567 : memref<32xi32, #tpu.memory_space<vmem>>) semaphore(%dma_start3A_572 : memref<!tpu.dma_semaphore, #tpu.memory_space<semaphore_mem>>)
    %dma_wait3A_573 = arith.constant 8 : i32
    %dma_wait3A_574 = arith.constant 0 : i32
    %dma_wait3A_575 = arith.constant 0 : i32
    %dma_wait3A_576 = arith.constant 0 : i32
    %dma_wait3A_577 = arith.constant 0 : i32
    %dma_wait3A_578 = tpu.memref_slice %arg6[%dma_wait3A_574, %dma_wait3A_576, %dma_wait3A_577] : memref<4x32x768xf32, #tpu.memory_space<vmem>> -> memref<1x32x768xf32, #tpu.memory_space<vmem>>
    %dma_wait3A_579 = tpu.memref_squeeze %dma_wait3A_578 : memref<1x32x768xf32, #tpu.memory_space<vmem>> -> memref<32x768xf32, #tpu.memory_space<vmem>>
    %dma_wait3A_580 = arith.constant 0 : i32
    %dma_wait3A_581 = tpu.memref_slice %arg5[%dma_wait3A_573, %dma_wait3A_580] : memref<16x32xi32, #tpu.memory_space<vmem>> -> memref<1x32xi32, #tpu.memory_space<vmem>>
    %dma_wait3A_582 = tpu.memref_squeeze %dma_wait3A_581 : memref<1x32xi32, #tpu.memory_space<vmem>> -> memref<32xi32, #tpu.memory_space<vmem>>
    %dma_wait3A_583 = arith.constant 0 : i32
    %dma_wait3A_584 = arith.constant 0 : i32
    %dma_wait3A_585 = tpu.memref_slice %arg3[%dma_wait3A_583, %dma_wait3A_584] : memref<100000x768xf32, #tpu.memory_space<hbm>> -> memref<100000x768xf32, #tpu.memory_space<hbm>>
    %dma_wait3A_586 = tpu.memref_slice %arg7[%dma_wait3A_575] : memref<4x!tpu.dma_semaphore, #tpu.memory_space<semaphore_mem>> -> memref<1x!tpu.dma_semaphore, #tpu.memory_space<semaphore_mem>>
    %dma_wait3A_587 = tpu.memref_squeeze %dma_wait3A_586 : memref<1x!tpu.dma_semaphore, #tpu.memory_space<semaphore_mem>> -> memref<!tpu.dma_semaphore, #tpu.memory_space<semaphore_mem>>
    tpu.wait_indirect_dma semaphore(%dma_wait3A_587 : memref<!tpu.dma_semaphore, #tpu.memory_space<semaphore_mem>>) src(%dma_wait3A_585 : memref<100000x768xf32, #tpu.memory_space<hbm>>) dst(%dma_wait3A_579 : memref<32x768xf32, #tpu.memory_space<vmem>>)
    %add3A_588 = arith.constant 256 : i32
    %add3A_589 = arith.addi %mul3A_2, %add3A_588 : i32
    %dma_start3A_590 = arith.constant 0 : i32
    %dma_start3A_591 = arith.constant 0 : i32
    %dma_start3A_592 = arith.constant 0 : i32
    %dma_start3A_593 = arith.constant 0 : i32
    %dma_start3A_594 = tpu.memref_slice %arg6[%dma_start3A_590, %dma_start3A_592, %dma_start3A_593] : memref<4x32x768xf32, #tpu.memory_space<vmem>> -> memref<1x32x768xf32, #tpu.memory_space<vmem>>
    %dma_start3A_595 = tpu.memref_squeeze %dma_start3A_594 : memref<1x32x768xf32, #tpu.memory_space<vmem>> -> memref<32x768xf32, #tpu.memory_space<vmem>>
    %dma_start3A_596 = arith.constant 0 : i32
    %dma_start3A_597 = tpu.memref_slice %arg4[%add3A_589, %dma_start3A_596] : memref<16384x768xf32, #tpu.memory_space<hbm>> -> memref<32x768xf32, #tpu.memory_space<hbm>>
    %dma_start3A_598 = tpu.memref_slice %arg7[%dma_start3A_591] : memref<4x!tpu.dma_semaphore, #tpu.memory_space<semaphore_mem>> -> memref<1x!tpu.dma_semaphore, #tpu.memory_space<semaphore_mem>>
    %dma_start3A_599 = tpu.memref_squeeze %dma_start3A_598 : memref<1x!tpu.dma_semaphore, #tpu.memory_space<semaphore_mem>> -> memref<!tpu.dma_semaphore, #tpu.memory_space<semaphore_mem>>
    %dma_start3A_600 = arith.constant 0 : i32
    %dma_start3A_601 = tpu.memref_slice %arg4[%add3A_589, %dma_start3A_600] : memref<16384x768xf32, #tpu.memory_space<hbm>> -> memref<32x768xf32, #tpu.memory_space<hbm>>
    %dma_start3A_602 = arith.constant 0 : i32
    %dma_start3A_603 = arith.constant 0 : i32
    %dma_start3A_604 = tpu.memref_slice %arg6[%dma_start3A_590, %dma_start3A_602, %dma_start3A_603] : memref<4x32x768xf32, #tpu.memory_space<vmem>> -> memref<1x32x768xf32, #tpu.memory_space<vmem>>
    %dma_start3A_605 = tpu.memref_squeeze %dma_start3A_604 : memref<1x32x768xf32, #tpu.memory_space<vmem>> -> memref<32x768xf32, #tpu.memory_space<vmem>>
    tpu.enqueue_dma source(%dma_start3A_605 : memref<32x768xf32, #tpu.memory_space<vmem>>) target(%dma_start3A_601 : memref<32x768xf32, #tpu.memory_space<hbm>>) target_semaphore(%dma_start3A_599 : memref<!tpu.dma_semaphore, #tpu.memory_space<semaphore_mem>>)
    %dma_wait3A_606 = arith.constant 0 : i32
    %dma_wait3A_607 = arith.constant 0 : i32
    %dma_wait3A_608 = arith.constant 0 : i32
    %dma_wait3A_609 = arith.constant 0 : i32
    %dma_wait3A_610 = tpu.memref_slice %arg6[%dma_wait3A_606, %dma_wait3A_608, %dma_wait3A_609] : memref<4x32x768xf32, #tpu.memory_space<vmem>> -> memref<1x32x768xf32, #tpu.memory_space<vmem>>
    %dma_wait3A_611 = tpu.memref_squeeze %dma_wait3A_610 : memref<1x32x768xf32, #tpu.memory_space<vmem>> -> memref<32x768xf32, #tpu.memory_space<vmem>>
    %dma_wait3A_612 = arith.constant 0 : i32
    %dma_wait3A_613 = tpu.memref_slice %arg4[%add3A_589, %dma_wait3A_612] : memref<16384x768xf32, #tpu.memory_space<hbm>> -> memref<32x768xf32, #tpu.memory_space<hbm>>
    %dma_wait3A_614 = tpu.memref_slice %arg7[%dma_wait3A_607] : memref<4x!tpu.dma_semaphore, #tpu.memory_space<semaphore_mem>> -> memref<1x!tpu.dma_semaphore, #tpu.memory_space<semaphore_mem>>
    %dma_wait3A_615 = tpu.memref_squeeze %dma_wait3A_614 : memref<1x!tpu.dma_semaphore, #tpu.memory_space<semaphore_mem>> -> memref<!tpu.dma_semaphore, #tpu.memory_space<semaphore_mem>>
    %dma_wait3A_616 = arith.constant 0 : i32
    %dma_wait3A_617 = tpu.memref_slice %arg4[%add3A_589, %dma_wait3A_616] : memref<16384x768xf32, #tpu.memory_space<hbm>> -> memref<32x768xf32, #tpu.memory_space<hbm>>
    %dma_wait3A_618 = arith.constant 0 : i32
    %dma_wait3A_619 = arith.constant 0 : i32
    %dma_wait3A_620 = tpu.memref_slice %arg6[%dma_wait3A_606, %dma_wait3A_618, %dma_wait3A_619] : memref<4x32x768xf32, #tpu.memory_space<vmem>> -> memref<1x32x768xf32, #tpu.memory_space<vmem>>
    %dma_wait3A_621 = tpu.memref_squeeze %dma_wait3A_620 : memref<1x32x768xf32, #tpu.memory_space<vmem>> -> memref<32x768xf32, #tpu.memory_space<vmem>>
    tpu.wait_dma2 semaphore(%dma_wait3A_615 : memref<!tpu.dma_semaphore, #tpu.memory_space<semaphore_mem>>) src(%dma_wait3A_621 : memref<32x768xf32, #tpu.memory_space<vmem>>) dst(%dma_wait3A_617 : memref<32x768xf32, #tpu.memory_space<hbm>>)
    %dma_start3A_622 = arith.constant 12 : i32
    %dma_start3A_623 = arith.constant 0 : i32
    %dma_start3A_624 = arith.constant 0 : i32
    %dma_start3A_625 = arith.constant 0 : i32
    %dma_start3A_626 = arith.constant 0 : i32
    %dma_start3A_627 = tpu.memref_slice %arg6[%dma_start3A_623, %dma_start3A_625, %dma_start3A_626] : memref<4x32x768xf32, #tpu.memory_space<vmem>> -> memref<1x32x768xf32, #tpu.memory_space<vmem>>
    %dma_start3A_628 = tpu.memref_squeeze %dma_start3A_627 : memref<1x32x768xf32, #tpu.memory_space<vmem>> -> memref<32x768xf32, #tpu.memory_space<vmem>>
    %dma_start3A_629 = arith.constant 0 : i32
    %dma_start3A_630 = tpu.memref_slice %arg5[%dma_start3A_622, %dma_start3A_629] : memref<16x32xi32, #tpu.memory_space<vmem>> -> memref<1x32xi32, #tpu.memory_space<vmem>>
    %dma_start3A_631 = tpu.memref_squeeze %dma_start3A_630 : memref<1x32xi32, #tpu.memory_space<vmem>> -> memref<32xi32, #tpu.memory_space<vmem>>
    %dma_start3A_632 = arith.constant 0 : i32
    %dma_start3A_633 = arith.constant 0 : i32
    %dma_start3A_634 = tpu.memref_slice %arg3[%dma_start3A_632, %dma_start3A_633] : memref<100000x768xf32, #tpu.memory_space<hbm>> -> memref<100000x768xf32, #tpu.memory_space<hbm>>
    %dma_start3A_635 = tpu.memref_slice %arg7[%dma_start3A_624] : memref<4x!tpu.dma_semaphore, #tpu.memory_space<semaphore_mem>> -> memref<1x!tpu.dma_semaphore, #tpu.memory_space<semaphore_mem>>
    %dma_start3A_636 = tpu.memref_squeeze %dma_start3A_635 : memref<1x!tpu.dma_semaphore, #tpu.memory_space<semaphore_mem>> -> memref<!tpu.dma_semaphore, #tpu.memory_space<semaphore_mem>>
    tpu.enqueue_indirect_dma source(%dma_start3A_634 : memref<100000x768xf32, #tpu.memory_space<hbm>>) target(%dma_start3A_628 : memref<32x768xf32, #tpu.memory_space<vmem>>) offsets(%dma_start3A_631 : memref<32xi32, #tpu.memory_space<vmem>>) semaphore(%dma_start3A_636 : memref<!tpu.dma_semaphore, #tpu.memory_space<semaphore_mem>>)
    %dma_wait3A_637 = arith.constant 9 : i32
    %dma_wait3A_638 = arith.constant 1 : i32
    %dma_wait3A_639 = arith.constant 1 : i32
    %dma_wait3A_640 = arith.constant 0 : i32
    %dma_wait3A_641 = arith.constant 0 : i32
    %dma_wait3A_642 = tpu.memref_slice %arg6[%dma_wait3A_638, %dma_wait3A_640, %dma_wait3A_641] : memref<4x32x768xf32, #tpu.memory_space<vmem>> -> memref<1x32x768xf32, #tpu.memory_space<vmem>>
    %dma_wait3A_643 = tpu.memref_squeeze %dma_wait3A_642 : memref<1x32x768xf32, #tpu.memory_space<vmem>> -> memref<32x768xf32, #tpu.memory_space<vmem>>
    %dma_wait3A_644 = arith.constant 0 : i32
    %dma_wait3A_645 = tpu.memref_slice %arg5[%dma_wait3A_637, %dma_wait3A_644] : memref<16x32xi32, #tpu.memory_space<vmem>> -> memref<1x32xi32, #tpu.memory_space<vmem>>
    %dma_wait3A_646 = tpu.memref_squeeze %dma_wait3A_645 : memref<1x32xi32, #tpu.memory_space<vmem>> -> memref<32xi32, #tpu.memory_space<vmem>>
    %dma_wait3A_647 = arith.constant 0 : i32
    %dma_wait3A_648 = arith.constant 0 : i32
    %dma_wait3A_649 = tpu.memref_slice %arg3[%dma_wait3A_647, %dma_wait3A_648] : memref<100000x768xf32, #tpu.memory_space<hbm>> -> memref<100000x768xf32, #tpu.memory_space<hbm>>
    %dma_wait3A_650 = tpu.memref_slice %arg7[%dma_wait3A_639] : memref<4x!tpu.dma_semaphore, #tpu.memory_space<semaphore_mem>> -> memref<1x!tpu.dma_semaphore, #tpu.memory_space<semaphore_mem>>
    %dma_wait3A_651 = tpu.memref_squeeze %dma_wait3A_650 : memref<1x!tpu.dma_semaphore, #tpu.memory_space<semaphore_mem>> -> memref<!tpu.dma_semaphore, #tpu.memory_space<semaphore_mem>>
    tpu.wait_indirect_dma semaphore(%dma_wait3A_651 : memref<!tpu.dma_semaphore, #tpu.memory_space<semaphore_mem>>) src(%dma_wait3A_649 : memref<100000x768xf32, #tpu.memory_space<hbm>>) dst(%dma_wait3A_643 : memref<32x768xf32, #tpu.memory_space<vmem>>)
    %add3A_652 = arith.constant 288 : i32
    %add3A_653 = arith.addi %mul3A_2, %add3A_652 : i32
    %dma_start3A_654 = arith.constant 1 : i32
    %dma_start3A_655 = arith.constant 1 : i32
    %dma_start3A_656 = arith.constant 0 : i32
    %dma_start3A_657 = arith.constant 0 : i32
    %dma_start3A_658 = tpu.memref_slice %arg6[%dma_start3A_654, %dma_start3A_656, %dma_start3A_657] : memref<4x32x768xf32, #tpu.memory_space<vmem>> -> memref<1x32x768xf32, #tpu.memory_space<vmem>>
    %dma_start3A_659 = tpu.memref_squeeze %dma_start3A_658 : memref<1x32x768xf32, #tpu.memory_space<vmem>> -> memref<32x768xf32, #tpu.memory_space<vmem>>
    %dma_start3A_660 = arith.constant 0 : i32
    %dma_start3A_661 = tpu.memref_slice %arg4[%add3A_653, %dma_start3A_660] : memref<16384x768xf32, #tpu.memory_space<hbm>> -> memref<32x768xf32, #tpu.memory_space<hbm>>
    %dma_start3A_662 = tpu.memref_slice %arg7[%dma_start3A_655] : memref<4x!tpu.dma_semaphore, #tpu.memory_space<semaphore_mem>> -> memref<1x!tpu.dma_semaphore, #tpu.memory_space<semaphore_mem>>
    %dma_start3A_663 = tpu.memref_squeeze %dma_start3A_662 : memref<1x!tpu.dma_semaphore, #tpu.memory_space<semaphore_mem>> -> memref<!tpu.dma_semaphore, #tpu.memory_space<semaphore_mem>>
    %dma_start3A_664 = arith.constant 0 : i32
    %dma_start3A_665 = tpu.memref_slice %arg4[%add3A_653, %dma_start3A_664] : memref<16384x768xf32, #tpu.memory_space<hbm>> -> memref<32x768xf32, #tpu.memory_space<hbm>>
    %dma_start3A_666 = arith.constant 0 : i32
    %dma_start3A_667 = arith.constant 0 : i32
    %dma_start3A_668 = tpu.memref_slice %arg6[%dma_start3A_654, %dma_start3A_666, %dma_start3A_667] : memref<4x32x768xf32, #tpu.memory_space<vmem>> -> memref<1x32x768xf32, #tpu.memory_space<vmem>>
    %dma_start3A_669 = tpu.memref_squeeze %dma_start3A_668 : memref<1x32x768xf32, #tpu.memory_space<vmem>> -> memref<32x768xf32, #tpu.memory_space<vmem>>
    tpu.enqueue_dma source(%dma_start3A_669 : memref<32x768xf32, #tpu.memory_space<vmem>>) target(%dma_start3A_665 : memref<32x768xf32, #tpu.memory_space<hbm>>) target_semaphore(%dma_start3A_663 : memref<!tpu.dma_semaphore, #tpu.memory_space<semaphore_mem>>)
    %dma_wait3A_670 = arith.constant 1 : i32
    %dma_wait3A_671 = arith.constant 1 : i32
    %dma_wait3A_672 = arith.constant 0 : i32
    %dma_wait3A_673 = arith.constant 0 : i32
    %dma_wait3A_674 = tpu.memref_slice %arg6[%dma_wait3A_670, %dma_wait3A_672, %dma_wait3A_673] : memref<4x32x768xf32, #tpu.memory_space<vmem>> -> memref<1x32x768xf32, #tpu.memory_space<vmem>>
    %dma_wait3A_675 = tpu.memref_squeeze %dma_wait3A_674 : memref<1x32x768xf32, #tpu.memory_space<vmem>> -> memref<32x768xf32, #tpu.memory_space<vmem>>
    %dma_wait3A_676 = arith.constant 0 : i32
    %dma_wait3A_677 = tpu.memref_slice %arg4[%add3A_653, %dma_wait3A_676] : memref<16384x768xf32, #tpu.memory_space<hbm>> -> memref<32x768xf32, #tpu.memory_space<hbm>>
    %dma_wait3A_678 = tpu.memref_slice %arg7[%dma_wait3A_671] : memref<4x!tpu.dma_semaphore, #tpu.memory_space<semaphore_mem>> -> memref<1x!tpu.dma_semaphore, #tpu.memory_space<semaphore_mem>>
    %dma_wait3A_679 = tpu.memref_squeeze %dma_wait3A_678 : memref<1x!tpu.dma_semaphore, #tpu.memory_space<semaphore_mem>> -> memref<!tpu.dma_semaphore, #tpu.memory_space<semaphore_mem>>
    %dma_wait3A_680 = arith.constant 0 : i32
    %dma_wait3A_681 = tpu.memref_slice %arg4[%add3A_653, %dma_wait3A_680] : memref<16384x768xf32, #tpu.memory_space<hbm>> -> memref<32x768xf32, #tpu.memory_space<hbm>>
    %dma_wait3A_682 = arith.constant 0 : i32
    %dma_wait3A_683 = arith.constant 0 : i32
    %dma_wait3A_684 = tpu.memref_slice %arg6[%dma_wait3A_670, %dma_wait3A_682, %dma_wait3A_683] : memref<4x32x768xf32, #tpu.memory_space<vmem>> -> memref<1x32x768xf32, #tpu.memory_space<vmem>>
    %dma_wait3A_685 = tpu.memref_squeeze %dma_wait3A_684 : memref<1x32x768xf32, #tpu.memory_space<vmem>> -> memref<32x768xf32, #tpu.memory_space<vmem>>
    tpu.wait_dma2 semaphore(%dma_wait3A_679 : memref<!tpu.dma_semaphore, #tpu.memory_space<semaphore_mem>>) src(%dma_wait3A_685 : memref<32x768xf32, #tpu.memory_space<vmem>>) dst(%dma_wait3A_681 : memref<32x768xf32, #tpu.memory_space<hbm>>)
    %dma_start3A_686 = arith.constant 13 : i32
    %dma_start3A_687 = arith.constant 1 : i32
    %dma_start3A_688 = arith.constant 1 : i32
    %dma_start3A_689 = arith.constant 0 : i32
    %dma_start3A_690 = arith.constant 0 : i32
    %dma_start3A_691 = tpu.memref_slice %arg6[%dma_start3A_687, %dma_start3A_689, %dma_start3A_690] : memref<4x32x768xf32, #tpu.memory_space<vmem>> -> memref<1x32x768xf32, #tpu.memory_space<vmem>>
    %dma_start3A_692 = tpu.memref_squeeze %dma_start3A_691 : memref<1x32x768xf32, #tpu.memory_space<vmem>> -> memref<32x768xf32, #tpu.memory_space<vmem>>
    %dma_start3A_693 = arith.constant 0 : i32
    %dma_start3A_694 = tpu.memref_slice %arg5[%dma_start3A_686, %dma_start3A_693] : memref<16x32xi32, #tpu.memory_space<vmem>> -> memref<1x32xi32, #tpu.memory_space<vmem>>
    %dma_start3A_695 = tpu.memref_squeeze %dma_start3A_694 : memref<1x32xi32, #tpu.memory_space<vmem>> -> memref<32xi32, #tpu.memory_space<vmem>>
    %dma_start3A_696 = arith.constant 0 : i32
    %dma_start3A_697 = arith.constant 0 : i32
    %dma_start3A_698 = tpu.memref_slice %arg3[%dma_start3A_696, %dma_start3A_697] : memref<100000x768xf32, #tpu.memory_space<hbm>> -> memref<100000x768xf32, #tpu.memory_space<hbm>>
    %dma_start3A_699 = tpu.memref_slice %arg7[%dma_start3A_688] : memref<4x!tpu.dma_semaphore, #tpu.memory_space<semaphore_mem>> -> memref<1x!tpu.dma_semaphore, #tpu.memory_space<semaphore_mem>>
    %dma_start3A_700 = tpu.memref_squeeze %dma_start3A_699 : memref<1x!tpu.dma_semaphore, #tpu.memory_space<semaphore_mem>> -> memref<!tpu.dma_semaphore, #tpu.memory_space<semaphore_mem>>
    tpu.enqueue_indirect_dma source(%dma_start3A_698 : memref<100000x768xf32, #tpu.memory_space<hbm>>) target(%dma_start3A_692 : memref<32x768xf32, #tpu.memory_space<vmem>>) offsets(%dma_start3A_695 : memref<32xi32, #tpu.memory_space<vmem>>) semaphore(%dma_start3A_700 : memref<!tpu.dma_semaphore, #tpu.memory_space<semaphore_mem>>)
    %dma_wait3A_701 = arith.constant 10 : i32
    %dma_wait3A_702 = arith.constant 2 : i32
    %dma_wait3A_703 = arith.constant 2 : i32
    %dma_wait3A_704 = arith.constant 0 : i32
    %dma_wait3A_705 = arith.constant 0 : i32
    %dma_wait3A_706 = tpu.memref_slice %arg6[%dma_wait3A_702, %dma_wait3A_704, %dma_wait3A_705] : memref<4x32x768xf32, #tpu.memory_space<vmem>> -> memref<1x32x768xf32, #tpu.memory_space<vmem>>
    %dma_wait3A_707 = tpu.memref_squeeze %dma_wait3A_706 : memref<1x32x768xf32, #tpu.memory_space<vmem>> -> memref<32x768xf32, #tpu.memory_space<vmem>>
    %dma_wait3A_708 = arith.constant 0 : i32
    %dma_wait3A_709 = tpu.memref_slice %arg5[%dma_wait3A_701, %dma_wait3A_708] : memref<16x32xi32, #tpu.memory_space<vmem>> -> memref<1x32xi32, #tpu.memory_space<vmem>>
    %dma_wait3A_710 = tpu.memref_squeeze %dma_wait3A_709 : memref<1x32xi32, #tpu.memory_space<vmem>> -> memref<32xi32, #tpu.memory_space<vmem>>
    %dma_wait3A_711 = arith.constant 0 : i32
    %dma_wait3A_712 = arith.constant 0 : i32
    %dma_wait3A_713 = tpu.memref_slice %arg3[%dma_wait3A_711, %dma_wait3A_712] : memref<100000x768xf32, #tpu.memory_space<hbm>> -> memref<100000x768xf32, #tpu.memory_space<hbm>>
    %dma_wait3A_714 = tpu.memref_slice %arg7[%dma_wait3A_703] : memref<4x!tpu.dma_semaphore, #tpu.memory_space<semaphore_mem>> -> memref<1x!tpu.dma_semaphore, #tpu.memory_space<semaphore_mem>>
    %dma_wait3A_715 = tpu.memref_squeeze %dma_wait3A_714 : memref<1x!tpu.dma_semaphore, #tpu.memory_space<semaphore_mem>> -> memref<!tpu.dma_semaphore, #tpu.memory_space<semaphore_mem>>
    tpu.wait_indirect_dma semaphore(%dma_wait3A_715 : memref<!tpu.dma_semaphore, #tpu.memory_space<semaphore_mem>>) src(%dma_wait3A_713 : memref<100000x768xf32, #tpu.memory_space<hbm>>) dst(%dma_wait3A_707 : memref<32x768xf32, #tpu.memory_space<vmem>>)
    %add3A_716 = arith.constant 320 : i32
    %add3A_717 = arith.addi %mul3A_2, %add3A_716 : i32
    %dma_start3A_718 = arith.constant 2 : i32
    %dma_start3A_719 = arith.constant 2 : i32
    %dma_start3A_720 = arith.constant 0 : i32
    %dma_start3A_721 = arith.constant 0 : i32
    %dma_start3A_722 = tpu.memref_slice %arg6[%dma_start3A_718, %dma_start3A_720, %dma_start3A_721] : memref<4x32x768xf32, #tpu.memory_space<vmem>> -> memref<1x32x768xf32, #tpu.memory_space<vmem>>
    %dma_start3A_723 = tpu.memref_squeeze %dma_start3A_722 : memref<1x32x768xf32, #tpu.memory_space<vmem>> -> memref<32x768xf32, #tpu.memory_space<vmem>>
    %dma_start3A_724 = arith.constant 0 : i32
    %dma_start3A_725 = tpu.memref_slice %arg4[%add3A_717, %dma_start3A_724] : memref<16384x768xf32, #tpu.memory_space<hbm>> -> memref<32x768xf32, #tpu.memory_space<hbm>>
    %dma_start3A_726 = tpu.memref_slice %arg7[%dma_start3A_719] : memref<4x!tpu.dma_semaphore, #tpu.memory_space<semaphore_mem>> -> memref<1x!tpu.dma_semaphore, #tpu.memory_space<semaphore_mem>>
    %dma_start3A_727 = tpu.memref_squeeze %dma_start3A_726 : memref<1x!tpu.dma_semaphore, #tpu.memory_space<semaphore_mem>> -> memref<!tpu.dma_semaphore, #tpu.memory_space<semaphore_mem>>
    %dma_start3A_728 = arith.constant 0 : i32
    %dma_start3A_729 = tpu.memref_slice %arg4[%add3A_717, %dma_start3A_728] : memref<16384x768xf32, #tpu.memory_space<hbm>> -> memref<32x768xf32, #tpu.memory_space<hbm>>
    %dma_start3A_730 = arith.constant 0 : i32
    %dma_start3A_731 = arith.constant 0 : i32
    %dma_start3A_732 = tpu.memref_slice %arg6[%dma_start3A_718, %dma_start3A_730, %dma_start3A_731] : memref<4x32x768xf32, #tpu.memory_space<vmem>> -> memref<1x32x768xf32, #tpu.memory_space<vmem>>
    %dma_start3A_733 = tpu.memref_squeeze %dma_start3A_732 : memref<1x32x768xf32, #tpu.memory_space<vmem>> -> memref<32x768xf32, #tpu.memory_space<vmem>>
    tpu.enqueue_dma source(%dma_start3A_733 : memref<32x768xf32, #tpu.memory_space<vmem>>) target(%dma_start3A_729 : memref<32x768xf32, #tpu.memory_space<hbm>>) target_semaphore(%dma_start3A_727 : memref<!tpu.dma_semaphore, #tpu.memory_space<semaphore_mem>>)
    %dma_wait3A_734 = arith.constant 2 : i32
    %dma_wait3A_735 = arith.constant 2 : i32
    %dma_wait3A_736 = arith.constant 0 : i32
    %dma_wait3A_737 = arith.constant 0 : i32
    %dma_wait3A_738 = tpu.memref_slice %arg6[%dma_wait3A_734, %dma_wait3A_736, %dma_wait3A_737] : memref<4x32x768xf32, #tpu.memory_space<vmem>> -> memref<1x32x768xf32, #tpu.memory_space<vmem>>
    %dma_wait3A_739 = tpu.memref_squeeze %dma_wait3A_738 : memref<1x32x768xf32, #tpu.memory_space<vmem>> -> memref<32x768xf32, #tpu.memory_space<vmem>>
    %dma_wait3A_740 = arith.constant 0 : i32
    %dma_wait3A_741 = tpu.memref_slice %arg4[%add3A_717, %dma_wait3A_740] : memref<16384x768xf32, #tpu.memory_space<hbm>> -> memref<32x768xf32, #tpu.memory_space<hbm>>
    %dma_wait3A_742 = tpu.memref_slice %arg7[%dma_wait3A_735] : memref<4x!tpu.dma_semaphore, #tpu.memory_space<semaphore_mem>> -> memref<1x!tpu.dma_semaphore, #tpu.memory_space<semaphore_mem>>
    %dma_wait3A_743 = tpu.memref_squeeze %dma_wait3A_742 : memref<1x!tpu.dma_semaphore, #tpu.memory_space<semaphore_mem>> -> memref<!tpu.dma_semaphore, #tpu.memory_space<semaphore_mem>>
    %dma_wait3A_744 = arith.constant 0 : i32
    %dma_wait3A_745 = tpu.memref_slice %arg4[%add3A_717, %dma_wait3A_744] : memref<16384x768xf32, #tpu.memory_space<hbm>> -> memref<32x768xf32, #tpu.memory_space<hbm>>
    %dma_wait3A_746 = arith.constant 0 : i32
    %dma_wait3A_747 = arith.constant 0 : i32
    %dma_wait3A_748 = tpu.memref_slice %arg6[%dma_wait3A_734, %dma_wait3A_746, %dma_wait3A_747] : memref<4x32x768xf32, #tpu.memory_space<vmem>> -> memref<1x32x768xf32, #tpu.memory_space<vmem>>
    %dma_wait3A_749 = tpu.memref_squeeze %dma_wait3A_748 : memref<1x32x768xf32, #tpu.memory_space<vmem>> -> memref<32x768xf32, #tpu.memory_space<vmem>>
    tpu.wait_dma2 semaphore(%dma_wait3A_743 : memref<!tpu.dma_semaphore, #tpu.memory_space<semaphore_mem>>) src(%dma_wait3A_749 : memref<32x768xf32, #tpu.memory_space<vmem>>) dst(%dma_wait3A_745 : memref<32x768xf32, #tpu.memory_space<hbm>>)
    %dma_start3A_750 = arith.constant 14 : i32
    %dma_start3A_751 = arith.constant 2 : i32
    %dma_start3A_752 = arith.constant 2 : i32
    %dma_start3A_753 = arith.constant 0 : i32
    %dma_start3A_754 = arith.constant 0 : i32
    %dma_start3A_755 = tpu.memref_slice %arg6[%dma_start3A_751, %dma_start3A_753, %dma_start3A_754] : memref<4x32x768xf32, #tpu.memory_space<vmem>> -> memref<1x32x768xf32, #tpu.memory_space<vmem>>
    %dma_start3A_756 = tpu.memref_squeeze %dma_start3A_755 : memref<1x32x768xf32, #tpu.memory_space<vmem>> -> memref<32x768xf32, #tpu.memory_space<vmem>>
    %dma_start3A_757 = arith.constant 0 : i32
    %dma_start3A_758 = tpu.memref_slice %arg5[%dma_start3A_750, %dma_start3A_757] : memref<16x32xi32, #tpu.memory_space<vmem>> -> memref<1x32xi32, #tpu.memory_space<vmem>>
    %dma_start3A_759 = tpu.memref_squeeze %dma_start3A_758 : memref<1x32xi32, #tpu.memory_space<vmem>> -> memref<32xi32, #tpu.memory_space<vmem>>
    %dma_start3A_760 = arith.constant 0 : i32
    %dma_start3A_761 = arith.constant 0 : i32
    %dma_start3A_762 = tpu.memref_slice %arg3[%dma_start3A_760, %dma_start3A_761] : memref<100000x768xf32, #tpu.memory_space<hbm>> -> memref<100000x768xf32, #tpu.memory_space<hbm>>
    %dma_start3A_763 = tpu.memref_slice %arg7[%dma_start3A_752] : memref<4x!tpu.dma_semaphore, #tpu.memory_space<semaphore_mem>> -> memref<1x!tpu.dma_semaphore, #tpu.memory_space<semaphore_mem>>
    %dma_start3A_764 = tpu.memref_squeeze %dma_start3A_763 : memref<1x!tpu.dma_semaphore, #tpu.memory_space<semaphore_mem>> -> memref<!tpu.dma_semaphore, #tpu.memory_space<semaphore_mem>>
    tpu.enqueue_indirect_dma source(%dma_start3A_762 : memref<100000x768xf32, #tpu.memory_space<hbm>>) target(%dma_start3A_756 : memref<32x768xf32, #tpu.memory_space<vmem>>) offsets(%dma_start3A_759 : memref<32xi32, #tpu.memory_space<vmem>>) semaphore(%dma_start3A_764 : memref<!tpu.dma_semaphore, #tpu.memory_space<semaphore_mem>>)
    %dma_wait3A_765 = arith.constant 11 : i32
    %dma_wait3A_766 = arith.constant 3 : i32
    %dma_wait3A_767 = arith.constant 3 : i32
    %dma_wait3A_768 = arith.constant 0 : i32
    %dma_wait3A_769 = arith.constant 0 : i32
    %dma_wait3A_770 = tpu.memref_slice %arg6[%dma_wait3A_766, %dma_wait3A_768, %dma_wait3A_769] : memref<4x32x768xf32, #tpu.memory_space<vmem>> -> memref<1x32x768xf32, #tpu.memory_space<vmem>>
    %dma_wait3A_771 = tpu.memref_squeeze %dma_wait3A_770 : memref<1x32x768xf32, #tpu.memory_space<vmem>> -> memref<32x768xf32, #tpu.memory_space<vmem>>
    %dma_wait3A_772 = arith.constant 0 : i32
    %dma_wait3A_773 = tpu.memref_slice %arg5[%dma_wait3A_765, %dma_wait3A_772] : memref<16x32xi32, #tpu.memory_space<vmem>> -> memref<1x32xi32, #tpu.memory_space<vmem>>
    %dma_wait3A_774 = tpu.memref_squeeze %dma_wait3A_773 : memref<1x32xi32, #tpu.memory_space<vmem>> -> memref<32xi32, #tpu.memory_space<vmem>>
    %dma_wait3A_775 = arith.constant 0 : i32
    %dma_wait3A_776 = arith.constant 0 : i32
    %dma_wait3A_777 = tpu.memref_slice %arg3[%dma_wait3A_775, %dma_wait3A_776] : memref<100000x768xf32, #tpu.memory_space<hbm>> -> memref<100000x768xf32, #tpu.memory_space<hbm>>
    %dma_wait3A_778 = tpu.memref_slice %arg7[%dma_wait3A_767] : memref<4x!tpu.dma_semaphore, #tpu.memory_space<semaphore_mem>> -> memref<1x!tpu.dma_semaphore, #tpu.memory_space<semaphore_mem>>
    %dma_wait3A_779 = tpu.memref_squeeze %dma_wait3A_778 : memref<1x!tpu.dma_semaphore, #tpu.memory_space<semaphore_mem>> -> memref<!tpu.dma_semaphore, #tpu.memory_space<semaphore_mem>>
    tpu.wait_indirect_dma semaphore(%dma_wait3A_779 : memref<!tpu.dma_semaphore, #tpu.memory_space<semaphore_mem>>) src(%dma_wait3A_777 : memref<100000x768xf32, #tpu.memory_space<hbm>>) dst(%dma_wait3A_771 : memref<32x768xf32, #tpu.memory_space<vmem>>)
    %add3A_780 = arith.constant 352 : i32
    %add3A_781 = arith.addi %mul3A_2, %add3A_780 : i32
    %dma_start3A_782 = arith.constant 3 : i32
    %dma_start3A_783 = arith.constant 3 : i32
    %dma_start3A_784 = arith.constant 0 : i32
    %dma_start3A_785 = arith.constant 0 : i32
    %dma_start3A_786 = tpu.memref_slice %arg6[%dma_start3A_782, %dma_start3A_784, %dma_start3A_785] : memref<4x32x768xf32, #tpu.memory_space<vmem>> -> memref<1x32x768xf32, #tpu.memory_space<vmem>>
    %dma_start3A_787 = tpu.memref_squeeze %dma_start3A_786 : memref<1x32x768xf32, #tpu.memory_space<vmem>> -> memref<32x768xf32, #tpu.memory_space<vmem>>
    %dma_start3A_788 = arith.constant 0 : i32
    %dma_start3A_789 = tpu.memref_slice %arg4[%add3A_781, %dma_start3A_788] : memref<16384x768xf32, #tpu.memory_space<hbm>> -> memref<32x768xf32, #tpu.memory_space<hbm>>
    %dma_start3A_790 = tpu.memref_slice %arg7[%dma_start3A_783] : memref<4x!tpu.dma_semaphore, #tpu.memory_space<semaphore_mem>> -> memref<1x!tpu.dma_semaphore, #tpu.memory_space<semaphore_mem>>
    %dma_start3A_791 = tpu.memref_squeeze %dma_start3A_790 : memref<1x!tpu.dma_semaphore, #tpu.memory_space<semaphore_mem>> -> memref<!tpu.dma_semaphore, #tpu.memory_space<semaphore_mem>>
    %dma_start3A_792 = arith.constant 0 : i32
    %dma_start3A_793 = tpu.memref_slice %arg4[%add3A_781, %dma_start3A_792] : memref<16384x768xf32, #tpu.memory_space<hbm>> -> memref<32x768xf32, #tpu.memory_space<hbm>>
    %dma_start3A_794 = arith.constant 0 : i32
    %dma_start3A_795 = arith.constant 0 : i32
    %dma_start3A_796 = tpu.memref_slice %arg6[%dma_start3A_782, %dma_start3A_794, %dma_start3A_795] : memref<4x32x768xf32, #tpu.memory_space<vmem>> -> memref<1x32x768xf32, #tpu.memory_space<vmem>>
    %dma_start3A_797 = tpu.memref_squeeze %dma_start3A_796 : memref<1x32x768xf32, #tpu.memory_space<vmem>> -> memref<32x768xf32, #tpu.memory_space<vmem>>
    tpu.enqueue_dma source(%dma_start3A_797 : memref<32x768xf32, #tpu.memory_space<vmem>>) target(%dma_start3A_793 : memref<32x768xf32, #tpu.memory_space<hbm>>) target_semaphore(%dma_start3A_791 : memref<!tpu.dma_semaphore, #tpu.memory_space<semaphore_mem>>)
    %dma_wait3A_798 = arith.constant 3 : i32
    %dma_wait3A_799 = arith.constant 3 : i32
    %dma_wait3A_800 = arith.constant 0 : i32
    %dma_wait3A_801 = arith.constant 0 : i32
    %dma_wait3A_802 = tpu.memref_slice %arg6[%dma_wait3A_798, %dma_wait3A_800, %dma_wait3A_801] : memref<4x32x768xf32, #tpu.memory_space<vmem>> -> memref<1x32x768xf32, #tpu.memory_space<vmem>>
    %dma_wait3A_803 = tpu.memref_squeeze %dma_wait3A_802 : memref<1x32x768xf32, #tpu.memory_space<vmem>> -> memref<32x768xf32, #tpu.memory_space<vmem>>
    %dma_wait3A_804 = arith.constant 0 : i32
    %dma_wait3A_805 = tpu.memref_slice %arg4[%add3A_781, %dma_wait3A_804] : memref<16384x768xf32, #tpu.memory_space<hbm>> -> memref<32x768xf32, #tpu.memory_space<hbm>>
    %dma_wait3A_806 = tpu.memref_slice %arg7[%dma_wait3A_799] : memref<4x!tpu.dma_semaphore, #tpu.memory_space<semaphore_mem>> -> memref<1x!tpu.dma_semaphore, #tpu.memory_space<semaphore_mem>>
    %dma_wait3A_807 = tpu.memref_squeeze %dma_wait3A_806 : memref<1x!tpu.dma_semaphore, #tpu.memory_space<semaphore_mem>> -> memref<!tpu.dma_semaphore, #tpu.memory_space<semaphore_mem>>
    %dma_wait3A_808 = arith.constant 0 : i32
    %dma_wait3A_809 = tpu.memref_slice %arg4[%add3A_781, %dma_wait3A_808] : memref<16384x768xf32, #tpu.memory_space<hbm>> -> memref<32x768xf32, #tpu.memory_space<hbm>>
    %dma_wait3A_810 = arith.constant 0 : i32
    %dma_wait3A_811 = arith.constant 0 : i32
    %dma_wait3A_812 = tpu.memref_slice %arg6[%dma_wait3A_798, %dma_wait3A_810, %dma_wait3A_811] : memref<4x32x768xf32, #tpu.memory_space<vmem>> -> memref<1x32x768xf32, #tpu.memory_space<vmem>>
    %dma_wait3A_813 = tpu.memref_squeeze %dma_wait3A_812 : memref<1x32x768xf32, #tpu.memory_space<vmem>> -> memref<32x768xf32, #tpu.memory_space<vmem>>
    tpu.wait_dma2 semaphore(%dma_wait3A_807 : memref<!tpu.dma_semaphore, #tpu.memory_space<semaphore_mem>>) src(%dma_wait3A_813 : memref<32x768xf32, #tpu.memory_space<vmem>>) dst(%dma_wait3A_809 : memref<32x768xf32, #tpu.memory_space<hbm>>)
    %dma_start3A_814 = arith.constant 15 : i32
    %dma_start3A_815 = arith.constant 3 : i32
    %dma_start3A_816 = arith.constant 3 : i32
    %dma_start3A_817 = arith.constant 0 : i32
    %dma_start3A_818 = arith.constant 0 : i32
    %dma_start3A_819 = tpu.memref_slice %arg6[%dma_start3A_815, %dma_start3A_817, %dma_start3A_818] : memref<4x32x768xf32, #tpu.memory_space<vmem>> -> memref<1x32x768xf32, #tpu.memory_space<vmem>>
    %dma_start3A_820 = tpu.memref_squeeze %dma_start3A_819 : memref<1x32x768xf32, #tpu.memory_space<vmem>> -> memref<32x768xf32, #tpu.memory_space<vmem>>
    %dma_start3A_821 = arith.constant 0 : i32
    %dma_start3A_822 = tpu.memref_slice %arg5[%dma_start3A_814, %dma_start3A_821] : memref<16x32xi32, #tpu.memory_space<vmem>> -> memref<1x32xi32, #tpu.memory_space<vmem>>
    %dma_start3A_823 = tpu.memref_squeeze %dma_start3A_822 : memref<1x32xi32, #tpu.memory_space<vmem>> -> memref<32xi32, #tpu.memory_space<vmem>>
    %dma_start3A_824 = arith.constant 0 : i32
    %dma_start3A_825 = arith.constant 0 : i32
    %dma_start3A_826 = tpu.memref_slice %arg3[%dma_start3A_824, %dma_start3A_825] : memref<100000x768xf32, #tpu.memory_space<hbm>> -> memref<100000x768xf32, #tpu.memory_space<hbm>>
    %dma_start3A_827 = tpu.memref_slice %arg7[%dma_start3A_816] : memref<4x!tpu.dma_semaphore, #tpu.memory_space<semaphore_mem>> -> memref<1x!tpu.dma_semaphore, #tpu.memory_space<semaphore_mem>>
    %dma_start3A_828 = tpu.memref_squeeze %dma_start3A_827 : memref<1x!tpu.dma_semaphore, #tpu.memory_space<semaphore_mem>> -> memref<!tpu.dma_semaphore, #tpu.memory_space<semaphore_mem>>
    tpu.enqueue_indirect_dma source(%dma_start3A_826 : memref<100000x768xf32, #tpu.memory_space<hbm>>) target(%dma_start3A_820 : memref<32x768xf32, #tpu.memory_space<vmem>>) offsets(%dma_start3A_823 : memref<32xi32, #tpu.memory_space<vmem>>) semaphore(%dma_start3A_828 : memref<!tpu.dma_semaphore, #tpu.memory_space<semaphore_mem>>)
    %dma_wait3A_829 = arith.constant 12 : i32
    %dma_wait3A_830 = arith.constant 0 : i32
    %dma_wait3A_831 = arith.constant 0 : i32
    %dma_wait3A_832 = arith.constant 0 : i32
    %dma_wait3A_833 = arith.constant 0 : i32
    %dma_wait3A_834 = tpu.memref_slice %arg6[%dma_wait3A_830, %dma_wait3A_832, %dma_wait3A_833] : memref<4x32x768xf32, #tpu.memory_space<vmem>> -> memref<1x32x768xf32, #tpu.memory_space<vmem>>
    %dma_wait3A_835 = tpu.memref_squeeze %dma_wait3A_834 : memref<1x32x768xf32, #tpu.memory_space<vmem>> -> memref<32x768xf32, #tpu.memory_space<vmem>>
    %dma_wait3A_836 = arith.constant 0 : i32
    %dma_wait3A_837 = tpu.memref_slice %arg5[%dma_wait3A_829, %dma_wait3A_836] : memref<16x32xi32, #tpu.memory_space<vmem>> -> memref<1x32xi32, #tpu.memory_space<vmem>>
    %dma_wait3A_838 = tpu.memref_squeeze %dma_wait3A_837 : memref<1x32xi32, #tpu.memory_space<vmem>> -> memref<32xi32, #tpu.memory_space<vmem>>
    %dma_wait3A_839 = arith.constant 0 : i32
    %dma_wait3A_840 = arith.constant 0 : i32
    %dma_wait3A_841 = tpu.memref_slice %arg3[%dma_wait3A_839, %dma_wait3A_840] : memref<100000x768xf32, #tpu.memory_space<hbm>> -> memref<100000x768xf32, #tpu.memory_space<hbm>>
    %dma_wait3A_842 = tpu.memref_slice %arg7[%dma_wait3A_831] : memref<4x!tpu.dma_semaphore, #tpu.memory_space<semaphore_mem>> -> memref<1x!tpu.dma_semaphore, #tpu.memory_space<semaphore_mem>>
    %dma_wait3A_843 = tpu.memref_squeeze %dma_wait3A_842 : memref<1x!tpu.dma_semaphore, #tpu.memory_space<semaphore_mem>> -> memref<!tpu.dma_semaphore, #tpu.memory_space<semaphore_mem>>
    tpu.wait_indirect_dma semaphore(%dma_wait3A_843 : memref<!tpu.dma_semaphore, #tpu.memory_space<semaphore_mem>>) src(%dma_wait3A_841 : memref<100000x768xf32, #tpu.memory_space<hbm>>) dst(%dma_wait3A_835 : memref<32x768xf32, #tpu.memory_space<vmem>>)
    %add3A_844 = arith.constant 384 : i32
    %add3A_845 = arith.addi %mul3A_2, %add3A_844 : i32
    %dma_start3A_846 = arith.constant 0 : i32
    %dma_start3A_847 = arith.constant 0 : i32
    %dma_start3A_848 = arith.constant 0 : i32
    %dma_start3A_849 = arith.constant 0 : i32
    %dma_start3A_850 = tpu.memref_slice %arg6[%dma_start3A_846, %dma_start3A_848, %dma_start3A_849] : memref<4x32x768xf32, #tpu.memory_space<vmem>> -> memref<1x32x768xf32, #tpu.memory_space<vmem>>
    %dma_start3A_851 = tpu.memref_squeeze %dma_start3A_850 : memref<1x32x768xf32, #tpu.memory_space<vmem>> -> memref<32x768xf32, #tpu.memory_space<vmem>>
    %dma_start3A_852 = arith.constant 0 : i32
    %dma_start3A_853 = tpu.memref_slice %arg4[%add3A_845, %dma_start3A_852] : memref<16384x768xf32, #tpu.memory_space<hbm>> -> memref<32x768xf32, #tpu.memory_space<hbm>>
    %dma_start3A_854 = tpu.memref_slice %arg7[%dma_start3A_847] : memref<4x!tpu.dma_semaphore, #tpu.memory_space<semaphore_mem>> -> memref<1x!tpu.dma_semaphore, #tpu.memory_space<semaphore_mem>>
    %dma_start3A_855 = tpu.memref_squeeze %dma_start3A_854 : memref<1x!tpu.dma_semaphore, #tpu.memory_space<semaphore_mem>> -> memref<!tpu.dma_semaphore, #tpu.memory_space<semaphore_mem>>
    %dma_start3A_856 = arith.constant 0 : i32
    %dma_start3A_857 = tpu.memref_slice %arg4[%add3A_845, %dma_start3A_856] : memref<16384x768xf32, #tpu.memory_space<hbm>> -> memref<32x768xf32, #tpu.memory_space<hbm>>
    %dma_start3A_858 = arith.constant 0 : i32
    %dma_start3A_859 = arith.constant 0 : i32
    %dma_start3A_860 = tpu.memref_slice %arg6[%dma_start3A_846, %dma_start3A_858, %dma_start3A_859] : memref<4x32x768xf32, #tpu.memory_space<vmem>> -> memref<1x32x768xf32, #tpu.memory_space<vmem>>
    %dma_start3A_861 = tpu.memref_squeeze %dma_start3A_860 : memref<1x32x768xf32, #tpu.memory_space<vmem>> -> memref<32x768xf32, #tpu.memory_space<vmem>>
    tpu.enqueue_dma source(%dma_start3A_861 : memref<32x768xf32, #tpu.memory_space<vmem>>) target(%dma_start3A_857 : memref<32x768xf32, #tpu.memory_space<hbm>>) target_semaphore(%dma_start3A_855 : memref<!tpu.dma_semaphore, #tpu.memory_space<semaphore_mem>>)
    %dma_wait3A_862 = arith.constant 13 : i32
    %dma_wait3A_863 = arith.constant 1 : i32
    %dma_wait3A_864 = arith.constant 1 : i32
    %dma_wait3A_865 = arith.constant 0 : i32
    %dma_wait3A_866 = arith.constant 0 : i32
    %dma_wait3A_867 = tpu.memref_slice %arg6[%dma_wait3A_863, %dma_wait3A_865, %dma_wait3A_866] : memref<4x32x768xf32, #tpu.memory_space<vmem>> -> memref<1x32x768xf32, #tpu.memory_space<vmem>>
    %dma_wait3A_868 = tpu.memref_squeeze %dma_wait3A_867 : memref<1x32x768xf32, #tpu.memory_space<vmem>> -> memref<32x768xf32, #tpu.memory_space<vmem>>
    %dma_wait3A_869 = arith.constant 0 : i32
    %dma_wait3A_870 = tpu.memref_slice %arg5[%dma_wait3A_862, %dma_wait3A_869] : memref<16x32xi32, #tpu.memory_space<vmem>> -> memref<1x32xi32, #tpu.memory_space<vmem>>
    %dma_wait3A_871 = tpu.memref_squeeze %dma_wait3A_870 : memref<1x32xi32, #tpu.memory_space<vmem>> -> memref<32xi32, #tpu.memory_space<vmem>>
    %dma_wait3A_872 = arith.constant 0 : i32
    %dma_wait3A_873 = arith.constant 0 : i32
    %dma_wait3A_874 = tpu.memref_slice %arg3[%dma_wait3A_872, %dma_wait3A_873] : memref<100000x768xf32, #tpu.memory_space<hbm>> -> memref<100000x768xf32, #tpu.memory_space<hbm>>
    %dma_wait3A_875 = tpu.memref_slice %arg7[%dma_wait3A_864] : memref<4x!tpu.dma_semaphore, #tpu.memory_space<semaphore_mem>> -> memref<1x!tpu.dma_semaphore, #tpu.memory_space<semaphore_mem>>
    %dma_wait3A_876 = tpu.memref_squeeze %dma_wait3A_875 : memref<1x!tpu.dma_semaphore, #tpu.memory_space<semaphore_mem>> -> memref<!tpu.dma_semaphore, #tpu.memory_space<semaphore_mem>>
    tpu.wait_indirect_dma semaphore(%dma_wait3A_876 : memref<!tpu.dma_semaphore, #tpu.memory_space<semaphore_mem>>) src(%dma_wait3A_874 : memref<100000x768xf32, #tpu.memory_space<hbm>>) dst(%dma_wait3A_868 : memref<32x768xf32, #tpu.memory_space<vmem>>)
    %add3A_877 = arith.constant 416 : i32
    %add3A_878 = arith.addi %mul3A_2, %add3A_877 : i32
    %dma_start3A_879 = arith.constant 1 : i32
    %dma_start3A_880 = arith.constant 1 : i32
    %dma_start3A_881 = arith.constant 0 : i32
    %dma_start3A_882 = arith.constant 0 : i32
    %dma_start3A_883 = tpu.memref_slice %arg6[%dma_start3A_879, %dma_start3A_881, %dma_start3A_882] : memref<4x32x768xf32, #tpu.memory_space<vmem>> -> memref<1x32x768xf32, #tpu.memory_space<vmem>>
    %dma_start3A_884 = tpu.memref_squeeze %dma_start3A_883 : memref<1x32x768xf32, #tpu.memory_space<vmem>> -> memref<32x768xf32, #tpu.memory_space<vmem>>
    %dma_start3A_885 = arith.constant 0 : i32
    %dma_start3A_886 = tpu.memref_slice %arg4[%add3A_878, %dma_start3A_885] : memref<16384x768xf32, #tpu.memory_space<hbm>> -> memref<32x768xf32, #tpu.memory_space<hbm>>
    %dma_start3A_887 = tpu.memref_slice %arg7[%dma_start3A_880] : memref<4x!tpu.dma_semaphore, #tpu.memory_space<semaphore_mem>> -> memref<1x!tpu.dma_semaphore, #tpu.memory_space<semaphore_mem>>
    %dma_start3A_888 = tpu.memref_squeeze %dma_start3A_887 : memref<1x!tpu.dma_semaphore, #tpu.memory_space<semaphore_mem>> -> memref<!tpu.dma_semaphore, #tpu.memory_space<semaphore_mem>>
    %dma_start3A_889 = arith.constant 0 : i32
    %dma_start3A_890 = tpu.memref_slice %arg4[%add3A_878, %dma_start3A_889] : memref<16384x768xf32, #tpu.memory_space<hbm>> -> memref<32x768xf32, #tpu.memory_space<hbm>>
    %dma_start3A_891 = arith.constant 0 : i32
    %dma_start3A_892 = arith.constant 0 : i32
    %dma_start3A_893 = tpu.memref_slice %arg6[%dma_start3A_879, %dma_start3A_891, %dma_start3A_892] : memref<4x32x768xf32, #tpu.memory_space<vmem>> -> memref<1x32x768xf32, #tpu.memory_space<vmem>>
    %dma_start3A_894 = tpu.memref_squeeze %dma_start3A_893 : memref<1x32x768xf32, #tpu.memory_space<vmem>> -> memref<32x768xf32, #tpu.memory_space<vmem>>
    tpu.enqueue_dma source(%dma_start3A_894 : memref<32x768xf32, #tpu.memory_space<vmem>>) target(%dma_start3A_890 : memref<32x768xf32, #tpu.memory_space<hbm>>) target_semaphore(%dma_start3A_888 : memref<!tpu.dma_semaphore, #tpu.memory_space<semaphore_mem>>)
    %dma_wait3A_895 = arith.constant 14 : i32
    %dma_wait3A_896 = arith.constant 2 : i32
    %dma_wait3A_897 = arith.constant 2 : i32
    %dma_wait3A_898 = arith.constant 0 : i32
    %dma_wait3A_899 = arith.constant 0 : i32
    %dma_wait3A_900 = tpu.memref_slice %arg6[%dma_wait3A_896, %dma_wait3A_898, %dma_wait3A_899] : memref<4x32x768xf32, #tpu.memory_space<vmem>> -> memref<1x32x768xf32, #tpu.memory_space<vmem>>
    %dma_wait3A_901 = tpu.memref_squeeze %dma_wait3A_900 : memref<1x32x768xf32, #tpu.memory_space<vmem>> -> memref<32x768xf32, #tpu.memory_space<vmem>>
    %dma_wait3A_902 = arith.constant 0 : i32
    %dma_wait3A_903 = tpu.memref_slice %arg5[%dma_wait3A_895, %dma_wait3A_902] : memref<16x32xi32, #tpu.memory_space<vmem>> -> memref<1x32xi32, #tpu.memory_space<vmem>>
    %dma_wait3A_904 = tpu.memref_squeeze %dma_wait3A_903 : memref<1x32xi32, #tpu.memory_space<vmem>> -> memref<32xi32, #tpu.memory_space<vmem>>
    %dma_wait3A_905 = arith.constant 0 : i32
    %dma_wait3A_906 = arith.constant 0 : i32
    %dma_wait3A_907 = tpu.memref_slice %arg3[%dma_wait3A_905, %dma_wait3A_906] : memref<100000x768xf32, #tpu.memory_space<hbm>> -> memref<100000x768xf32, #tpu.memory_space<hbm>>
    %dma_wait3A_908 = tpu.memref_slice %arg7[%dma_wait3A_897] : memref<4x!tpu.dma_semaphore, #tpu.memory_space<semaphore_mem>> -> memref<1x!tpu.dma_semaphore, #tpu.memory_space<semaphore_mem>>
    %dma_wait3A_909 = tpu.memref_squeeze %dma_wait3A_908 : memref<1x!tpu.dma_semaphore, #tpu.memory_space<semaphore_mem>> -> memref<!tpu.dma_semaphore, #tpu.memory_space<semaphore_mem>>
    tpu.wait_indirect_dma semaphore(%dma_wait3A_909 : memref<!tpu.dma_semaphore, #tpu.memory_space<semaphore_mem>>) src(%dma_wait3A_907 : memref<100000x768xf32, #tpu.memory_space<hbm>>) dst(%dma_wait3A_901 : memref<32x768xf32, #tpu.memory_space<vmem>>)
    %add3A_910 = arith.constant 448 : i32
    %add3A_911 = arith.addi %mul3A_2, %add3A_910 : i32
    %dma_start3A_912 = arith.constant 2 : i32
    %dma_start3A_913 = arith.constant 2 : i32
    %dma_start3A_914 = arith.constant 0 : i32
    %dma_start3A_915 = arith.constant 0 : i32
    %dma_start3A_916 = tpu.memref_slice %arg6[%dma_start3A_912, %dma_start3A_914, %dma_start3A_915] : memref<4x32x768xf32, #tpu.memory_space<vmem>> -> memref<1x32x768xf32, #tpu.memory_space<vmem>>
    %dma_start3A_917 = tpu.memref_squeeze %dma_start3A_916 : memref<1x32x768xf32, #tpu.memory_space<vmem>> -> memref<32x768xf32, #tpu.memory_space<vmem>>
    %dma_start3A_918 = arith.constant 0 : i32
    %dma_start3A_919 = tpu.memref_slice %arg4[%add3A_911, %dma_start3A_918] : memref<16384x768xf32, #tpu.memory_space<hbm>> -> memref<32x768xf32, #tpu.memory_space<hbm>>
    %dma_start3A_920 = tpu.memref_slice %arg7[%dma_start3A_913] : memref<4x!tpu.dma_semaphore, #tpu.memory_space<semaphore_mem>> -> memref<1x!tpu.dma_semaphore, #tpu.memory_space<semaphore_mem>>
    %dma_start3A_921 = tpu.memref_squeeze %dma_start3A_920 : memref<1x!tpu.dma_semaphore, #tpu.memory_space<semaphore_mem>> -> memref<!tpu.dma_semaphore, #tpu.memory_space<semaphore_mem>>
    %dma_start3A_922 = arith.constant 0 : i32
    %dma_start3A_923 = tpu.memref_slice %arg4[%add3A_911, %dma_start3A_922] : memref<16384x768xf32, #tpu.memory_space<hbm>> -> memref<32x768xf32, #tpu.memory_space<hbm>>
    %dma_start3A_924 = arith.constant 0 : i32
    %dma_start3A_925 = arith.constant 0 : i32
    %dma_start3A_926 = tpu.memref_slice %arg6[%dma_start3A_912, %dma_start3A_924, %dma_start3A_925] : memref<4x32x768xf32, #tpu.memory_space<vmem>> -> memref<1x32x768xf32, #tpu.memory_space<vmem>>
    %dma_start3A_927 = tpu.memref_squeeze %dma_start3A_926 : memref<1x32x768xf32, #tpu.memory_space<vmem>> -> memref<32x768xf32, #tpu.memory_space<vmem>>
    tpu.enqueue_dma source(%dma_start3A_927 : memref<32x768xf32, #tpu.memory_space<vmem>>) target(%dma_start3A_923 : memref<32x768xf32, #tpu.memory_space<hbm>>) target_semaphore(%dma_start3A_921 : memref<!tpu.dma_semaphore, #tpu.memory_space<semaphore_mem>>)
    %dma_wait3A_928 = arith.constant 15 : i32
    %dma_wait3A_929 = arith.constant 3 : i32
    %dma_wait3A_930 = arith.constant 3 : i32
    %dma_wait3A_931 = arith.constant 0 : i32
    %dma_wait3A_932 = arith.constant 0 : i32
    %dma_wait3A_933 = tpu.memref_slice %arg6[%dma_wait3A_929, %dma_wait3A_931, %dma_wait3A_932] : memref<4x32x768xf32, #tpu.memory_space<vmem>> -> memref<1x32x768xf32, #tpu.memory_space<vmem>>
    %dma_wait3A_934 = tpu.memref_squeeze %dma_wait3A_933 : memref<1x32x768xf32, #tpu.memory_space<vmem>> -> memref<32x768xf32, #tpu.memory_space<vmem>>
    %dma_wait3A_935 = arith.constant 0 : i32
    %dma_wait3A_936 = tpu.memref_slice %arg5[%dma_wait3A_928, %dma_wait3A_935] : memref<16x32xi32, #tpu.memory_space<vmem>> -> memref<1x32xi32, #tpu.memory_space<vmem>>
    %dma_wait3A_937 = tpu.memref_squeeze %dma_wait3A_936 : memref<1x32xi32, #tpu.memory_space<vmem>> -> memref<32xi32, #tpu.memory_space<vmem>>
    %dma_wait3A_938 = arith.constant 0 : i32
    %dma_wait3A_939 = arith.constant 0 : i32
    %dma_wait3A_940 = tpu.memref_slice %arg3[%dma_wait3A_938, %dma_wait3A_939] : memref<100000x768xf32, #tpu.memory_space<hbm>> -> memref<100000x768xf32, #tpu.memory_space<hbm>>
    %dma_wait3A_941 = tpu.memref_slice %arg7[%dma_wait3A_930] : memref<4x!tpu.dma_semaphore, #tpu.memory_space<semaphore_mem>> -> memref<1x!tpu.dma_semaphore, #tpu.memory_space<semaphore_mem>>
    %dma_wait3A_942 = tpu.memref_squeeze %dma_wait3A_941 : memref<1x!tpu.dma_semaphore, #tpu.memory_space<semaphore_mem>> -> memref<!tpu.dma_semaphore, #tpu.memory_space<semaphore_mem>>
    tpu.wait_indirect_dma semaphore(%dma_wait3A_942 : memref<!tpu.dma_semaphore, #tpu.memory_space<semaphore_mem>>) src(%dma_wait3A_940 : memref<100000x768xf32, #tpu.memory_space<hbm>>) dst(%dma_wait3A_934 : memref<32x768xf32, #tpu.memory_space<vmem>>)
    %add3A_943 = arith.constant 480 : i32
    %add3A_944 = arith.addi %mul3A_2, %add3A_943 : i32
    %dma_start3A_945 = arith.constant 3 : i32
    %dma_start3A_946 = arith.constant 3 : i32
    %dma_start3A_947 = arith.constant 0 : i32
    %dma_start3A_948 = arith.constant 0 : i32
    %dma_start3A_949 = tpu.memref_slice %arg6[%dma_start3A_945, %dma_start3A_947, %dma_start3A_948] : memref<4x32x768xf32, #tpu.memory_space<vmem>> -> memref<1x32x768xf32, #tpu.memory_space<vmem>>
    %dma_start3A_950 = tpu.memref_squeeze %dma_start3A_949 : memref<1x32x768xf32, #tpu.memory_space<vmem>> -> memref<32x768xf32, #tpu.memory_space<vmem>>
    %dma_start3A_951 = arith.constant 0 : i32
    %dma_start3A_952 = tpu.memref_slice %arg4[%add3A_944, %dma_start3A_951] : memref<16384x768xf32, #tpu.memory_space<hbm>> -> memref<32x768xf32, #tpu.memory_space<hbm>>
    %dma_start3A_953 = tpu.memref_slice %arg7[%dma_start3A_946] : memref<4x!tpu.dma_semaphore, #tpu.memory_space<semaphore_mem>> -> memref<1x!tpu.dma_semaphore, #tpu.memory_space<semaphore_mem>>
    %dma_start3A_954 = tpu.memref_squeeze %dma_start3A_953 : memref<1x!tpu.dma_semaphore, #tpu.memory_space<semaphore_mem>> -> memref<!tpu.dma_semaphore, #tpu.memory_space<semaphore_mem>>
    %dma_start3A_955 = arith.constant 0 : i32
    %dma_start3A_956 = tpu.memref_slice %arg4[%add3A_944, %dma_start3A_955] : memref<16384x768xf32, #tpu.memory_space<hbm>> -> memref<32x768xf32, #tpu.memory_space<hbm>>
    %dma_start3A_957 = arith.constant 0 : i32
    %dma_start3A_958 = arith.constant 0 : i32
    %dma_start3A_959 = tpu.memref_slice %arg6[%dma_start3A_945, %dma_start3A_957, %dma_start3A_958] : memref<4x32x768xf32, #tpu.memory_space<vmem>> -> memref<1x32x768xf32, #tpu.memory_space<vmem>>
    %dma_start3A_960 = tpu.memref_squeeze %dma_start3A_959 : memref<1x32x768xf32, #tpu.memory_space<vmem>> -> memref<32x768xf32, #tpu.memory_space<vmem>>
    tpu.enqueue_dma source(%dma_start3A_960 : memref<32x768xf32, #tpu.memory_space<vmem>>) target(%dma_start3A_956 : memref<32x768xf32, #tpu.memory_space<hbm>>) target_semaphore(%dma_start3A_954 : memref<!tpu.dma_semaphore, #tpu.memory_space<semaphore_mem>>)
    %dma_wait3A_961 = arith.constant 0 : i32
    %dma_wait3A_962 = arith.constant 0 : i32
    %dma_wait3A_963 = arith.constant 0 : i32
    %dma_wait3A_964 = arith.constant 0 : i32
    %dma_wait3A_965 = tpu.memref_slice %arg6[%dma_wait3A_961, %dma_wait3A_963, %dma_wait3A_964] : memref<4x32x768xf32, #tpu.memory_space<vmem>> -> memref<1x32x768xf32, #tpu.memory_space<vmem>>
    %dma_wait3A_966 = tpu.memref_squeeze %dma_wait3A_965 : memref<1x32x768xf32, #tpu.memory_space<vmem>> -> memref<32x768xf32, #tpu.memory_space<vmem>>
    %dma_wait3A_967 = arith.constant 0 : i32
    %dma_wait3A_968 = tpu.memref_slice %arg4[%add3A_845, %dma_wait3A_967] : memref<16384x768xf32, #tpu.memory_space<hbm>> -> memref<32x768xf32, #tpu.memory_space<hbm>>
    %dma_wait3A_969 = tpu.memref_slice %arg7[%dma_wait3A_962] : memref<4x!tpu.dma_semaphore, #tpu.memory_space<semaphore_mem>> -> memref<1x!tpu.dma_semaphore, #tpu.memory_space<semaphore_mem>>
    %dma_wait3A_970 = tpu.memref_squeeze %dma_wait3A_969 : memref<1x!tpu.dma_semaphore, #tpu.memory_space<semaphore_mem>> -> memref<!tpu.dma_semaphore, #tpu.memory_space<semaphore_mem>>
    %dma_wait3A_971 = arith.constant 0 : i32
    %dma_wait3A_972 = tpu.memref_slice %arg4[%add3A_845, %dma_wait3A_971] : memref<16384x768xf32, #tpu.memory_space<hbm>> -> memref<32x768xf32, #tpu.memory_space<hbm>>
    %dma_wait3A_973 = arith.constant 0 : i32
    %dma_wait3A_974 = arith.constant 0 : i32
    %dma_wait3A_975 = tpu.memref_slice %arg6[%dma_wait3A_961, %dma_wait3A_973, %dma_wait3A_974] : memref<4x32x768xf32, #tpu.memory_space<vmem>> -> memref<1x32x768xf32, #tpu.memory_space<vmem>>
    %dma_wait3A_976 = tpu.memref_squeeze %dma_wait3A_975 : memref<1x32x768xf32, #tpu.memory_space<vmem>> -> memref<32x768xf32, #tpu.memory_space<vmem>>
    tpu.wait_dma2 semaphore(%dma_wait3A_970 : memref<!tpu.dma_semaphore, #tpu.memory_space<semaphore_mem>>) src(%dma_wait3A_976 : memref<32x768xf32, #tpu.memory_space<vmem>>) dst(%dma_wait3A_972 : memref<32x768xf32, #tpu.memory_space<hbm>>)
    %dma_wait3A_977 = arith.constant 1 : i32
    %dma_wait3A_978 = arith.constant 1 : i32
    %dma_wait3A_979 = arith.constant 0 : i32
    %dma_wait3A_980 = arith.constant 0 : i32
    %dma_wait3A_981 = tpu.memref_slice %arg6[%dma_wait3A_977, %dma_wait3A_979, %dma_wait3A_980] : memref<4x32x768xf32, #tpu.memory_space<vmem>> -> memref<1x32x768xf32, #tpu.memory_space<vmem>>
    %dma_wait3A_982 = tpu.memref_squeeze %dma_wait3A_981 : memref<1x32x768xf32, #tpu.memory_space<vmem>> -> memref<32x768xf32, #tpu.memory_space<vmem>>
    %dma_wait3A_983 = arith.constant 0 : i32
    %dma_wait3A_984 = tpu.memref_slice %arg4[%add3A_878, %dma_wait3A_983] : memref<16384x768xf32, #tpu.memory_space<hbm>> -> memref<32x768xf32, #tpu.memory_space<hbm>>
    %dma_wait3A_985 = tpu.memref_slice %arg7[%dma_wait3A_978] : memref<4x!tpu.dma_semaphore, #tpu.memory_space<semaphore_mem>> -> memref<1x!tpu.dma_semaphore, #tpu.memory_space<semaphore_mem>>
    %dma_wait3A_986 = tpu.memref_squeeze %dma_wait3A_985 : memref<1x!tpu.dma_semaphore, #tpu.memory_space<semaphore_mem>> -> memref<!tpu.dma_semaphore, #tpu.memory_space<semaphore_mem>>
    %dma_wait3A_987 = arith.constant 0 : i32
    %dma_wait3A_988 = tpu.memref_slice %arg4[%add3A_878, %dma_wait3A_987] : memref<16384x768xf32, #tpu.memory_space<hbm>> -> memref<32x768xf32, #tpu.memory_space<hbm>>
    %dma_wait3A_989 = arith.constant 0 : i32
    %dma_wait3A_990 = arith.constant 0 : i32
    %dma_wait3A_991 = tpu.memref_slice %arg6[%dma_wait3A_977, %dma_wait3A_989, %dma_wait3A_990] : memref<4x32x768xf32, #tpu.memory_space<vmem>> -> memref<1x32x768xf32, #tpu.memory_space<vmem>>
    %dma_wait3A_992 = tpu.memref_squeeze %dma_wait3A_991 : memref<1x32x768xf32, #tpu.memory_space<vmem>> -> memref<32x768xf32, #tpu.memory_space<vmem>>
    tpu.wait_dma2 semaphore(%dma_wait3A_986 : memref<!tpu.dma_semaphore, #tpu.memory_space<semaphore_mem>>) src(%dma_wait3A_992 : memref<32x768xf32, #tpu.memory_space<vmem>>) dst(%dma_wait3A_988 : memref<32x768xf32, #tpu.memory_space<hbm>>)
    %dma_wait3A_993 = arith.constant 2 : i32
    %dma_wait3A_994 = arith.constant 2 : i32
    %dma_wait3A_995 = arith.constant 0 : i32
    %dma_wait3A_996 = arith.constant 0 : i32
    %dma_wait3A_997 = tpu.memref_slice %arg6[%dma_wait3A_993, %dma_wait3A_995, %dma_wait3A_996] : memref<4x32x768xf32, #tpu.memory_space<vmem>> -> memref<1x32x768xf32, #tpu.memory_space<vmem>>
    %dma_wait3A_998 = tpu.memref_squeeze %dma_wait3A_997 : memref<1x32x768xf32, #tpu.memory_space<vmem>> -> memref<32x768xf32, #tpu.memory_space<vmem>>
    %dma_wait3A_999 = arith.constant 0 : i32
    %dma_wait3A_1000 = tpu.memref_slice %arg4[%add3A_911, %dma_wait3A_999] : memref<16384x768xf32, #tpu.memory_space<hbm>> -> memref<32x768xf32, #tpu.memory_space<hbm>>
    %dma_wait3A_1001 = tpu.memref_slice %arg7[%dma_wait3A_994] : memref<4x!tpu.dma_semaphore, #tpu.memory_space<semaphore_mem>> -> memref<1x!tpu.dma_semaphore, #tpu.memory_space<semaphore_mem>>
    %dma_wait3A_1002 = tpu.memref_squeeze %dma_wait3A_1001 : memref<1x!tpu.dma_semaphore, #tpu.memory_space<semaphore_mem>> -> memref<!tpu.dma_semaphore, #tpu.memory_space<semaphore_mem>>
    %dma_wait3A_1003 = arith.constant 0 : i32
    %dma_wait3A_1004 = tpu.memref_slice %arg4[%add3A_911, %dma_wait3A_1003] : memref<16384x768xf32, #tpu.memory_space<hbm>> -> memref<32x768xf32, #tpu.memory_space<hbm>>
    %dma_wait3A_1005 = arith.constant 0 : i32
    %dma_wait3A_1006 = arith.constant 0 : i32
    %dma_wait3A_1007 = tpu.memref_slice %arg6[%dma_wait3A_993, %dma_wait3A_1005, %dma_wait3A_1006] : memref<4x32x768xf32, #tpu.memory_space<vmem>> -> memref<1x32x768xf32, #tpu.memory_space<vmem>>
    %dma_wait3A_1008 = tpu.memref_squeeze %dma_wait3A_1007 : memref<1x32x768xf32, #tpu.memory_space<vmem>> -> memref<32x768xf32, #tpu.memory_space<vmem>>
    tpu.wait_dma2 semaphore(%dma_wait3A_1002 : memref<!tpu.dma_semaphore, #tpu.memory_space<semaphore_mem>>) src(%dma_wait3A_1008 : memref<32x768xf32, #tpu.memory_space<vmem>>) dst(%dma_wait3A_1004 : memref<32x768xf32, #tpu.memory_space<hbm>>)
    %dma_wait3A_1009 = arith.constant 3 : i32
    %dma_wait3A_1010 = arith.constant 3 : i32
    %dma_wait3A_1011 = arith.constant 0 : i32
    %dma_wait3A_1012 = arith.constant 0 : i32
    %dma_wait3A_1013 = tpu.memref_slice %arg6[%dma_wait3A_1009, %dma_wait3A_1011, %dma_wait3A_1012] : memref<4x32x768xf32, #tpu.memory_space<vmem>> -> memref<1x32x768xf32, #tpu.memory_space<vmem>>
    %dma_wait3A_1014 = tpu.memref_squeeze %dma_wait3A_1013 : memref<1x32x768xf32, #tpu.memory_space<vmem>> -> memref<32x768xf32, #tpu.memory_space<vmem>>
    %dma_wait3A_1015 = arith.constant 0 : i32
    %dma_wait3A_1016 = tpu.memref_slice %arg4[%add3A_944, %dma_wait3A_1015] : memref<16384x768xf32, #tpu.memory_space<hbm>> -> memref<32x768xf32, #tpu.memory_space<hbm>>
    %dma_wait3A_1017 = tpu.memref_slice %arg7[%dma_wait3A_1010] : memref<4x!tpu.dma_semaphore, #tpu.memory_space<semaphore_mem>> -> memref<1x!tpu.dma_semaphore, #tpu.memory_space<semaphore_mem>>
    %dma_wait3A_1018 = tpu.memref_squeeze %dma_wait3A_1017 : memref<1x!tpu.dma_semaphore, #tpu.memory_space<semaphore_mem>> -> memref<!tpu.dma_semaphore, #tpu.memory_space<semaphore_mem>>
    %dma_wait3A_1019 = arith.constant 0 : i32
    %dma_wait3A_1020 = tpu.memref_slice %arg4[%add3A_944, %dma_wait3A_1019] : memref<16384x768xf32, #tpu.memory_space<hbm>> -> memref<32x768xf32, #tpu.memory_space<hbm>>
    %dma_wait3A_1021 = arith.constant 0 : i32
    %dma_wait3A_1022 = arith.constant 0 : i32
    %dma_wait3A_1023 = tpu.memref_slice %arg6[%dma_wait3A_1009, %dma_wait3A_1021, %dma_wait3A_1022] : memref<4x32x768xf32, #tpu.memory_space<vmem>> -> memref<1x32x768xf32, #tpu.memory_space<vmem>>
    %dma_wait3A_1024 = tpu.memref_squeeze %dma_wait3A_1023 : memref<1x32x768xf32, #tpu.memory_space<vmem>> -> memref<32x768xf32, #tpu.memory_space<vmem>>
    tpu.wait_dma2 semaphore(%dma_wait3A_1018 : memref<!tpu.dma_semaphore, #tpu.memory_space<semaphore_mem>>) src(%dma_wait3A_1024 : memref<32x768xf32, #tpu.memory_space<vmem>>) dst(%dma_wait3A_1020 : memref<32x768xf32, #tpu.memory_space<hbm>>)
    return
  }
}

</mosaic_0001>

<sc_bundles>
// kernel: kernel.3.cloned.1.call-start
scs
__scs_entry_jumppad:
0x0: {  	(pc) =	sbr.rel $0x88, $3  }
0x1: {  	(tag) =	ssettag $0x0;
	lr =	simm.s32 $0x1  }
0x2: {  	[smem:$0x3F9F] =	sst lr;
	_ =	strace $0xD0000000  }
0x3: {  	_ = 	snop  }
0x4: {  	_ = 	snop  }
0x5: {  	_ = 	snop  }
0x6: {  	_ = 	snop  }
0x7: {  	_ = 	snop  }
__scs_overlays_trampoline_lowered:
0x8: {  	[smem:$0x3FAE] =	sst s0  }
0x9: {  	[smem:$0x3FAF] =	sst s1  }
0xa: {  	[smem:$0x3FB0] =	sst s2  }
0xb: {  	[smem:$0x3FB1] =	sst s3  }
0xc: {  	[smem:$0x3FB2] =	sst s4  }
0xd: {  	[smem:$0x3FB3] =	sst s5  }
0xe: {  	[smem:$0x3FB4] =	sst s6  }
0xf: {  	[smem:$0x3FB5] =	sst s7  }
0x10: {  	[smem:$0x3FB6] =	sst s8  }
0x11: {  	[smem:$0x3FB7] =	sst s9;
	s0 =	simm.s32 @!p0 $0x0  }
0x12: {  	s1 =	sld [smem:$0x3F9D];
	s0 =	simm.s32 @p0 $0x1  }
0x13: {  	[smem:$0x3FB8] =	sst s0;
	s0 =	simm.s32 @!p1 $0x0  }
0x14: {  	s2 =	sld [smem:$0x3F9C];
	s0 =	simm.s32 @p1 $0x1  }
0x15: {  	[smem:$0x3FB9] =	sst s0;
	s0 =	simm.s32 @!p2 $0x0  }
0x16: {  	s3 =	sld [smem:$0x3FDB];
	s0 =	simm.s32 @p2 $0x1  }
0x17: {  	s4 =	simm.s32 $0x1BF5;
	[smem:$0x3FBB] =	sst s0  }
0x18: {  	s0 =	sld [smem:$0x3F9E];
	_ =	swait.ge [sflag:s4], $0x0  }
0x19: {  	s7 =	sld [smem:$0x3F9F]  }
0x1a: {  	s8 =	sadd.s32 $0xFFFFE003, lr  }
0x1b: {  	s9 =	sadd.s32 $0xFFFFFEF7, lr;
	s5 =	simm.s32 $0xFFFFFFFF;
	p2 =	slt.u32 s8, $0xFFFFF086  }
0x1c: {  	p1 =	slt.u32 s9, $0xF7A;
	s5 =	simm.s32 @!p2 $0x0  }
0x1d: {  	s5 =	simm.s32 @p1 $0x1;
	p0 =	seq.s32 s7, s2  }
0x1e: {  	s7 =	smul.u32 @!p0 $0xF7A, s2;
	p2 =	seq.s32 @!p0 s5, $0x0  }
0x1f: {  	s9 =	smul.u32 $0xF7A, s1;
	s8 =	simm.s32 @!p0 $0x1BF5;
	p2 =	por !p2, p0  }
0x20: {  	[sflag:s8] =	ssyncset.s32 @!p0 $0xFFFFF086;
	s6 =	sadd.s32 @!p0 s3, s7;
	s7 =	simm.s32 @!p0 $0x108  }
0x21: {  	s3 =	sadd.s32 s3, s9;
	s6 =	sadd.s32 @!p0 $0x88, s6;
	s7 =	simm.s32 @p2 $0x1082  }
0x22: {  	[simem:s7], [sflag:s8] =	dma.local @!p0 [hbm:s6], $0xF7A  }
0x23: {  	s9 =	sor.u32 $0xD0000000, s2;
	s6 =	simm.s32 $0x108;
	_ =	swait.ge @!p0 [sflag:s8], $0x0  }
0x24: {  	s3 =	sadd.s32 $0x88, s3;
	s6 =	simm.s32 @!p1 $0x1082;
	[sflag:s4] =	ssyncset.s32 $0xFFFFF086  }
0x25: {  	[simem:s6], [sflag:s4] =	dma.local [hbm:s3], $0xF7A  }
0x26: {  	[smem:$0x3F9F] =	sst s1;
	(tag) =	ssettag s2;
	_ =	strace s9  }
0x27: {  	s1 =	sld [smem:$0x3FAF]  }
0x28: {  	s2 =	sld [smem:$0x3FB0]  }
0x29: {  	s4 =	sld [smem:$0x3FB2]  }
0x2a: {  	p0 =	seq.s32 s5, $0x0;
	s5 =	sld [smem:$0x3FB3]  }
0x2b: {  	s6 =	sld [smem:$0x3FB4]  }
0x2c: {  	s7 =	sld [smem:$0x3FB5]  }
0x2d: {  	s3 =	simm.s32 $0x108;
	s8 =	sld [smem:$0x3FB6]  }
0x2e: {  	s3 =	simm.s32 @!p0 $0x1082;
	s9 =	sld [smem:$0x3FB7]  }
0x2f: {  	lr =	sadd.s32 s0, s3;
	s0 =	sld [smem:$0x3FAE]  }
0x30: {  	s3 =	sld [smem:$0x3FB1]  }
0x31: {  	[smem:$0x3FBA] =	sst s10  }
0x32: {  	s10 =	sld [smem:$0x3FB8];
	_ =	sdelay $0x3  }
0x33: {  	p0 =	seq.s32 s10, $0x1;
	s10 =	sld [smem:$0x3FBA];
	_ =	sdelay $0x3  }
0x34: {  	[smem:$0x3FBA] =	sst s10  }
0x35: {  	s10 =	sld [smem:$0x3FB9];
	_ =	sdelay $0x3  }
0x36: {  	p1 =	seq.s32 s10, $0x1;
	s10 =	sld [smem:$0x3FBA];
	_ =	sdelay $0x3  }
0x37: {  	[smem:$0x3FBA] =	sst s10  }
0x38: {  	s10 =	sld [smem:$0x3FBB]  }
0x39: {  	_ = 	snop;
	(pc) =	sbr.ind lr, $3  }
0x3a: {  	_ = 	snop  }
0x3b: {  	_ = 	snop  }
0x3c: {  	p2 =	seq.s32 s10, $0x1;
	s10 =	sld [smem:$0x3FBA]  }
0x3d: {  	_ =	shalt  }
0x3e: {  	_ =	shalt  }
0x3f: {  	_ =	shalt  }
0x40: {  	_ =	shalt  }
0x41: {  	_ =	shalt  }
0x42: {  	_ =	shalt  }
0x43: {  	_ =	shalt  }
0x44: {  	_ =	shalt  }
0x45: {  	_ =	shalt  }
0x46: {  	_ =	shalt  }
0x47: {  	_ =	shalt  }
0x48: {  	_ =	shalt  }
0x49: {  	_ =	shalt  }
0x4a: {  	_ =	shalt  }
0x4b: {  	_ =	shalt  }
0x4c: {  	_ =	shalt  }
0x4d: {  	_ =	shalt  }
0x4e: {  	_ =	shalt  }
0x4f: {  	_ =	shalt  }
0x50: {  	_ =	shalt  }
0x51: {  	_ =	shalt  }
0x52: {  	_ =	shalt  }
0x53: {  	_ =	shalt  }
0x54: {  	_ =	shalt  }
0x55: {  	_ =	shalt  }
0x56: {  	_ =	shalt  }
0x57: {  	_ =	shalt  }
0x58: {  	_ =	shalt  }
0x59: {  	_ =	shalt  }
0x5a: {  	_ =	shalt  }
0x5b: {  	_ =	shalt  }
0x5c: {  	_ =	shalt  }
0x5d: {  	_ =	shalt  }
0x5e: {  	_ =	shalt  }
0x5f: {  	_ =	shalt  }
0x60: {  	_ =	shalt  }
0x61: {  	_ =	shalt  }
0x62: {  	_ =	shalt  }
0x63: {  	_ =	shalt  }
0x64: {  	_ =	shalt  }
0x65: {  	_ =	shalt  }
0x66: {  	_ =	shalt  }
0x67: {  	_ =	shalt  }
0x68: {  	_ =	shalt  }
0x69: {  	_ =	shalt  }
0x6a: {  	_ =	shalt  }
0x6b: {  	_ =	shalt  }
0x6c: {  	_ =	shalt  }
0x6d: {  	_ =	shalt  }
0x6e: {  	_ =	shalt  }
0x6f: {  	_ =	shalt  }
0x70: {  	_ =	shalt  }
0x71: {  	_ =	shalt  }
0x72: {  	_ =	shalt  }
0x73: {  	_ =	shalt  }
0x74: {  	_ =	shalt  }
0x75: {  	_ =	shalt  }
0x76: {  	_ =	shalt  }
0x77: {  	_ =	shalt  }
0x78: {  	_ =	shalt  }
0x79: {  	_ =	shalt  }
0x7a: {  	_ =	shalt  }
0x7b: {  	_ =	shalt  }
0x7c: {  	_ =	shalt  }
0x7d: {  	_ =	shalt  }
0x7e: {  	_ =	shalt  }
0x7f: {  	_ =	shalt  }
0x80: {  	_ =	shalt  }
0x81: {  	_ =	shalt  }
0x82: {  	_ =	shalt  }
0x83: {  	_ =	shalt  }
0x84: {  	_ =	shalt  }
0x85: {  	_ =	shalt  }
0x86: {  	_ =	shalt  }
0x87: {  	_ =	shalt  }
.Lfunc_end0:
.L_simem_size_0:
called_computation_lowered:
.L_overlay_start_0:
0x88: {  	s2 =	sld [smem:$0x3FD9]  }
0x89: {  	s3 =	sld [smem:$0x3FFE];
	_ =	sdelay $0x1  }
0x8a: {  	s1 =	srdreg.scid  }
0x8b: {  	s0 =	sand.u32 $0x1, s1  }
0x8c: {  	s17 =	sshll.u32 s0, $0xA;
	s2 =	sadd.s32 s3, s2  }
0x8d: {  	s2 =	sadd.s32 s2, s17  }
0x8e: {  	[smem:$0x3FC6] =	sst s2  }
0x8f: {  	_ = 	snop  }
0x90: {  	s2 =	sld [smem:$0x3FC8]  }
0x91: {  	s18 =	sld [smem:$0x3FD0];
	(tm) =	ssettm $0x1  }
0x92: {  	s4 =	sld [smem:$0x3FFB];
	_ =	sdelay $0x3  }
0x93: {  	_ =	strace s4  }
0x94: {  	s4 =	sld [smem:$0x3FFC];
	_ =	sdelay $0x3  }
0x95: {  	_ =	strace s4  }
0x96: {  	s4 =	sld [smem:$0x3FFD];
	_ =	sdelay $0x3  }
0x97: {  	_ =	strace s4  }
0x98: {  	_ =	strace $0x8FFFFFFF  }
0x99: {  	s19 =	sld [smem:$0x3FDB];
	_ =	sdelay $0x1  }
0x9a: {  	s5 =	simm.s32 $_scs_section_size  }
0x9b: {  	s6 =	simm.s32 $_size__tile_overlayer_lowered;
	s7 =	simm.s32 $_tile_overlayer_lowered  }
0x9c: {  	s22 =	simm.s32 $0x1BFF;
	s21 =	sshll.u32 s7, $0x1;
	s4 =	sadd.s32 s5, s19  }
0x9d: {  	s8 =	simm.s32 $0x0;
	s20 =	sshll.u32 s6, $0x1;
	s6 =	sadd.s32 s21, s4  }
0x9e: {  	[timem:s8], [sflag:s22] =	dma.local [hbm:s6], s20  }
0x9f: {  	_ =	swait.ge [sflag:s22], s20  }
0xa0: {  	s5 =	ssub.s32 $0x0, s20;
	[sflag:s22] =	ssyncset.done $0x0  }
0xa1: {  	[sflag:s22] =	ssyncadd.s32 s5;
	_ =	sdelay $0x1  }
0xa2: {  	s23 =	simm.s32 $0x1B8B  }
0xa3: {  	_ =	swait.ge [sflag:s23], $0x1  }
0xa4: {  	[sflag:s23] =	ssyncset.done $0x0  }
0xa5: {  	s25 =	simm.s32 $0x1B8E;
	s24 =	sld [smem:$0x3FFE];
	[sflag:s23] =	ssyncadd.s32 $0xFFFFFFFF  }
0xa6: {  	s26 =	simm.s32 $execute0_lowered;
	[smem:$0x3FD2] =	sst s25  }
0xa7: {  	s6 =	sshll.u32 s26, $0x1;
	_ =	strace $0x80000046;
	[dreg:$0x1] =	wrdreg $0xFFFFFFFF  }
0xa8: {  	s28 =	simm.s32 $_size_execute0_lowered;
	s4 =	sadd.s32 s4, s6;
	[dreg:$0x0] =	wrdreg $0x0  }
0xa9: {  	s6 =	sshll.u32 s28, $0x1;
	[dreg:$0x2] =	wrdreg s4  }
0xaa: {  	[dreg:$0x3] =	wrdreg s6  }
0xab: {  	[dreg:$0x4] =	wrdreg $0xC0  }
0xac: {  	_ =	task [dreg:s8], $0x5FFFF  }
0xad: {  	[dreg:$0x1] =	wrdreg $0xFFFFFFFF  }
0xae: {  	[dreg:$0x0] =	wrdreg $0x60  }
0xaf: {  	[dreg:$0x2] =	wrdreg s24  }
0xb0: {  	[dreg:$0x3] =	wrdreg s2  }
0xb1: {  	[dreg:$0x4] =	wrdreg s18  }
0xb2: {  	[dreg:$0x5] =	wrdreg $0x9  }
0xb3: {  	_ =	task.clear_ibuf [dreg:s8], $0x6FFFF;
	_ =	strace $0x90000046  }
0xb4: {  	s29 =	simm.s32 $0x9;
	_ =	strace $0x80000048  }
0xb5: {  	_ =	swait.ge [sflag:s29], $0x1  }
0xb6: {  	[sflag:s29] =	ssyncadd.s32 $0xFFFFFFFF  }
0xb7: {  	_ =	strace $0x90000048  }
0xb8: {  	_ =	sfence  }
0xb9: {  	s30 =	sld [smem:$0x0];
	_ =	sdelay $0x2  }
0xba: {  	s31 =	sshll.u32 s1, $0xD;
	s1 =	sshrl.u32 s1, $0x2  }
0xbb: {  	s3 =	sand.u32 $0x4000, s31;
	s1 =	sadd.s32 s1, s30  }
0xbc: {  	s0 =	sor.u32 s3, s0;
	s1 =	sshll.u32 s1, $0x11  }
0xbd: {  	s0 =	sor.u32 s1, s0  }
0xbe: {  	s0 =	sadd.s32 $0x8F2B, s0  }
0xbf: {  	[sflag:s0] =	ssyncadd.remote.s32 $0x1  }
0xc0: {  	_ =	sfence.sel $0xFFFF  }
0xc1: {  	[dreg:$0x0] =	wrdreg $0xFFFFFFFF;
	(pc) =	sbr.abs _section_cstart, $3  }
0xc2: {  	[dreg:$0x1] =	wrdreg $0xFFFFFFFF  }
0xc3: {  	_ =	task.clear_ibuf [dreg:s8], $0x2FFFF;
	_ =	strace $0x9FFFFFFF  }
0xc4: {  	(tm) =	ssettm $0x7FFFFFFF  }
0xc5: {  	_ =	shalt  }
tec
execute0_lowered:
.L_overlay_start_1:
0x0: {  	(tag) =	ssettag $0x1  }
0x1: {  	s1 =	srdreg.scid;
	s3 =	stileid.u32  }
0x2: {  	s0 =	rddreg [dreg:$0x0];
	s1 =	sand.u32 $0x1, s1;
	s3 =	sshll.u32 s3, $0x1  }
0x3: {  	s2 =	rddreg [dreg:$0x1];
	s5 =	sor.u32 s1, s3  }
0x4: {  	s4 =	rddreg [dreg:$0x2];
	s6 =	sshll.u32 s5, $0x8  }
0x5: {  	s3 =	simm.s32 $0x0;
	s7 =	smul.u32 $0xC000, s5;
	s0 =	sadd.s32 s6, s0  }
0x6: {  	[smem:$0x7FF] =	sst s3;
	s0 =	sadd.s32 $0x400, s0  }
0x7: {  	_ =	strace $0x80000047;
	s14 =	sadd.s32 s4, s7;
	[dreg:$0x4] =	wrdreg s0  }
0x8: {  	s15 =	sadd.s32 $0xC00, s14;
	[dreg:$0x14] =	wrdreg s14  }
0x9: {  	s5 =	smul.u32 $0x60000, s5;
	s16 =	sadd.s32 $0x1800, s14;
	[dreg:$0x5] =	wrdreg s15  }
0xa: {  	s8 =	simm.s32 $0x1;
	s17 =	sadd.s32 $0x2400, s14;
	[dreg:$0x6] =	wrdreg s16  }
0xb: {  	s5 =	sshrl.u32 s5, $0x3;
	s18 =	sadd.s32 $0x3000, s14;
	[dreg:$0x7] =	wrdreg s17  }
0xc: {  	s19 =	sadd.s32 $0x3C00, s14;
	s4 =	sadd.s32 s4, s5;
	[dreg:$0x8] =	wrdreg s18  }
0xd: {  	s10 =	simm.s32 $0x2;
	[dreg:$0x9] =	wrdreg s19;
	s20 =	sadd.s32 $0x4800, s4  }
0xe: {  	s11 =	simm.s32 $0x3;
	s21 =	sadd.s32 $0x5400, s4;
	[dreg:$0xa] =	wrdreg s20  }
0xf: {  	s12 =	simm.s32 $0x4;
	s22 =	sadd.s32 $0x6000, s4;
	[dreg:$0xb] =	wrdreg s21  }
0x10: {  	s1 =	ssub.s32 $0x2, s1;
	s23 =	sadd.s32 $0x6C00, s4;
	[dreg:$0xc] =	wrdreg s22  }
0x11: {  	s29 =	sshrl.u32 s1, $0x1;
	s24 =	sadd.s32 $0x7800, s4;
	[dreg:$0xd] =	wrdreg s23  }
0x12: {  	s1 =	ssub.s32 s1, s29;
	s25 =	sadd.s32 $0x8400, s4;
	[dreg:$0xe] =	wrdreg s24  }
0x13: {  	s6 =	sadd.s32 $0x200, s2;
	s26 =	sadd.s32 $0x9000, s4;
	[dreg:$0xf] =	wrdreg s25  }
0x14: {  	s7 =	smax.u32 s1, $0x1;
	s28 =	sadd.s32 $0x9C00, s4;
	[dreg:$0x10] =	wrdreg s26  }
0x15: {  	v2 =	vlaneseq.u32;
	s5 =	sadd.s32 $0x100, s2;
	s30 =	sadd.s32 $0xA800, s4;
	[dreg:$0x11] =	wrdreg s28  }
0x16: {  	vm0 =	vmmov $0xffff;
	v1 =	vshrl.u32 v2, $0x3;
	s31 =	sadd.s32 $0xB400, s4;
	s4 =	simm.s32 $0x6800;
	[dreg:$0x12] =	wrdreg s30  }
0x17: {  	v0 =	vand.u32 $0x7, v2;
	v2 =	vor.u32 $0x8, v2;
	v1 =	vmul.u32 $0x8, v1;
	[dreg:$0x13] =	wrdreg s31;
	s21 =	simm.s32 $0x800;
	s20 =	simm.s32 $0xC800  }
.LBB2_1:
0x18: {  	s13 =	rddreg [dreg:$0x4];
	s1 =	simm.s32 $0x5  }
0x19: {  	[tilespmem:s3], [sflag:$0x5] =	stream.linear.gather [hbm4b:s13+s3], $0x800, $0x38;
	[tilespmem:$0x18800] =	vst v63  }
0x1a: {  	_ =	swait.ge [sflag:s1], $0x800  }
0x1b: {  	[sflag:s1] =	ssyncset.done $0x0  }
0x1c: {  	[sflag:s1] =	ssyncadd.s32 $0xFFFFF800  }
0x1d: {  	v3 =	vld [tilespmem:$0x0];
	_ =	sdelay $0x4  }
0x1e: {  	v4 =	vshrl.u32 v3, $0x3  }
0x1f: {  	v4 =	vmul.u32 $0x30, v4  }
0x20: {  	v3 =	vand.u32 $0x7, v3  }
0x21: {  	v3 =	vor.u32 v3, v4  }
0x22: {  	v4 =	vperm.xlane v3, v0;
	_ =	sdelay $0x1  }
0x23: {  	v4 =	vadd.s32 v1, v4;
	_ =	sdelay $0x3  }
0x24: {  	v3 =	vperm.xlane v3, v2  }
0x25: {  	[tilespmem:s21], [sflag:$0x1] =	stream.indirect_vreg.gather [hbm4b:s2+s3], $0x80, v4, vm0, $0xb8;
	[tilespmem:$0x18800] =	vst v63  }
0x26: {  	s0 =	simm.s32 $0x1000;
	v3 =	vadd.s32 v1, v3  }
0x27: {  	[tilespmem:s0], [sflag:$0x1] =	stream.indirect_vreg.gather [hbm4b:s5+s3], $0x80, v4, vm0, $0xb8;
	[tilespmem:$0x18800] =	vst v63  }
0x28: {  	s9 =	simm.s32 $0x1800  }
0x29: {  	[tilespmem:s9], [sflag:$0x1] =	stream.indirect_vreg.gather [hbm4b:s6+s3], $0x80, v4, vm0, $0xb8;
	[tilespmem:$0x18800] =	vst v63  }
0x2a: {  	s13 =	simm.s32 $0x2000  }
0x2b: {  	[tilespmem:s13], [sflag:$0x1] =	stream.indirect_vreg.gather [hbm4b:s2+s3], $0x80, v3, vm0, $0xb8;
	[tilespmem:$0x18800] =	vst v63  }
0x2c: {  	s14 =	simm.s32 $0x2800  }
0x2d: {  	[tilespmem:s14], [sflag:$0x1] =	stream.indirect_vreg.gather [hbm4b:s5+s3], $0x80, v3, vm0, $0xb8;
	[tilespmem:$0x18800] =	vst v63  }
0x2e: {  	s15 =	simm.s32 $0x3000  }
0x2f: {  	[tilespmem:s15], [sflag:$0x1] =	stream.indirect_vreg.gather [hbm4b:s6+s3], $0x80, v3, vm0, $0xb8;
	[tilespmem:$0x18800] =	vst v63  }
0x30: {  	v3 =	vld [tilespmem:$0x10];
	_ =	sdelay $0x4  }
0x31: {  	v33 =	vshrl.u32 v3, $0x3  }
0x32: {  	v4 =	vmul.u32 $0x30, v33  }
0x33: {  	v3 =	vand.u32 $0x7, v3  }
0x34: {  	v3 =	vor.u32 v3, v4  }
0x35: {  	v4 =	vperm.xlane v3, v0;
	_ =	sdelay $0x1  }
0x36: {  	v4 =	vadd.s32 v1, v4;
	_ =	sdelay $0x3  }
0x37: {  	s16 =	simm.s32 $0x3800;
	v3 =	vperm.xlane v3, v2  }
0x38: {  	[tilespmem:s16], [sflag:$0x1] =	stream.indirect_vreg.gather [hbm4b:s2+s3], $0x80, v4, vm0, $0xb8;
	[tilespmem:$0x18800] =	vst v63  }
0x39: {  	s17 =	simm.s32 $0x4000;
	v3 =	vadd.s32 v1, v3  }
0x3a: {  	[tilespmem:s17], [sflag:$0x1] =	stream.indirect_vreg.gather [hbm4b:s5+s3], $0x80, v4, vm0, $0xb8;
	[tilespmem:$0x18800] =	vst v63  }
0x3b: {  	s18 =	simm.s32 $0x4800  }
0x3c: {  	[tilespmem:s18], [sflag:$0x1] =	stream.indirect_vreg.gather [hbm4b:s6+s3], $0x80, v4, vm0, $0xb8;
	[tilespmem:$0x18800] =	vst v63  }
0x3d: {  	s19 =	simm.s32 $0x5000  }
0x3e: {  	[tilespmem:s19], [sflag:$0x1] =	stream.indirect_vreg.gather [hbm4b:s2+s3], $0x80, v3, vm0, $0xb8;
	[tilespmem:$0x18800] =	vst v63  }
0x3f: {  	s22 =	simm.s32 $0x5800  }
0x40: {  	[tilespmem:s22], [sflag:$0x1] =	stream.indirect_vreg.gather [hbm4b:s5+s3], $0x80, v3, vm0, $0xb8;
	[tilespmem:$0x18800] =	vst v63  }
0x41: {  	s28 =	simm.s32 $0x6000  }
0x42: {  	[tilespmem:s28], [sflag:$0x1] =	stream.indirect_vreg.gather [hbm4b:s6+s3], $0x80, v3, vm0, $0xb8;
	[tilespmem:$0x18800] =	vst v63  }
0x43: {  	v3 =	vld [tilespmem:$0x80];
	_ =	sdelay $0x4  }
0x44: {  	v34 =	vshrl.u32 v3, $0x3  }
0x45: {  	v4 =	vmul.u32 $0x30, v34  }
0x46: {  	v3 =	vand.u32 $0x7, v3  }
0x47: {  	v3 =	vor.u32 v3, v4  }
0x48: {  	v4 =	vperm.xlane v3, v0;
	_ =	sdelay $0x1  }
0x49: {  	v4 =	vadd.s32 v1, v4;
	_ =	sdelay $0x3  }
0x4a: {  	v3 =	vperm.xlane v3, v2  }
0x4b: {  	[tilespmem:s4], [sflag:$0x2] =	stream.indirect_vreg.gather [hbm4b:s2+s3], $0x80, v4, vm0, $0xb8;
	[tilespmem:$0x18800] =	vst v63  }
0x4c: {  	s29 =	simm.s32 $0x7000;
	v3 =	vadd.s32 v1, v3  }
0x4d: {  	[tilespmem:s29], [sflag:$0x2] =	stream.indirect_vreg.gather [hbm4b:s5+s3], $0x80, v4, vm0, $0xb8;
	[tilespmem:$0x18800] =	vst v63  }
0x4e: {  	s30 =	simm.s32 $0x7800  }
0x4f: {  	[tilespmem:s30], [sflag:$0x2] =	stream.indirect_vreg.gather [hbm4b:s6+s3], $0x80, v4, vm0, $0xb8;
	[tilespmem:$0x18800] =	vst v63  }
0x50: {  	s31 =	simm.s32 $0x8000  }
0x51: {  	[tilespmem:s31], [sflag:$0x2] =	stream.indirect_vreg.gather [hbm4b:s2+s3], $0x80, v3, vm0, $0xb8;
	[tilespmem:$0x18800] =	vst v63  }
0x52: {  	s13 =	simm.s32 $0x8800  }
0x53: {  	[tilespmem:s13], [sflag:$0x2] =	stream.indirect_vreg.gather [hbm4b:s5+s3], $0x80, v3, vm0, $0xb8;
	[tilespmem:$0x18800] =	vst v63  }
0x54: {  	s19 =	simm.s32 $0x9000  }
0x55: {  	[tilespmem:s19], [sflag:$0x2] =	stream.indirect_vreg.gather [hbm4b:s6+s3], $0x80, v3, vm0, $0xb8;
	[tilespmem:$0x18800] =	vst v63  }
0x56: {  	v3 =	vld [tilespmem:$0x90];
	_ =	sdelay $0x4  }
0x57: {  	v35 =	vshrl.u32 v3, $0x3  }
0x58: {  	v4 =	vmul.u32 $0x30, v35  }
0x59: {  	v3 =	vand.u32 $0x7, v3  }
0x5a: {  	v3 =	vor.u32 v3, v4  }
0x5b: {  	v4 =	vperm.xlane v3, v0;
	_ =	sdelay $0x1  }
0x5c: {  	v4 =	vadd.s32 v1, v4;
	_ =	sdelay $0x3  }
0x5d: {  	s22 =	simm.s32 $0x9800;
	v3 =	vperm.xlane v3, v2  }
0x5e: {  	[tilespmem:s22], [sflag:$0x2] =	stream.indirect_vreg.gather [hbm4b:s2+s3], $0x80, v4, vm0, $0xb8;
	[tilespmem:$0x18800] =	vst v63  }
0x5f: {  	s31 =	simm.s32 $0xA000;
	v3 =	vadd.s32 v1, v3  }
0x60: {  	[tilespmem:s31], [sflag:$0x2] =	stream.indirect_vreg.gather [hbm4b:s5+s3], $0x80, v4, vm0, $0xb8;
	[tilespmem:$0x18800] =	vst v63  }
0x61: {  	s13 =	simm.s32 $0xA800  }
0x62: {  	[tilespmem:s13], [sflag:$0x2] =	stream.indirect_vreg.gather [hbm4b:s6+s3], $0x80, v4, vm0, $0xb8;
	[tilespmem:$0x18800] =	vst v63  }
0x63: {  	s13 =	simm.s32 $0xB000  }
0x64: {  	[tilespmem:s13], [sflag:$0x2] =	stream.indirect_vreg.gather [hbm4b:s2+s3], $0x80, v3, vm0, $0xb8;
	[tilespmem:$0x18800] =	vst v63  }
0x65: {  	s13 =	simm.s32 $0xB800  }
0x66: {  	[tilespmem:s13], [sflag:$0x2] =	stream.indirect_vreg.gather [hbm4b:s5+s3], $0x80, v3, vm0, $0xb8;
	[tilespmem:$0x18800] =	vst v63  }
0x67: {  	s13 =	simm.s32 $0xC000  }
0x68: {  	[tilespmem:s13], [sflag:$0x2] =	stream.indirect_vreg.gather [hbm4b:s6+s3], $0x80, v3, vm0, $0xb8;
	[tilespmem:$0x18800] =	vst v63  }
0x69: {  	v3 =	vld [tilespmem:$0x100];
	_ =	sdelay $0x4  }
0x6a: {  	v36 =	vshrl.u32 v3, $0x3  }
0x6b: {  	v4 =	vmul.u32 $0x30, v36  }
0x6c: {  	v3 =	vand.u32 $0x7, v3  }
0x6d: {  	v3 =	vor.u32 v3, v4  }
0x6e: {  	v4 =	vperm.xlane v3, v0;
	_ =	sdelay $0x1  }
0x6f: {  	v4 =	vadd.s32 v1, v4;
	_ =	sdelay $0x3  }
0x70: {  	v3 =	vperm.xlane v3, v2  }
0x71: {  	[tilespmem:s20], [sflag:$0x3] =	stream.indirect_vreg.gather [hbm4b:s2+s3], $0x80, v4, vm0, $0xb8;
	[tilespmem:$0x18800] =	vst v63  }
0x72: {  	s13 =	simm.s32 $0xD000;
	v3 =	vadd.s32 v1, v3  }
0x73: {  	[tilespmem:s13], [sflag:$0x3] =	stream.indirect_vreg.gather [hbm4b:s5+s3], $0x80, v4, vm0, $0xb8;
	[tilespmem:$0x18800] =	vst v63  }
0x74: {  	s13 =	simm.s32 $0xD800  }
0x75: {  	[tilespmem:s13], [sflag:$0x3] =	stream.indirect_vreg.gather [hbm4b:s6+s3], $0x80, v4, vm0, $0xb8;
	[tilespmem:$0x18800] =	vst v63  }
0x76: {  	s13 =	simm.s32 $0xE000  }
0x77: {  	[tilespmem:s13], [sflag:$0x3] =	stream.indirect_vreg.gather [hbm4b:s2+s3], $0x80, v3, vm0, $0xb8;
	[tilespmem:$0x18800] =	vst v63  }
0x78: {  	s13 =	simm.s32 $0xE800  }
0x79: {  	[tilespmem:s13], [sflag:$0x3] =	stream.indirect_vreg.gather [hbm4b:s5+s3], $0x80, v3, vm0, $0xb8;
	[tilespmem:$0x18800] =	vst v63  }
0x7a: {  	s13 =	simm.s32 $0xF000  }
0x7b: {  	[tilespmem:s13], [sflag:$0x3] =	stream.indirect_vreg.gather [hbm4b:s6+s3], $0x80, v3, vm0, $0xb8;
	[tilespmem:$0x18800] =	vst v63  }
0x7c: {  	v3 =	vld [tilespmem:$0x110];
	_ =	sdelay $0x4  }
0x7d: {  	v37 =	vshrl.u32 v3, $0x3  }
0x7e: {  	v4 =	vmul.u32 $0x30, v37  }
0x7f: {  	v3 =	vand.u32 $0x7, v3  }
0x80: {  	v3 =	vor.u32 v3, v4  }
0x81: {  	v4 =	vperm.xlane v3, v0;
	_ =	sdelay $0x1  }
0x82: {  	v4 =	vadd.s32 v1, v4;
	_ =	sdelay $0x3  }
0x83: {  	s13 =	simm.s32 $0xF800;
	v3 =	vperm.xlane v3, v2  }
0x84: {  	[tilespmem:s13], [sflag:$0x3] =	stream.indirect_vreg.gather [hbm4b:s2+s3], $0x80, v4, vm0, $0xb8;
	[tilespmem:$0x18800] =	vst v63  }
0x85: {  	v3 =	vadd.s32 v1, v3;
	s13 =	simm.s32 $0x10000  }
0x86: {  	[tilespmem:s13], [sflag:$0x3] =	stream.indirect_vreg.gather [hbm4b:s5+s3], $0x80, v4, vm0, $0xb8;
	[tilespmem:$0x18800] =	vst v63  }
0x87: {  	s13 =	simm.s32 $0x10800  }
0x88: {  	[tilespmem:s13], [sflag:$0x3] =	stream.indirect_vreg.gather [hbm4b:s6+s3], $0x80, v4, vm0, $0xb8;
	[tilespmem:$0x18800] =	vst v63  }
0x89: {  	s13 =	simm.s32 $0x11000  }
0x8a: {  	[tilespmem:s13], [sflag:$0x3] =	stream.indirect_vreg.gather [hbm4b:s2+s3], $0x80, v3, vm0, $0xb8;
	[tilespmem:$0x18800] =	vst v63  }
0x8b: {  	s13 =	simm.s32 $0x11800  }
0x8c: {  	[tilespmem:s13], [sflag:$0x3] =	stream.indirect_vreg.gather [hbm4b:s5+s3], $0x80, v3, vm0, $0xb8;
	[tilespmem:$0x18800] =	vst v63  }
0x8d: {  	s13 =	simm.s32 $0x12000  }
0x8e: {  	[tilespmem:s13], [sflag:$0x3] =	stream.indirect_vreg.gather [hbm4b:s6+s3], $0x80, v3, vm0, $0xb8;
	[tilespmem:$0x18800] =	vst v63  }
0x8f: {  	v3 =	vld [tilespmem:$0x180];
	_ =	sdelay $0x4  }
0x90: {  	v38 =	vshrl.u32 v3, $0x3  }
0x91: {  	v4 =	vmul.u32 $0x30, v38  }
0x92: {  	v3 =	vand.u32 $0x7, v3  }
0x93: {  	v3 =	vor.u32 v3, v4  }
0x94: {  	v4 =	vperm.xlane v3, v0;
	_ =	sdelay $0x1  }
0x95: {  	v4 =	vadd.s32 v1, v4;
	_ =	sdelay $0x3  }
0x96: {  	s0 =	simm.s32 $0x12800;
	v3 =	vperm.xlane v3, v2  }
0x97: {  	[tilespmem:s0], [sflag:$0x4] =	stream.indirect_vreg.gather [hbm4b:s2+s3], $0x80, v4, vm0, $0xb8;
	[tilespmem:$0x18800] =	vst v63  }
0x98: {  	s13 =	simm.s32 $0x13000;
	v3 =	vadd.s32 v1, v3  }
0x99: {  	[tilespmem:s13], [sflag:$0x4] =	stream.indirect_vreg.gather [hbm4b:s5+s3], $0x80, v4, vm0, $0xb8;
	[tilespmem:$0x18800] =	vst v63  }
0x9a: {  	s13 =	simm.s32 $0x13800  }
0x9b: {  	[tilespmem:s13], [sflag:$0x4] =	stream.indirect_vreg.gather [hbm4b:s6+s3], $0x80, v4, vm0, $0xb8;
	[tilespmem:$0x18800] =	vst v63  }
0x9c: {  	s13 =	simm.s32 $0x14000  }
0x9d: {  	[tilespmem:s13], [sflag:$0x4] =	stream.indirect_vreg.gather [hbm4b:s2+s3], $0x80, v3, vm0, $0xb8;
	[tilespmem:$0x18800] =	vst v63  }
0x9e: {  	s13 =	simm.s32 $0x14800  }
0x9f: {  	[tilespmem:s13], [sflag:$0x4] =	stream.indirect_vreg.gather [hbm4b:s5+s3], $0x80, v3, vm0, $0xb8;
	[tilespmem:$0x18800] =	vst v63  }
0xa0: {  	s13 =	simm.s32 $0x15000  }
0xa1: {  	[tilespmem:s13], [sflag:$0x4] =	stream.indirect_vreg.gather [hbm4b:s6+s3], $0x80, v3, vm0, $0xb8;
	[tilespmem:$0x18800] =	vst v63  }
0xa2: {  	v3 =	vld [tilespmem:$0x190];
	_ =	sdelay $0x4  }
0xa3: {  	v39 =	vshrl.u32 v3, $0x3  }
0xa4: {  	v4 =	vmul.u32 $0x30, v39  }
0xa5: {  	v3 =	vand.u32 $0x7, v3  }
0xa6: {  	v3 =	vor.u32 v3, v4  }
0xa7: {  	v4 =	vperm.xlane v3, v0;
	_ =	sdelay $0x1  }
0xa8: {  	v4 =	vadd.s32 v1, v4;
	_ =	sdelay $0x3  }
0xa9: {  	s13 =	simm.s32 $0x15800;
	v3 =	vperm.xlane v3, v2  }
0xaa: {  	[tilespmem:s13], [sflag:$0x4] =	stream.indirect_vreg.gather [hbm4b:s2+s3], $0x80, v4, vm0, $0xb8;
	[tilespmem:$0x18800] =	vst v63  }
0xab: {  	v3 =	vadd.s32 v1, v3;
	s13 =	simm.s32 $0x16000  }
0xac: {  	[tilespmem:s13], [sflag:$0x4] =	stream.indirect_vreg.gather [hbm4b:s5+s3], $0x80, v4, vm0, $0xb8;
	[tilespmem:$0x18800] =	vst v63  }
0xad: {  	s13 =	simm.s32 $0x16800  }
0xae: {  	[tilespmem:s13], [sflag:$0x4] =	stream.indirect_vreg.gather [hbm4b:s6+s3], $0x80, v4, vm0, $0xb8;
	[tilespmem:$0x18800] =	vst v63  }
0xaf: {  	s13 =	simm.s32 $0x17000  }
0xb0: {  	[tilespmem:s13], [sflag:$0x4] =	stream.indirect_vreg.gather [hbm4b:s2+s3], $0x80, v3, vm0, $0xb8;
	[tilespmem:$0x18800] =	vst v63  }
0xb1: {  	s13 =	simm.s32 $0x17800  }
0xb2: {  	[tilespmem:s13], [sflag:$0x4] =	stream.indirect_vreg.gather [hbm4b:s5+s3], $0x80, v3, vm0, $0xb8;
	[tilespmem:$0x18800] =	vst v63  }
0xb3: {  	s13 =	simm.s32 $0x18000  }
0xb4: {  	[tilespmem:s13], [sflag:$0x4] =	stream.indirect_vreg.gather [hbm4b:s6+s3], $0x80, v3, vm0, $0xb8;
	[tilespmem:$0x18800] =	vst v63  }
0xb5: {  	_ =	swait.ge [sflag:s8], $0x6000  }
0xb6: {  	[sflag:s8] =	ssyncset.done $0x0  }
0xb7: {  	s13 =	rddreg [dreg:$0x14];
	[sflag:s8] =	ssyncadd.s32 $0xFFFFA000  }
0xb8: {  	[hbm4b:s13+s3] =	stream.linear.scatter [tilespmem:s21], [sflag:$0x1], $0x6000, $0x38;
	[tilespmem:$0x18800] =	vst v63  }
0xb9: {  	_ =	swait.ge [sflag:s8], $0x6000  }
0xba: {  	[sflag:s8] =	ssyncset.done $0x0  }
0xbb: {  	[sflag:s8] =	ssyncadd.s32 $0xFFFFA000  }
0xbc: {  	v3 =	vld [tilespmem:$0x200];
	_ =	sdelay $0x4  }
0xbd: {  	v40 =	vshrl.u32 v3, $0x3  }
0xbe: {  	v4 =	vmul.u32 $0x30, v40  }
0xbf: {  	v3 =	vand.u32 $0x7, v3  }
0xc0: {  	v3 =	vor.u32 v3, v4  }
0xc1: {  	v4 =	vperm.xlane v3, v0;
	_ =	sdelay $0x1  }
0xc2: {  	v4 =	vadd.s32 v1, v4;
	_ =	sdelay $0x3  }
0xc3: {  	v3 =	vperm.xlane v3, v2  }
0xc4: {  	[tilespmem:s21], [sflag:$0x1] =	stream.indirect_vreg.gather [hbm4b:s2+s3], $0x80, v4, vm0, $0xb8;
	[tilespmem:$0x18800] =	vst v63  }
0xc5: {  	s23 =	simm.s32 $0x1000;
	v3 =	vadd.s32 v1, v3  }
0xc6: {  	[tilespmem:s23], [sflag:$0x1] =	stream.indirect_vreg.gather [hbm4b:s5+s3], $0x80, v4, vm0, $0xb8;
	[tilespmem:$0x18800] =	vst v63  }
0xc7: {  	s24 =	simm.s32 $0x1800  }
0xc8: {  	[tilespmem:s24], [sflag:$0x1] =	stream.indirect_vreg.gather [hbm4b:s6+s3], $0x80, v4, vm0, $0xb8;
	[tilespmem:$0x18800] =	vst v63  }
0xc9: {  	s25 =	simm.s32 $0x2000  }
0xca: {  	[tilespmem:s25], [sflag:$0x1] =	stream.indirect_vreg.gather [hbm4b:s2+s3], $0x80, v3, vm0, $0xb8;
	[tilespmem:$0x18800] =	vst v63  }
0xcb: {  	s26 =	simm.s32 $0x2800  }
0xcc: {  	[tilespmem:s26], [sflag:$0x1] =	stream.indirect_vreg.gather [hbm4b:s5+s3], $0x80, v3, vm0, $0xb8;
	[tilespmem:$0x18800] =	vst v63  }
0xcd: {  	s1 =	simm.s32 $0x3000  }
0xce: {  	[tilespmem:s1], [sflag:$0x1] =	stream.indirect_vreg.gather [hbm4b:s6+s3], $0x80, v3, vm0, $0xb8;
	[tilespmem:$0x18800] =	vst v63  }
0xcf: {  	v3 =	vld [tilespmem:$0x210];
	_ =	sdelay $0x4  }
0xd0: {  	v41 =	vshrl.u32 v3, $0x3  }
0xd1: {  	v4 =	vmul.u32 $0x30, v41  }
0xd2: {  	v3 =	vand.u32 $0x7, v3  }
0xd3: {  	v3 =	vor.u32 v3, v4  }
0xd4: {  	v4 =	vperm.xlane v3, v0;
	_ =	sdelay $0x1  }
0xd5: {  	v4 =	vadd.s32 v1, v4;
	_ =	sdelay $0x3  }
0xd6: {  	s9 =	simm.s32 $0x3800;
	v3 =	vperm.xlane v3, v2  }
0xd7: {  	[tilespmem:s9], [sflag:$0x1] =	stream.indirect_vreg.gather [hbm4b:s2+s3], $0x80, v4, vm0, $0xb8;
	[tilespmem:$0x18800] =	vst v63  }
0xd8: {  	s14 =	simm.s32 $0x4000;
	v3 =	vadd.s32 v1, v3  }
0xd9: {  	[tilespmem:s14], [sflag:$0x1] =	stream.indirect_vreg.gather [hbm4b:s5+s3], $0x80, v4, vm0, $0xb8;
	[tilespmem:$0x18800] =	vst v63  }
0xda: {  	s15 =	simm.s32 $0x4800  }
0xdb: {  	[tilespmem:s15], [sflag:$0x1] =	stream.indirect_vreg.gather [hbm4b:s6+s3], $0x80, v4, vm0, $0xb8;
	[tilespmem:$0x18800] =	vst v63  }
0xdc: {  	s16 =	simm.s32 $0x5000  }
0xdd: {  	[tilespmem:s16], [sflag:$0x1] =	stream.indirect_vreg.gather [hbm4b:s2+s3], $0x80, v3, vm0, $0xb8;
	[tilespmem:$0x18800] =	vst v63  }
0xde: {  	s18 =	simm.s32 $0x5800  }
0xdf: {  	[tilespmem:s18], [sflag:$0x1] =	stream.indirect_vreg.gather [hbm4b:s5+s3], $0x80, v3, vm0, $0xb8;
	[tilespmem:$0x18800] =	vst v63  }
0xe0: {  	s18 =	simm.s32 $0x6000  }
0xe1: {  	[tilespmem:s18], [sflag:$0x1] =	stream.indirect_vreg.gather [hbm4b:s6+s3], $0x80, v3, vm0, $0xb8;
	[tilespmem:$0x18800] =	vst v63  }
0xe2: {  	_ =	swait.ge [sflag:s10], $0x6000  }
0xe3: {  	[sflag:s10] =	ssyncset.done $0x0  }
0xe4: {  	s26 =	rddreg [dreg:$0x5];
	[sflag:s10] =	ssyncadd.s32 $0xFFFFA000  }
0xe5: {  	[hbm4b:s26+s3] =	stream.linear.scatter [tilespmem:s4], [sflag:$0x2], $0x6000, $0x38;
	[tilespmem:$0x18800] =	vst v63  }
0xe6: {  	_ =	swait.ge [sflag:s10], $0x6000  }
0xe7: {  	[sflag:s10] =	ssyncset.done $0x0  }
0xe8: {  	[sflag:s10] =	ssyncadd.s32 $0xFFFFA000  }
0xe9: {  	v3 =	vld [tilespmem:$0x280];
	_ =	sdelay $0x4  }
0xea: {  	v42 =	vshrl.u32 v3, $0x3  }
0xeb: {  	v4 =	vmul.u32 $0x30, v42  }
0xec: {  	v3 =	vand.u32 $0x7, v3  }
0xed: {  	v3 =	vor.u32 v3, v4  }
0xee: {  	v4 =	vperm.xlane v3, v0;
	_ =	sdelay $0x1  }
0xef: {  	v4 =	vadd.s32 v1, v4;
	_ =	sdelay $0x3  }
0xf0: {  	v3 =	vperm.xlane v3, v2  }
0xf1: {  	[tilespmem:s4], [sflag:$0x2] =	stream.indirect_vreg.gather [hbm4b:s2+s3], $0x80, v4, vm0, $0xb8;
	[tilespmem:$0x18800] =	vst v63  }
0xf2: {  	s17 =	simm.s32 $0x7000;
	v3 =	vadd.s32 v1, v3  }
0xf3: {  	[tilespmem:s17], [sflag:$0x2] =	stream.indirect_vreg.gather [hbm4b:s5+s3], $0x80, v4, vm0, $0xb8;
	[tilespmem:$0x18800] =	vst v63  }
0xf4: {  	s29 =	simm.s32 $0x7800  }
0xf5: {  	[tilespmem:s29], [sflag:$0x2] =	stream.indirect_vreg.gather [hbm4b:s6+s3], $0x80, v4, vm0, $0xb8;
	[tilespmem:$0x18800] =	vst v63  }
0xf6: {  	s28 =	simm.s32 $0x8000  }
0xf7: {  	[tilespmem:s28], [sflag:$0x2] =	stream.indirect_vreg.gather [hbm4b:s2+s3], $0x80, v3, vm0, $0xb8;
	[tilespmem:$0x18800] =	vst v63  }
0xf8: {  	s30 =	simm.s32 $0x8800  }
0xf9: {  	[tilespmem:s30], [sflag:$0x2] =	stream.indirect_vreg.gather [hbm4b:s5+s3], $0x80, v3, vm0, $0xb8;
	[tilespmem:$0x18800] =	vst v63  }
0xfa: {  	s19 =	simm.s32 $0x9000  }
0xfb: {  	[tilespmem:s19], [sflag:$0x2] =	stream.indirect_vreg.gather [hbm4b:s6+s3], $0x80, v3, vm0, $0xb8;
	[tilespmem:$0x18800] =	vst v63  }
0xfc: {  	v3 =	vld [tilespmem:$0x290];
	_ =	sdelay $0x4  }
0xfd: {  	v43 =	vshrl.u32 v3, $0x3  }
0xfe: {  	v4 =	vmul.u32 $0x30, v43  }
0xff: {  	v3 =	vand.u32 $0x7, v3  }
0x100: {  	v3 =	vor.u32 v3, v4  }
0x101: {  	v4 =	vperm.xlane v3, v0;
	_ =	sdelay $0x1  }
0x102: {  	v4 =	vadd.s32 v1, v4;
	_ =	sdelay $0x3  }
0x103: {  	s22 =	simm.s32 $0x9800;
	v3 =	vperm.xlane v3, v2  }
0x104: {  	[tilespmem:s22], [sflag:$0x2] =	stream.indirect_vreg.gather [hbm4b:s2+s3], $0x80, v4, vm0, $0xb8;
	[tilespmem:$0x18800] =	vst v63  }
0x105: {  	s31 =	simm.s32 $0xA000;
	v3 =	vadd.s32 v1, v3  }
0x106: {  	[tilespmem:s31], [sflag:$0x2] =	stream.indirect_vreg.gather [hbm4b:s5+s3], $0x80, v4, vm0, $0xb8;
	[tilespmem:$0x18800] =	vst v63  }
0x107: {  	s19 =	simm.s32 $0xA800  }
0x108: {  	[tilespmem:s19], [sflag:$0x2] =	stream.indirect_vreg.gather [hbm4b:s6+s3], $0x80, v4, vm0, $0xb8;
	[tilespmem:$0x18800] =	vst v63  }
0x109: {  	s22 =	simm.s32 $0xB000  }
0x10a: {  	[tilespmem:s22], [sflag:$0x2] =	stream.indirect_vreg.gather [hbm4b:s2+s3], $0x80, v3, vm0, $0xb8;
	[tilespmem:$0x18800] =	vst v63  }
0x10b: {  	s23 =	simm.s32 $0xB800  }
0x10c: {  	[tilespmem:s23], [sflag:$0x2] =	stream.indirect_vreg.gather [hbm4b:s5+s3], $0x80, v3, vm0, $0xb8;
	[tilespmem:$0x18800] =	vst v63  }
0x10d: {  	s24 =	simm.s32 $0xC000  }
0x10e: {  	[tilespmem:s24], [sflag:$0x2] =	stream.indirect_vreg.gather [hbm4b:s6+s3], $0x80, v3, vm0, $0xb8;
	[tilespmem:$0x18800] =	vst v63  }
0x10f: {  	_ =	swait.ge [sflag:s11], $0x6000  }
0x110: {  	[sflag:s11] =	ssyncset.done $0x0  }
0x111: {  	s29 =	rddreg [dreg:$0x6];
	[sflag:s11] =	ssyncadd.s32 $0xFFFFA000  }
0x112: {  	[hbm4b:s29+s3] =	stream.linear.scatter [tilespmem:s20], [sflag:$0x3], $0x6000, $0x38;
	[tilespmem:$0x18800] =	vst v63  }
0x113: {  	_ =	swait.ge [sflag:s11], $0x6000  }
0x114: {  	[sflag:s11] =	ssyncset.done $0x0  }
0x115: {  	[sflag:s11] =	ssyncadd.s32 $0xFFFFA000  }
0x116: {  	v3 =	vld [tilespmem:$0x300];
	_ =	sdelay $0x4  }
0x117: {  	v44 =	vshrl.u32 v3, $0x3  }
0x118: {  	v4 =	vmul.u32 $0x30, v44  }
0x119: {  	v3 =	vand.u32 $0x7, v3  }
0x11a: {  	v3 =	vor.u32 v3, v4  }
0x11b: {  	v4 =	vperm.xlane v3, v0;
	_ =	sdelay $0x1  }
0x11c: {  	v4 =	vadd.s32 v1, v4;
	_ =	sdelay $0x3  }
0x11d: {  	v3 =	vperm.xlane v3, v2  }
0x11e: {  	[tilespmem:s20], [sflag:$0x3] =	stream.indirect_vreg.gather [hbm4b:s2+s3], $0x80, v4, vm0, $0xb8;
	[tilespmem:$0x18800] =	vst v63  }
0x11f: {  	s16 =	simm.s32 $0xD000;
	v3 =	vadd.s32 v1, v3  }
0x120: {  	[tilespmem:s16], [sflag:$0x3] =	stream.indirect_vreg.gather [hbm4b:s5+s3], $0x80, v4, vm0, $0xb8;
	[tilespmem:$0x18800] =	vst v63  }
0x121: {  	s1 =	simm.s32 $0xD800  }
0x122: {  	[tilespmem:s1], [sflag:$0x3] =	stream.indirect_vreg.gather [hbm4b:s6+s3], $0x80, v4, vm0, $0xb8;
	[tilespmem:$0x18800] =	vst v63  }
0x123: {  	s9 =	simm.s32 $0xE000  }
0x124: {  	[tilespmem:s9], [sflag:$0x3] =	stream.indirect_vreg.gather [hbm4b:s2+s3], $0x80, v3, vm0, $0xb8;
	[tilespmem:$0x18800] =	vst v63  }
0x125: {  	s28 =	simm.s32 $0xE800  }
0x126: {  	[tilespmem:s28], [sflag:$0x3] =	stream.indirect_vreg.gather [hbm4b:s5+s3], $0x80, v3, vm0, $0xb8;
	[tilespmem:$0x18800] =	vst v63  }
0x127: {  	s30 =	simm.s32 $0xF000  }
0x128: {  	[tilespmem:s30], [sflag:$0x3] =	stream.indirect_vreg.gather [hbm4b:s6+s3], $0x80, v3, vm0, $0xb8;
	[tilespmem:$0x18800] =	vst v63  }
0x129: {  	v3 =	vld [tilespmem:$0x310];
	_ =	sdelay $0x4  }
0x12a: {  	v45 =	vshrl.u32 v3, $0x3  }
0x12b: {  	v4 =	vmul.u32 $0x30, v45  }
0x12c: {  	v3 =	vand.u32 $0x7, v3  }
0x12d: {  	v3 =	vor.u32 v3, v4  }
0x12e: {  	v4 =	vperm.xlane v3, v0;
	_ =	sdelay $0x1  }
0x12f: {  	v4 =	vadd.s32 v1, v4;
	_ =	sdelay $0x3  }
0x130: {  	s31 =	simm.s32 $0xF800;
	v3 =	vperm.xlane v3, v2  }
0x131: {  	[tilespmem:s31], [sflag:$0x3] =	stream.indirect_vreg.gather [hbm4b:s2+s3], $0x80, v4, vm0, $0xb8;
	[tilespmem:$0x18800] =	vst v63  }
0x132: {  	s29 =	simm.s32 $0x10000;
	v3 =	vadd.s32 v1, v3  }
0x133: {  	[tilespmem:s29], [sflag:$0x3] =	stream.indirect_vreg.gather [hbm4b:s5+s3], $0x80, v4, vm0, $0xb8;
	[tilespmem:$0x18800] =	vst v63  }
0x134: {  	s30 =	simm.s32 $0x10800  }
0x135: {  	[tilespmem:s30], [sflag:$0x3] =	stream.indirect_vreg.gather [hbm4b:s6+s3], $0x80, v4, vm0, $0xb8;
	[tilespmem:$0x18800] =	vst v63  }
0x136: {  	s31 =	simm.s32 $0x11000  }
0x137: {  	[tilespmem:s31], [sflag:$0x3] =	stream.indirect_vreg.gather [hbm4b:s2+s3], $0x80, v3, vm0, $0xb8;
	[tilespmem:$0x18800] =	vst v63  }
0x138: {  	s17 =	simm.s32 $0x11800  }
0x139: {  	[tilespmem:s17], [sflag:$0x3] =	stream.indirect_vreg.gather [hbm4b:s5+s3], $0x80, v3, vm0, $0xb8;
	[tilespmem:$0x18800] =	vst v63  }
0x13a: {  	s15 =	simm.s32 $0x12000  }
0x13b: {  	[tilespmem:s15], [sflag:$0x3] =	stream.indirect_vreg.gather [hbm4b:s6+s3], $0x80, v3, vm0, $0xb8;
	[tilespmem:$0x18800] =	vst v63  }
0x13c: {  	_ =	swait.ge [sflag:s12], $0x6000  }
0x13d: {  	[sflag:s12] =	ssyncset.done $0x0  }
0x13e: {  	s15 =	rddreg [dreg:$0x7];
	[sflag:s12] =	ssyncadd.s32 $0xFFFFA000  }
0x13f: {  	[hbm4b:s15+s3] =	stream.linear.scatter [tilespmem:s0], [sflag:$0x4], $0x6000, $0x38;
	[tilespmem:$0x18800] =	vst v63  }
0x140: {  	_ =	swait.ge [sflag:s12], $0x6000  }
0x141: {  	[sflag:s12] =	ssyncset.done $0x0  }
0x142: {  	[sflag:s12] =	ssyncadd.s32 $0xFFFFA000  }
0x143: {  	v3 =	vld [tilespmem:$0x380];
	_ =	sdelay $0x4  }
0x144: {  	v46 =	vshrl.u32 v3, $0x3  }
0x145: {  	v4 =	vmul.u32 $0x30, v46  }
0x146: {  	v3 =	vand.u32 $0x7, v3  }
0x147: {  	v3 =	vor.u32 v3, v4  }
0x148: {  	v4 =	vperm.xlane v3, v0;
	_ =	sdelay $0x1  }
0x149: {  	v4 =	vadd.s32 v1, v4;
	_ =	sdelay $0x3  }
0x14a: {  	v3 =	vperm.xlane v3, v2  }
0x14b: {  	[tilespmem:s0], [sflag:$0x4] =	stream.indirect_vreg.gather [hbm4b:s2+s3], $0x80, v4, vm0, $0xb8;
	[tilespmem:$0x18800] =	vst v63  }
0x14c: {  	s15 =	simm.s32 $0x13000;
	v3 =	vadd.s32 v1, v3  }
0x14d: {  	[tilespmem:s15], [sflag:$0x4] =	stream.indirect_vreg.gather [hbm4b:s5+s3], $0x80, v4, vm0, $0xb8;
	[tilespmem:$0x18800] =	vst v63  }
0x14e: {  	s13 =	simm.s32 $0x13800  }
0x14f: {  	[tilespmem:s13], [sflag:$0x4] =	stream.indirect_vreg.gather [hbm4b:s6+s3], $0x80, v4, vm0, $0xb8;
	[tilespmem:$0x18800] =	vst v63  }
0x150: {  	s13 =	simm.s32 $0x14000  }
0x151: {  	[tilespmem:s13], [sflag:$0x4] =	stream.indirect_vreg.gather [hbm4b:s2+s3], $0x80, v3, vm0, $0xb8;
	[tilespmem:$0x18800] =	vst v63  }
0x152: {  	s13 =	simm.s32 $0x14800  }
0x153: {  	[tilespmem:s13], [sflag:$0x4] =	stream.indirect_vreg.gather [hbm4b:s5+s3], $0x80, v3, vm0, $0xb8;
	[tilespmem:$0x18800] =	vst v63  }
0x154: {  	s13 =	simm.s32 $0x15000  }
0x155: {  	[tilespmem:s13], [sflag:$0x4] =	stream.indirect_vreg.gather [hbm4b:s6+s3], $0x80, v3, vm0, $0xb8;
	[tilespmem:$0x18800] =	vst v63  }
0x156: {  	v3 =	vld [tilespmem:$0x390];
	_ =	sdelay $0x4  }
0x157: {  	v47 =	vshrl.u32 v3, $0x3  }
0x158: {  	v4 =	vmul.u32 $0x30, v47  }
0x159: {  	v3 =	vand.u32 $0x7, v3  }
0x15a: {  	v3 =	vor.u32 v3, v4  }
0x15b: {  	v4 =	vperm.xlane v3, v0;
	_ =	sdelay $0x1  }
0x15c: {  	v4 =	vadd.s32 v1, v4;
	_ =	sdelay $0x3  }
0x15d: {  	s13 =	simm.s32 $0x15800;
	v3 =	vperm.xlane v3, v2  }
0x15e: {  	[tilespmem:s13], [sflag:$0x4] =	stream.indirect_vreg.gather [hbm4b:s2+s3], $0x80, v4, vm0, $0xb8;
	[tilespmem:$0x18800] =	vst v63  }
0x15f: {  	v3 =	vadd.s32 v1, v3;
	s13 =	simm.s32 $0x16000  }
0x160: {  	[tilespmem:s13], [sflag:$0x4] =	stream.indirect_vreg.gather [hbm4b:s5+s3], $0x80, v4, vm0, $0xb8;
	[tilespmem:$0x18800] =	vst v63  }
0x161: {  	s13 =	simm.s32 $0x16800  }
0x162: {  	[tilespmem:s13], [sflag:$0x4] =	stream.indirect_vreg.gather [hbm4b:s6+s3], $0x80, v4, vm0, $0xb8;
	[tilespmem:$0x18800] =	vst v63  }
0x163: {  	s13 =	simm.s32 $0x17000  }
0x164: {  	[tilespmem:s13], [sflag:$0x4] =	stream.indirect_vreg.gather [hbm4b:s2+s3], $0x80, v3, vm0, $0xb8;
	[tilespmem:$0x18800] =	vst v63  }
0x165: {  	s13 =	simm.s32 $0x17800  }
0x166: {  	[tilespmem:s13], [sflag:$0x4] =	stream.indirect_vreg.gather [hbm4b:s5+s3], $0x80, v3, vm0, $0xb8;
	[tilespmem:$0x18800] =	vst v63  }
0x167: {  	s13 =	simm.s32 $0x18000  }
0x168: {  	[tilespmem:s13], [sflag:$0x4] =	stream.indirect_vreg.gather [hbm4b:s6+s3], $0x80, v3, vm0, $0xb8;
	[tilespmem:$0x18800] =	vst v63  }
0x169: {  	_ =	swait.ge [sflag:s8], $0x6000  }
0x16a: {  	[sflag:s8] =	ssyncset.done $0x0  }
0x16b: {  	s13 =	rddreg [dreg:$0x8];
	[sflag:s8] =	ssyncadd.s32 $0xFFFFA000  }
0x16c: {  	[hbm4b:s13+s3] =	stream.linear.scatter [tilespmem:s21], [sflag:$0x1], $0x6000, $0x38;
	[tilespmem:$0x18800] =	vst v63  }
0x16d: {  	_ =	swait.ge [sflag:s8], $0x6000  }
0x16e: {  	[sflag:s8] =	ssyncset.done $0x0  }
0x16f: {  	[sflag:s8] =	ssyncadd.s32 $0xFFFFA000  }
0x170: {  	v3 =	vld [tilespmem:$0x400];
	_ =	sdelay $0x4  }
0x171: {  	v48 =	vshrl.u32 v3, $0x3  }
0x172: {  	v4 =	vmul.u32 $0x30, v48  }
0x173: {  	v3 =	vand.u32 $0x7, v3  }
0x174: {  	v3 =	vor.u32 v3, v4  }
0x175: {  	v4 =	vperm.xlane v3, v0;
	_ =	sdelay $0x1  }
0x176: {  	v4 =	vadd.s32 v1, v4;
	_ =	sdelay $0x3  }
0x177: {  	v3 =	vperm.xlane v3, v2  }
0x178: {  	[tilespmem:s21], [sflag:$0x1] =	stream.indirect_vreg.gather [hbm4b:s2+s3], $0x80, v4, vm0, $0xb8;
	[tilespmem:$0x18800] =	vst v63  }
0x179: {  	s13 =	simm.s32 $0x1000;
	v3 =	vadd.s32 v1, v3  }
0x17a: {  	[tilespmem:s13], [sflag:$0x1] =	stream.indirect_vreg.gather [hbm4b:s5+s3], $0x80, v4, vm0, $0xb8;
	[tilespmem:$0x18800] =	vst v63  }
0x17b: {  	s13 =	simm.s32 $0x1800  }
0x17c: {  	[tilespmem:s13], [sflag:$0x1] =	stream.indirect_vreg.gather [hbm4b:s6+s3], $0x80, v4, vm0, $0xb8;
	[tilespmem:$0x18800] =	vst v63  }
0x17d: {  	s13 =	simm.s32 $0x2000  }
0x17e: {  	[tilespmem:s13], [sflag:$0x1] =	stream.indirect_vreg.gather [hbm4b:s2+s3], $0x80, v3, vm0, $0xb8;
	[tilespmem:$0x18800] =	vst v63  }
0x17f: {  	s13 =	simm.s32 $0x2800  }
0x180: {  	[tilespmem:s13], [sflag:$0x1] =	stream.indirect_vreg.gather [hbm4b:s5+s3], $0x80, v3, vm0, $0xb8;
	[tilespmem:$0x18800] =	vst v63  }
0x181: {  	s13 =	simm.s32 $0x3000  }
0x182: {  	[tilespmem:s13], [sflag:$0x1] =	stream.indirect_vreg.gather [hbm4b:s6+s3], $0x80, v3, vm0, $0xb8;
	[tilespmem:$0x18800] =	vst v63  }
0x183: {  	v3 =	vld [tilespmem:$0x410];
	_ =	sdelay $0x4  }
0x184: {  	v49 =	vshrl.u32 v3, $0x3  }
0x185: {  	v4 =	vmul.u32 $0x30, v49  }
0x186: {  	v3 =	vand.u32 $0x7, v3  }
0x187: {  	v3 =	vor.u32 v3, v4  }
0x188: {  	v4 =	vperm.xlane v3, v0;
	_ =	sdelay $0x1  }
0x189: {  	v4 =	vadd.s32 v1, v4;
	_ =	sdelay $0x3  }
0x18a: {  	s13 =	simm.s32 $0x3800;
	v3 =	vperm.xlane v3, v2  }
0x18b: {  	[tilespmem:s13], [sflag:$0x1] =	stream.indirect_vreg.gather [hbm4b:s2+s3], $0x80, v4, vm0, $0xb8;
	[tilespmem:$0x18800] =	vst v63  }
0x18c: {  	s14 =	simm.s32 $0x4000;
	v3 =	vadd.s32 v1, v3  }
0x18d: {  	[tilespmem:s14], [sflag:$0x1] =	stream.indirect_vreg.gather [hbm4b:s5+s3], $0x80, v4, vm0, $0xb8;
	[tilespmem:$0x18800] =	vst v63  }
0x18e: {  	s14 =	simm.s32 $0x4800  }
0x18f: {  	[tilespmem:s14], [sflag:$0x1] =	stream.indirect_vreg.gather [hbm4b:s6+s3], $0x80, v4, vm0, $0xb8;
	[tilespmem:$0x18800] =	vst v63  }
0x190: {  	s14 =	simm.s32 $0x5000  }
0x191: {  	[tilespmem:s14], [sflag:$0x1] =	stream.indirect_vreg.gather [hbm4b:s2+s3], $0x80, v3, vm0, $0xb8;
	[tilespmem:$0x18800] =	vst v63  }
0x192: {  	s14 =	simm.s32 $0x5800  }
0x193: {  	[tilespmem:s14], [sflag:$0x1] =	stream.indirect_vreg.gather [hbm4b:s5+s3], $0x80, v3, vm0, $0xb8;
	[tilespmem:$0x18800] =	vst v63  }
0x194: {  	_ = 	snop  }
0x195: {  	[tilespmem:s18], [sflag:$0x1] =	stream.indirect_vreg.gather [hbm4b:s6+s3], $0x80, v3, vm0, $0xb8;
	[tilespmem:$0x18800] =	vst v63  }
0x196: {  	_ =	swait.ge [sflag:s10], $0x6000  }
0x197: {  	[sflag:s10] =	ssyncset.done $0x0  }
0x198: {  	s18 =	rddreg [dreg:$0x9];
	[sflag:s10] =	ssyncadd.s32 $0xFFFFA000  }
0x199: {  	[hbm4b:s18+s3] =	stream.linear.scatter [tilespmem:s4], [sflag:$0x2], $0x6000, $0x38;
	[tilespmem:$0x18800] =	vst v63  }
0x19a: {  	_ =	swait.ge [sflag:s10], $0x6000  }
0x19b: {  	[sflag:s10] =	ssyncset.done $0x0  }
0x19c: {  	[sflag:s10] =	ssyncadd.s32 $0xFFFFA000  }
0x19d: {  	v3 =	vld [tilespmem:$0x480];
	_ =	sdelay $0x4  }
0x19e: {  	v50 =	vshrl.u32 v3, $0x3  }
0x19f: {  	v4 =	vmul.u32 $0x30, v50  }
0x1a0: {  	v3 =	vand.u32 $0x7, v3  }
0x1a1: {  	v3 =	vor.u32 v3, v4  }
0x1a2: {  	v4 =	vperm.xlane v3, v0;
	_ =	sdelay $0x1  }
0x1a3: {  	v4 =	vadd.s32 v1, v4;
	_ =	sdelay $0x3  }
0x1a4: {  	v3 =	vperm.xlane v3, v2  }
0x1a5: {  	[tilespmem:s4], [sflag:$0x2] =	stream.indirect_vreg.gather [hbm4b:s2+s3], $0x80, v4, vm0, $0xb8;
	[tilespmem:$0x18800] =	vst v63  }
0x1a6: {  	s26 =	simm.s32 $0x7000;
	v3 =	vadd.s32 v1, v3  }
0x1a7: {  	[tilespmem:s26], [sflag:$0x2] =	stream.indirect_vreg.gather [hbm4b:s5+s3], $0x80, v4, vm0, $0xb8;
	[tilespmem:$0x18800] =	vst v63  }
0x1a8: {  	s26 =	simm.s32 $0x7800  }
0x1a9: {  	[tilespmem:s26], [sflag:$0x2] =	stream.indirect_vreg.gather [hbm4b:s6+s3], $0x80, v4, vm0, $0xb8;
	[tilespmem:$0x18800] =	vst v63  }
0x1aa: {  	s18 =	simm.s32 $0x8000  }
0x1ab: {  	[tilespmem:s18], [sflag:$0x2] =	stream.indirect_vreg.gather [hbm4b:s2+s3], $0x80, v3, vm0, $0xb8;
	[tilespmem:$0x18800] =	vst v63  }
0x1ac: {  	s26 =	simm.s32 $0x8800  }
0x1ad: {  	[tilespmem:s26], [sflag:$0x2] =	stream.indirect_vreg.gather [hbm4b:s5+s3], $0x80, v3, vm0, $0xb8;
	[tilespmem:$0x18800] =	vst v63  }
0x1ae: {  	s18 =	simm.s32 $0x9000  }
0x1af: {  	[tilespmem:s18], [sflag:$0x2] =	stream.indirect_vreg.gather [hbm4b:s6+s3], $0x80, v3, vm0, $0xb8;
	[tilespmem:$0x18800] =	vst v63  }
0x1b0: {  	v3 =	vld [tilespmem:$0x490];
	_ =	sdelay $0x4  }
0x1b1: {  	v51 =	vshrl.u32 v3, $0x3  }
0x1b2: {  	v4 =	vmul.u32 $0x30, v51  }
0x1b3: {  	v3 =	vand.u32 $0x7, v3  }
0x1b4: {  	v3 =	vor.u32 v3, v4  }
0x1b5: {  	v4 =	vperm.xlane v3, v0;
	_ =	sdelay $0x1  }
0x1b6: {  	v4 =	vadd.s32 v1, v4;
	_ =	sdelay $0x3  }
0x1b7: {  	s26 =	simm.s32 $0x9800;
	v3 =	vperm.xlane v3, v2  }
0x1b8: {  	[tilespmem:s26], [sflag:$0x2] =	stream.indirect_vreg.gather [hbm4b:s2+s3], $0x80, v4, vm0, $0xb8;
	[tilespmem:$0x18800] =	vst v63  }
0x1b9: {  	s18 =	simm.s32 $0xA000;
	v3 =	vadd.s32 v1, v3  }
0x1ba: {  	[tilespmem:s18], [sflag:$0x2] =	stream.indirect_vreg.gather [hbm4b:s5+s3], $0x80, v4, vm0, $0xb8;
	[tilespmem:$0x18800] =	vst v63  }
0x1bb: {  	_ = 	snop  }
0x1bc: {  	[tilespmem:s19], [sflag:$0x2] =	stream.indirect_vreg.gather [hbm4b:s6+s3], $0x80, v4, vm0, $0xb8;
	[tilespmem:$0x18800] =	vst v63  }
0x1bd: {  	_ = 	snop  }
0x1be: {  	[tilespmem:s22], [sflag:$0x2] =	stream.indirect_vreg.gather [hbm4b:s2+s3], $0x80, v3, vm0, $0xb8;
	[tilespmem:$0x18800] =	vst v63  }
0x1bf: {  	_ = 	snop  }
0x1c0: {  	[tilespmem:s23], [sflag:$0x2] =	stream.indirect_vreg.gather [hbm4b:s5+s3], $0x80, v3, vm0, $0xb8;
	[tilespmem:$0x18800] =	vst v63  }
0x1c1: {  	_ = 	snop  }
0x1c2: {  	[tilespmem:s24], [sflag:$0x2] =	stream.indirect_vreg.gather [hbm4b:s6+s3], $0x80, v3, vm0, $0xb8;
	[tilespmem:$0x18800] =	vst v63  }
0x1c3: {  	_ =	swait.ge [sflag:s11], $0x6000  }
0x1c4: {  	[sflag:s11] =	ssyncset.done $0x0  }
0x1c5: {  	s24 =	rddreg [dreg:$0xa];
	[sflag:s11] =	ssyncadd.s32 $0xFFFFA000  }
0x1c6: {  	[hbm4b:s24+s3] =	stream.linear.scatter [tilespmem:s20], [sflag:$0x3], $0x6000, $0x38;
	[tilespmem:$0x18800] =	vst v63  }
0x1c7: {  	_ =	swait.ge [sflag:s11], $0x6000  }
0x1c8: {  	[sflag:s11] =	ssyncset.done $0x0  }
0x1c9: {  	[sflag:s11] =	ssyncadd.s32 $0xFFFFA000  }
0x1ca: {  	v3 =	vld [tilespmem:$0x500];
	_ =	sdelay $0x4  }
0x1cb: {  	v52 =	vshrl.u32 v3, $0x3  }
0x1cc: {  	v4 =	vmul.u32 $0x30, v52  }
0x1cd: {  	v3 =	vand.u32 $0x7, v3  }
0x1ce: {  	v3 =	vor.u32 v3, v4  }
0x1cf: {  	v4 =	vperm.xlane v3, v0;
	_ =	sdelay $0x1  }
0x1d0: {  	v4 =	vadd.s32 v1, v4;
	_ =	sdelay $0x3  }
0x1d1: {  	v3 =	vperm.xlane v3, v2  }
0x1d2: {  	[tilespmem:s20], [sflag:$0x3] =	stream.indirect_vreg.gather [hbm4b:s2+s3], $0x80, v4, vm0, $0xb8;
	[tilespmem:$0x18800] =	vst v63  }
0x1d3: {  	v3 =	vadd.s32 v1, v3  }
0x1d4: {  	[tilespmem:s16], [sflag:$0x3] =	stream.indirect_vreg.gather [hbm4b:s5+s3], $0x80, v4, vm0, $0xb8;
	[tilespmem:$0x18800] =	vst v63  }
0x1d5: {  	_ = 	snop  }
0x1d6: {  	[tilespmem:s1], [sflag:$0x3] =	stream.indirect_vreg.gather [hbm4b:s6+s3], $0x80, v4, vm0, $0xb8;
	[tilespmem:$0x18800] =	vst v63  }
0x1d7: {  	_ = 	snop  }
0x1d8: {  	[tilespmem:s9], [sflag:$0x3] =	stream.indirect_vreg.gather [hbm4b:s2+s3], $0x80, v3, vm0, $0xb8;
	[tilespmem:$0x18800] =	vst v63  }
0x1d9: {  	_ = 	snop  }
0x1da: {  	[tilespmem:s28], [sflag:$0x3] =	stream.indirect_vreg.gather [hbm4b:s5+s3], $0x80, v3, vm0, $0xb8;
	[tilespmem:$0x18800] =	vst v63  }
0x1db: {  	s25 =	simm.s32 $0xF000  }
0x1dc: {  	[tilespmem:s25], [sflag:$0x3] =	stream.indirect_vreg.gather [hbm4b:s6+s3], $0x80, v3, vm0, $0xb8;
	[tilespmem:$0x18800] =	vst v63  }
0x1dd: {  	v3 =	vld [tilespmem:$0x510];
	_ =	sdelay $0x4  }
0x1de: {  	v53 =	vshrl.u32 v3, $0x3  }
0x1df: {  	v4 =	vmul.u32 $0x30, v53  }
0x1e0: {  	v3 =	vand.u32 $0x7, v3  }
0x1e1: {  	v3 =	vor.u32 v3, v4  }
0x1e2: {  	v4 =	vperm.xlane v3, v0;
	_ =	sdelay $0x1  }
0x1e3: {  	v4 =	vadd.s32 v1, v4;
	_ =	sdelay $0x3  }
0x1e4: {  	s28 =	simm.s32 $0xF800;
	v3 =	vperm.xlane v3, v2  }
0x1e5: {  	[tilespmem:s28], [sflag:$0x3] =	stream.indirect_vreg.gather [hbm4b:s2+s3], $0x80, v4, vm0, $0xb8;
	[tilespmem:$0x18800] =	vst v63  }
0x1e6: {  	v3 =	vadd.s32 v1, v3  }
0x1e7: {  	[tilespmem:s29], [sflag:$0x3] =	stream.indirect_vreg.gather [hbm4b:s5+s3], $0x80, v4, vm0, $0xb8;
	[tilespmem:$0x18800] =	vst v63  }
0x1e8: {  	_ = 	snop  }
0x1e9: {  	[tilespmem:s30], [sflag:$0x3] =	stream.indirect_vreg.gather [hbm4b:s6+s3], $0x80, v4, vm0, $0xb8;
	[tilespmem:$0x18800] =	vst v63  }
0x1ea: {  	_ = 	snop  }
0x1eb: {  	[tilespmem:s31], [sflag:$0x3] =	stream.indirect_vreg.gather [hbm4b:s2+s3], $0x80, v3, vm0, $0xb8;
	[tilespmem:$0x18800] =	vst v63  }
0x1ec: {  	_ = 	snop  }
0x1ed: {  	[tilespmem:s17], [sflag:$0x3] =	stream.indirect_vreg.gather [hbm4b:s5+s3], $0x80, v3, vm0, $0xb8;
	[tilespmem:$0x18800] =	vst v63  }
0x1ee: {  	s30 =	simm.s32 $0x12000  }
0x1ef: {  	[tilespmem:s30], [sflag:$0x3] =	stream.indirect_vreg.gather [hbm4b:s6+s3], $0x80, v3, vm0, $0xb8;
	[tilespmem:$0x18800] =	vst v63  }
0x1f0: {  	_ =	swait.ge [sflag:s12], $0x6000  }
0x1f1: {  	[sflag:s12] =	ssyncset.done $0x0  }
0x1f2: {  	s31 =	rddreg [dreg:$0xb];
	[sflag:s12] =	ssyncadd.s32 $0xFFFFA000  }
0x1f3: {  	[hbm4b:s31+s3] =	stream.linear.scatter [tilespmem:s0], [sflag:$0x4], $0x6000, $0x38;
	[tilespmem:$0x18800] =	vst v63  }
0x1f4: {  	_ =	swait.ge [sflag:s12], $0x6000  }
0x1f5: {  	[sflag:s12] =	ssyncset.done $0x0  }
0x1f6: {  	[sflag:s12] =	ssyncadd.s32 $0xFFFFA000  }
0x1f7: {  	v3 =	vld [tilespmem:$0x580];
	_ =	sdelay $0x4  }
0x1f8: {  	v54 =	vshrl.u32 v3, $0x3  }
0x1f9: {  	v4 =	vmul.u32 $0x30, v54  }
0x1fa: {  	v3 =	vand.u32 $0x7, v3  }
0x1fb: {  	v3 =	vor.u32 v3, v4  }
0x1fc: {  	v4 =	vperm.xlane v3, v0;
	_ =	sdelay $0x1  }
0x1fd: {  	v4 =	vadd.s32 v1, v4;
	_ =	sdelay $0x3  }
0x1fe: {  	v3 =	vperm.xlane v3, v2  }
0x1ff: {  	[tilespmem:s0], [sflag:$0x4] =	stream.indirect_vreg.gather [hbm4b:s2+s3], $0x80, v4, vm0, $0xb8;
	[tilespmem:$0x18800] =	vst v63  }
0x200: {  	s15 =	simm.s32 $0x13000;
	v3 =	vadd.s32 v1, v3  }
0x201: {  	[tilespmem:s15], [sflag:$0x4] =	stream.indirect_vreg.gather [hbm4b:s5+s3], $0x80, v4, vm0, $0xb8;
	[tilespmem:$0x18800] =	vst v63  }
0x202: {  	s15 =	simm.s32 $0x13800  }
0x203: {  	[tilespmem:s15], [sflag:$0x4] =	stream.indirect_vreg.gather [hbm4b:s6+s3], $0x80, v4, vm0, $0xb8;
	[tilespmem:$0x18800] =	vst v63  }
0x204: {  	s30 =	simm.s32 $0x14000  }
0x205: {  	[tilespmem:s30], [sflag:$0x4] =	stream.indirect_vreg.gather [hbm4b:s2+s3], $0x80, v3, vm0, $0xb8;
	[tilespmem:$0x18800] =	vst v63  }
0x206: {  	s31 =	simm.s32 $0x14800  }
0x207: {  	[tilespmem:s31], [sflag:$0x4] =	stream.indirect_vreg.gather [hbm4b:s5+s3], $0x80, v3, vm0, $0xb8;
	[tilespmem:$0x18800] =	vst v63  }
0x208: {  	s13 =	simm.s32 $0x15000  }
0x209: {  	[tilespmem:s13], [sflag:$0x4] =	stream.indirect_vreg.gather [hbm4b:s6+s3], $0x80, v3, vm0, $0xb8;
	[tilespmem:$0x18800] =	vst v63  }
0x20a: {  	v3 =	vld [tilespmem:$0x590];
	_ =	sdelay $0x4  }
0x20b: {  	v55 =	vshrl.u32 v3, $0x3  }
0x20c: {  	v4 =	vmul.u32 $0x30, v55  }
0x20d: {  	v3 =	vand.u32 $0x7, v3  }
0x20e: {  	v3 =	vor.u32 v3, v4  }
0x20f: {  	v4 =	vperm.xlane v3, v0;
	_ =	sdelay $0x1  }
0x210: {  	v4 =	vadd.s32 v1, v4;
	_ =	sdelay $0x3  }
0x211: {  	s13 =	simm.s32 $0x15800;
	v3 =	vperm.xlane v3, v2  }
0x212: {  	[tilespmem:s13], [sflag:$0x4] =	stream.indirect_vreg.gather [hbm4b:s2+s3], $0x80, v4, vm0, $0xb8;
	[tilespmem:$0x18800] =	vst v63  }
0x213: {  	v3 =	vadd.s32 v1, v3;
	s13 =	simm.s32 $0x16000  }
0x214: {  	[tilespmem:s13], [sflag:$0x4] =	stream.indirect_vreg.gather [hbm4b:s5+s3], $0x80, v4, vm0, $0xb8;
	[tilespmem:$0x18800] =	vst v63  }
0x215: {  	s13 =	simm.s32 $0x16800  }
0x216: {  	[tilespmem:s13], [sflag:$0x4] =	stream.indirect_vreg.gather [hbm4b:s6+s3], $0x80, v4, vm0, $0xb8;
	[tilespmem:$0x18800] =	vst v63  }
0x217: {  	s13 =	simm.s32 $0x17000  }
0x218: {  	[tilespmem:s13], [sflag:$0x4] =	stream.indirect_vreg.gather [hbm4b:s2+s3], $0x80, v3, vm0, $0xb8;
	[tilespmem:$0x18800] =	vst v63  }
0x219: {  	s13 =	simm.s32 $0x17800  }
0x21a: {  	[tilespmem:s13], [sflag:$0x4] =	stream.indirect_vreg.gather [hbm4b:s5+s3], $0x80, v3, vm0, $0xb8;
	[tilespmem:$0x18800] =	vst v63  }
0x21b: {  	s13 =	simm.s32 $0x18000  }
0x21c: {  	[tilespmem:s13], [sflag:$0x4] =	stream.indirect_vreg.gather [hbm4b:s6+s3], $0x80, v3, vm0, $0xb8;
	[tilespmem:$0x18800] =	vst v63  }
0x21d: {  	_ =	swait.ge [sflag:s8], $0x6000  }
0x21e: {  	[sflag:s8] =	ssyncset.done $0x0  }
0x21f: {  	s13 =	rddreg [dreg:$0xc];
	[sflag:s8] =	ssyncadd.s32 $0xFFFFA000  }
0x220: {  	[hbm4b:s13+s3] =	stream.linear.scatter [tilespmem:s21], [sflag:$0x1], $0x6000, $0x38;
	[tilespmem:$0x18800] =	vst v63  }
0x221: {  	_ =	swait.ge [sflag:s8], $0x6000  }
0x222: {  	[sflag:s8] =	ssyncset.done $0x0  }
0x223: {  	[sflag:s8] =	ssyncadd.s32 $0xFFFFA000  }
0x224: {  	v3 =	vld [tilespmem:$0x600];
	_ =	sdelay $0x4  }
0x225: {  	v56 =	vshrl.u32 v3, $0x3  }
0x226: {  	v4 =	vmul.u32 $0x30, v56  }
0x227: {  	v3 =	vand.u32 $0x7, v3  }
0x228: {  	v3 =	vor.u32 v3, v4  }
0x229: {  	v4 =	vperm.xlane v3, v0;
	_ =	sdelay $0x1  }
0x22a: {  	v4 =	vadd.s32 v1, v4;
	_ =	sdelay $0x3  }
0x22b: {  	v3 =	vperm.xlane v3, v2  }
0x22c: {  	[tilespmem:s21], [sflag:$0x1] =	stream.indirect_vreg.gather [hbm4b:s2+s3], $0x80, v4, vm0, $0xb8;
	[tilespmem:$0x18800] =	vst v63  }
0x22d: {  	s13 =	simm.s32 $0x1000;
	v3 =	vadd.s32 v1, v3  }
0x22e: {  	[tilespmem:s13], [sflag:$0x1] =	stream.indirect_vreg.gather [hbm4b:s5+s3], $0x80, v4, vm0, $0xb8;
	[tilespmem:$0x18800] =	vst v63  }
0x22f: {  	s13 =	simm.s32 $0x1800  }
0x230: {  	[tilespmem:s13], [sflag:$0x1] =	stream.indirect_vreg.gather [hbm4b:s6+s3], $0x80, v4, vm0, $0xb8;
	[tilespmem:$0x18800] =	vst v63  }
0x231: {  	s13 =	simm.s32 $0x2000  }
0x232: {  	[tilespmem:s13], [sflag:$0x1] =	stream.indirect_vreg.gather [hbm4b:s2+s3], $0x80, v3, vm0, $0xb8;
	[tilespmem:$0x18800] =	vst v63  }
0x233: {  	s13 =	simm.s32 $0x2800  }
0x234: {  	[tilespmem:s13], [sflag:$0x1] =	stream.indirect_vreg.gather [hbm4b:s5+s3], $0x80, v3, vm0, $0xb8;
	[tilespmem:$0x18800] =	vst v63  }
0x235: {  	s13 =	simm.s32 $0x3000  }
0x236: {  	[tilespmem:s13], [sflag:$0x1] =	stream.indirect_vreg.gather [hbm4b:s6+s3], $0x80, v3, vm0, $0xb8;
	[tilespmem:$0x18800] =	vst v63  }
0x237: {  	v3 =	vld [tilespmem:$0x610];
	_ =	sdelay $0x4  }
0x238: {  	v57 =	vshrl.u32 v3, $0x3  }
0x239: {  	v4 =	vmul.u32 $0x30, v57  }
0x23a: {  	v3 =	vand.u32 $0x7, v3  }
0x23b: {  	v3 =	vor.u32 v3, v4  }
0x23c: {  	v4 =	vperm.xlane v3, v0;
	_ =	sdelay $0x1  }
0x23d: {  	v4 =	vadd.s32 v1, v4;
	_ =	sdelay $0x3  }
0x23e: {  	s13 =	simm.s32 $0x3800;
	v3 =	vperm.xlane v3, v2  }
0x23f: {  	[tilespmem:s13], [sflag:$0x1] =	stream.indirect_vreg.gather [hbm4b:s2+s3], $0x80, v4, vm0, $0xb8;
	[tilespmem:$0x18800] =	vst v63  }
0x240: {  	v3 =	vadd.s32 v1, v3;
	s13 =	simm.s32 $0x4000  }
0x241: {  	[tilespmem:s13], [sflag:$0x1] =	stream.indirect_vreg.gather [hbm4b:s5+s3], $0x80, v4, vm0, $0xb8;
	[tilespmem:$0x18800] =	vst v63  }
0x242: {  	s13 =	simm.s32 $0x4800  }
0x243: {  	[tilespmem:s13], [sflag:$0x1] =	stream.indirect_vreg.gather [hbm4b:s6+s3], $0x80, v4, vm0, $0xb8;
	[tilespmem:$0x18800] =	vst v63  }
0x244: {  	s13 =	simm.s32 $0x5000  }
0x245: {  	[tilespmem:s13], [sflag:$0x1] =	stream.indirect_vreg.gather [hbm4b:s2+s3], $0x80, v3, vm0, $0xb8;
	[tilespmem:$0x18800] =	vst v63  }
0x246: {  	s13 =	simm.s32 $0x5800  }
0x247: {  	[tilespmem:s13], [sflag:$0x1] =	stream.indirect_vreg.gather [hbm4b:s5+s3], $0x80, v3, vm0, $0xb8;
	[tilespmem:$0x18800] =	vst v63  }
0x248: {  	s14 =	simm.s32 $0x6000  }
0x249: {  	[tilespmem:s14], [sflag:$0x1] =	stream.indirect_vreg.gather [hbm4b:s6+s3], $0x80, v3, vm0, $0xb8;
	[tilespmem:$0x18800] =	vst v63  }
0x24a: {  	_ =	swait.ge [sflag:s10], $0x6000  }
0x24b: {  	[sflag:s10] =	ssyncset.done $0x0  }
0x24c: {  	s14 =	rddreg [dreg:$0xd];
	[sflag:s10] =	ssyncadd.s32 $0xFFFFA000  }
0x24d: {  	[hbm4b:s14+s3] =	stream.linear.scatter [tilespmem:s4], [sflag:$0x2], $0x6000, $0x38;
	[tilespmem:$0x18800] =	vst v63  }
0x24e: {  	_ =	swait.ge [sflag:s10], $0x6000  }
0x24f: {  	[sflag:s10] =	ssyncset.done $0x0  }
0x250: {  	[sflag:s10] =	ssyncadd.s32 $0xFFFFA000  }
0x251: {  	v3 =	vld [tilespmem:$0x680];
	_ =	sdelay $0x4  }
0x252: {  	v58 =	vshrl.u32 v3, $0x3  }
0x253: {  	v4 =	vmul.u32 $0x30, v58  }
0x254: {  	v3 =	vand.u32 $0x7, v3  }
0x255: {  	v3 =	vor.u32 v3, v4  }
0x256: {  	v4 =	vperm.xlane v3, v0;
	_ =	sdelay $0x1  }
0x257: {  	v4 =	vadd.s32 v1, v4;
	_ =	sdelay $0x3  }
0x258: {  	v3 =	vperm.xlane v3, v2  }
0x259: {  	[tilespmem:s4], [sflag:$0x2] =	stream.indirect_vreg.gather [hbm4b:s2+s3], $0x80, v4, vm0, $0xb8;
	[tilespmem:$0x18800] =	vst v63  }
0x25a: {  	s14 =	simm.s32 $0x7000;
	v3 =	vadd.s32 v1, v3  }
0x25b: {  	[tilespmem:s14], [sflag:$0x2] =	stream.indirect_vreg.gather [hbm4b:s5+s3], $0x80, v4, vm0, $0xb8;
	[tilespmem:$0x18800] =	vst v63  }
0x25c: {  	s14 =	simm.s32 $0x7800  }
0x25d: {  	[tilespmem:s14], [sflag:$0x2] =	stream.indirect_vreg.gather [hbm4b:s6+s3], $0x80, v4, vm0, $0xb8;
	[tilespmem:$0x18800] =	vst v63  }
0x25e: {  	s14 =	simm.s32 $0x8000  }
0x25f: {  	[tilespmem:s14], [sflag:$0x2] =	stream.indirect_vreg.gather [hbm4b:s2+s3], $0x80, v3, vm0, $0xb8;
	[tilespmem:$0x18800] =	vst v63  }
0x260: {  	s14 =	simm.s32 $0x8800  }
0x261: {  	[tilespmem:s14], [sflag:$0x2] =	stream.indirect_vreg.gather [hbm4b:s5+s3], $0x80, v3, vm0, $0xb8;
	[tilespmem:$0x18800] =	vst v63  }
0x262: {  	s14 =	simm.s32 $0x9000  }
0x263: {  	[tilespmem:s14], [sflag:$0x2] =	stream.indirect_vreg.gather [hbm4b:s6+s3], $0x80, v3, vm0, $0xb8;
	[tilespmem:$0x18800] =	vst v63  }
0x264: {  	v3 =	vld [tilespmem:$0x690];
	_ =	sdelay $0x4  }
0x265: {  	v59 =	vshrl.u32 v3, $0x3  }
0x266: {  	v4 =	vmul.u32 $0x30, v59  }
0x267: {  	v3 =	vand.u32 $0x7, v3  }
0x268: {  	v3 =	vor.u32 v3, v4  }
0x269: {  	v4 =	vperm.xlane v3, v0;
	_ =	sdelay $0x1  }
0x26a: {  	v4 =	vadd.s32 v1, v4;
	_ =	sdelay $0x3  }
0x26b: {  	s14 =	simm.s32 $0x9800;
	v3 =	vperm.xlane v3, v2  }
0x26c: {  	[tilespmem:s14], [sflag:$0x2] =	stream.indirect_vreg.gather [hbm4b:s2+s3], $0x80, v4, vm0, $0xb8;
	[tilespmem:$0x18800] =	vst v63  }
0x26d: {  	v3 =	vadd.s32 v1, v3;
	s14 =	simm.s32 $0xA000  }
0x26e: {  	[tilespmem:s14], [sflag:$0x2] =	stream.indirect_vreg.gather [hbm4b:s5+s3], $0x80, v4, vm0, $0xb8;
	[tilespmem:$0x18800] =	vst v63  }
0x26f: {  	s19 =	simm.s32 $0xA800  }
0x270: {  	[tilespmem:s19], [sflag:$0x2] =	stream.indirect_vreg.gather [hbm4b:s6+s3], $0x80, v4, vm0, $0xb8;
	[tilespmem:$0x18800] =	vst v63  }
0x271: {  	s22 =	simm.s32 $0xB000  }
0x272: {  	[tilespmem:s22], [sflag:$0x2] =	stream.indirect_vreg.gather [hbm4b:s2+s3], $0x80, v3, vm0, $0xb8;
	[tilespmem:$0x18800] =	vst v63  }
0x273: {  	s23 =	simm.s32 $0xB800  }
0x274: {  	[tilespmem:s23], [sflag:$0x2] =	stream.indirect_vreg.gather [hbm4b:s5+s3], $0x80, v3, vm0, $0xb8;
	[tilespmem:$0x18800] =	vst v63  }
0x275: {  	s26 =	simm.s32 $0xC000  }
0x276: {  	[tilespmem:s26], [sflag:$0x2] =	stream.indirect_vreg.gather [hbm4b:s6+s3], $0x80, v3, vm0, $0xb8;
	[tilespmem:$0x18800] =	vst v63  }
0x277: {  	_ =	swait.ge [sflag:s11], $0x6000  }
0x278: {  	[sflag:s11] =	ssyncset.done $0x0  }
0x279: {  	s26 =	rddreg [dreg:$0xe];
	[sflag:s11] =	ssyncadd.s32 $0xFFFFA000  }
0x27a: {  	[hbm4b:s26+s3] =	stream.linear.scatter [tilespmem:s20], [sflag:$0x3], $0x6000, $0x38;
	[tilespmem:$0x18800] =	vst v63  }
0x27b: {  	_ =	swait.ge [sflag:s11], $0x6000  }
0x27c: {  	[sflag:s11] =	ssyncset.done $0x0  }
0x27d: {  	[sflag:s11] =	ssyncadd.s32 $0xFFFFA000  }
0x27e: {  	v3 =	vld [tilespmem:$0x700];
	_ =	sdelay $0x4  }
0x27f: {  	v60 =	vshrl.u32 v3, $0x3  }
0x280: {  	v4 =	vmul.u32 $0x30, v60  }
0x281: {  	v3 =	vand.u32 $0x7, v3  }
0x282: {  	v3 =	vor.u32 v3, v4  }
0x283: {  	v4 =	vperm.xlane v3, v0;
	_ =	sdelay $0x1  }
0x284: {  	v4 =	vadd.s32 v1, v4;
	_ =	sdelay $0x3  }
0x285: {  	v3 =	vperm.xlane v3, v2  }
0x286: {  	[tilespmem:s20], [sflag:$0x3] =	stream.indirect_vreg.gather [hbm4b:s2+s3], $0x80, v4, vm0, $0xb8;
	[tilespmem:$0x18800] =	vst v63  }
0x287: {  	s18 =	simm.s32 $0xD000;
	v3 =	vadd.s32 v1, v3  }
0x288: {  	[tilespmem:s18], [sflag:$0x3] =	stream.indirect_vreg.gather [hbm4b:s5+s3], $0x80, v4, vm0, $0xb8;
	[tilespmem:$0x18800] =	vst v63  }
0x289: {  	s1 =	simm.s32 $0xD800  }
0x28a: {  	[tilespmem:s1], [sflag:$0x3] =	stream.indirect_vreg.gather [hbm4b:s6+s3], $0x80, v4, vm0, $0xb8;
	[tilespmem:$0x18800] =	vst v63  }
0x28b: {  	s9 =	simm.s32 $0xE000  }
0x28c: {  	[tilespmem:s9], [sflag:$0x3] =	stream.indirect_vreg.gather [hbm4b:s2+s3], $0x80, v3, vm0, $0xb8;
	[tilespmem:$0x18800] =	vst v63  }
0x28d: {  	s16 =	simm.s32 $0xE800  }
0x28e: {  	[tilespmem:s16], [sflag:$0x3] =	stream.indirect_vreg.gather [hbm4b:s5+s3], $0x80, v3, vm0, $0xb8;
	[tilespmem:$0x18800] =	vst v63  }
0x28f: {  	s13 =	simm.s32 $0xF000  }
0x290: {  	[tilespmem:s13], [sflag:$0x3] =	stream.indirect_vreg.gather [hbm4b:s6+s3], $0x80, v3, vm0, $0xb8;
	[tilespmem:$0x18800] =	vst v63  }
0x291: {  	v3 =	vld [tilespmem:$0x710];
	_ =	sdelay $0x4  }
0x292: {  	v61 =	vshrl.u32 v3, $0x3  }
0x293: {  	v4 =	vmul.u32 $0x30, v61  }
0x294: {  	v3 =	vand.u32 $0x7, v3  }
0x295: {  	v3 =	vor.u32 v3, v4  }
0x296: {  	v4 =	vperm.xlane v3, v0;
	_ =	sdelay $0x1  }
0x297: {  	v4 =	vadd.s32 v1, v4;
	_ =	sdelay $0x3  }
0x298: {  	s14 =	simm.s32 $0xF800;
	v3 =	vperm.xlane v3, v2  }
0x299: {  	[tilespmem:s14], [sflag:$0x3] =	stream.indirect_vreg.gather [hbm4b:s2+s3], $0x80, v4, vm0, $0xb8;
	[tilespmem:$0x18800] =	vst v63  }
0x29a: {  	s24 =	simm.s32 $0x10000;
	v3 =	vadd.s32 v1, v3  }
0x29b: {  	[tilespmem:s24], [sflag:$0x3] =	stream.indirect_vreg.gather [hbm4b:s5+s3], $0x80, v4, vm0, $0xb8;
	[tilespmem:$0x18800] =	vst v63  }
0x29c: {  	s25 =	simm.s32 $0x10800  }
0x29d: {  	[tilespmem:s25], [sflag:$0x3] =	stream.indirect_vreg.gather [hbm4b:s6+s3], $0x80, v4, vm0, $0xb8;
	[tilespmem:$0x18800] =	vst v63  }
0x29e: {  	s28 =	simm.s32 $0x11000  }
0x29f: {  	[tilespmem:s28], [sflag:$0x3] =	stream.indirect_vreg.gather [hbm4b:s2+s3], $0x80, v3, vm0, $0xb8;
	[tilespmem:$0x18800] =	vst v63  }
0x2a0: {  	s17 =	simm.s32 $0x11800  }
0x2a1: {  	[tilespmem:s17], [sflag:$0x3] =	stream.indirect_vreg.gather [hbm4b:s5+s3], $0x80, v3, vm0, $0xb8;
	[tilespmem:$0x18800] =	vst v63  }
0x2a2: {  	s16 =	simm.s32 $0x12000  }
0x2a3: {  	[tilespmem:s16], [sflag:$0x3] =	stream.indirect_vreg.gather [hbm4b:s6+s3], $0x80, v3, vm0, $0xb8;
	[tilespmem:$0x18800] =	vst v63  }
0x2a4: {  	_ =	swait.ge [sflag:s12], $0x6000  }
0x2a5: {  	[sflag:s12] =	ssyncset.done $0x0  }
0x2a6: {  	s17 =	rddreg [dreg:$0xf];
	[sflag:s12] =	ssyncadd.s32 $0xFFFFA000  }
0x2a7: {  	[hbm4b:s17+s3] =	stream.linear.scatter [tilespmem:s0], [sflag:$0x4], $0x6000, $0x38;
	[tilespmem:$0x18800] =	vst v63  }
0x2a8: {  	_ =	swait.ge [sflag:s12], $0x6000  }
0x2a9: {  	[sflag:s12] =	ssyncset.done $0x0  }
0x2aa: {  	[sflag:s12] =	ssyncadd.s32 $0xFFFFA000  }
0x2ab: {  	v3 =	vld [tilespmem:$0x780];
	_ =	sdelay $0x4  }
0x2ac: {  	v62 =	vshrl.u32 v3, $0x3  }
0x2ad: {  	v4 =	vmul.u32 $0x30, v62  }
0x2ae: {  	v3 =	vand.u32 $0x7, v3  }
0x2af: {  	v3 =	vor.u32 v3, v4  }
0x2b0: {  	v4 =	vperm.xlane v3, v0;
	_ =	sdelay $0x1  }
0x2b1: {  	v4 =	vadd.s32 v1, v4;
	_ =	sdelay $0x3  }
0x2b2: {  	v3 =	vperm.xlane v3, v2  }
0x2b3: {  	[tilespmem:s0], [sflag:$0x4] =	stream.indirect_vreg.gather [hbm4b:s2+s3], $0x80, v4, vm0, $0xb8;
	[tilespmem:$0x18800] =	vst v63  }
0x2b4: {  	s29 =	simm.s32 $0x13000;
	v3 =	vadd.s32 v1, v3  }
0x2b5: {  	[tilespmem:s29], [sflag:$0x4] =	stream.indirect_vreg.gather [hbm4b:s5+s3], $0x80, v4, vm0, $0xb8;
	[tilespmem:$0x18800] =	vst v63  }
0x2b6: {  	s15 =	simm.s32 $0x13800  }
0x2b7: {  	[tilespmem:s15], [sflag:$0x4] =	stream.indirect_vreg.gather [hbm4b:s6+s3], $0x80, v4, vm0, $0xb8;
	[tilespmem:$0x18800] =	vst v63  }
0x2b8: {  	s30 =	simm.s32 $0x14000  }
0x2b9: {  	[tilespmem:s30], [sflag:$0x4] =	stream.indirect_vreg.gather [hbm4b:s2+s3], $0x80, v3, vm0, $0xb8;
	[tilespmem:$0x18800] =	vst v63  }
0x2ba: {  	s31 =	simm.s32 $0x14800  }
0x2bb: {  	[tilespmem:s31], [sflag:$0x4] =	stream.indirect_vreg.gather [hbm4b:s5+s3], $0x80, v3, vm0, $0xb8;
	[tilespmem:$0x18800] =	vst v63  }
0x2bc: {  	s18 =	simm.s32 $0x15000  }
0x2bd: {  	[tilespmem:s18], [sflag:$0x4] =	stream.indirect_vreg.gather [hbm4b:s6+s3], $0x80, v3, vm0, $0xb8;
	[tilespmem:$0x18800] =	vst v63  }
0x2be: {  	v3 =	vld [tilespmem:$0x790];
	_ =	sdelay $0x4  }
0x2bf: {  	v63 =	vshrl.u32 v3, $0x3  }
0x2c0: {  	v4 =	vmul.u32 $0x30, v63  }
0x2c1: {  	v3 =	vand.u32 $0x7, v3  }
0x2c2: {  	v3 =	vor.u32 v3, v4  }
0x2c3: {  	v4 =	vperm.xlane v3, v0;
	_ =	sdelay $0x1  }
0x2c4: {  	v4 =	vadd.s32 v1, v4;
	_ =	sdelay $0x3  }
0x2c5: {  	s19 =	simm.s32 $0x15800;
	v3 =	vperm.xlane v3, v2  }
0x2c6: {  	[tilespmem:s19], [sflag:$0x4] =	stream.indirect_vreg.gather [hbm4b:s2+s3], $0x80, v4, vm0, $0xb8;
	[tilespmem:$0x18800] =	vst v63  }
0x2c7: {  	s22 =	simm.s32 $0x16000;
	v3 =	vadd.s32 v1, v3  }
0x2c8: {  	[tilespmem:s22], [sflag:$0x4] =	stream.indirect_vreg.gather [hbm4b:s5+s3], $0x80, v4, vm0, $0xb8;
	[tilespmem:$0x18800] =	vst v63  }
0x2c9: {  	s23 =	simm.s32 $0x16800  }
0x2ca: {  	[tilespmem:s23], [sflag:$0x4] =	stream.indirect_vreg.gather [hbm4b:s6+s3], $0x80, v4, vm0, $0xb8;
	[tilespmem:$0x18800] =	vst v63  }
0x2cb: {  	s24 =	simm.s32 $0x17000  }
0x2cc: {  	[tilespmem:s24], [sflag:$0x4] =	stream.indirect_vreg.gather [hbm4b:s2+s3], $0x80, v3, vm0, $0xb8;
	[tilespmem:$0x18800] =	vst v63  }
0x2cd: {  	s25 =	simm.s32 $0x17800  }
0x2ce: {  	[tilespmem:s25], [sflag:$0x4] =	stream.indirect_vreg.gather [hbm4b:s5+s3], $0x80, v3, vm0, $0xb8;
	[tilespmem:$0x18800] =	vst v63  }
0x2cf: {  	s26 =	simm.s32 $0x18000  }
0x2d0: {  	[tilespmem:s26], [sflag:$0x4] =	stream.indirect_vreg.gather [hbm4b:s6+s3], $0x80, v3, vm0, $0xb8;
	[tilespmem:$0x18800] =	vst v63  }
0x2d1: {  	_ =	swait.ge [sflag:s8], $0x6000  }
0x2d2: {  	[sflag:s8] =	ssyncset.done $0x0  }
0x2d3: {  	s28 =	rddreg [dreg:$0x10];
	[sflag:s8] =	ssyncadd.s32 $0xFFFFA000  }
0x2d4: {  	[hbm4b:s28+s3] =	stream.linear.scatter [tilespmem:s21], [sflag:$0x1], $0x6000, $0x38;
	[tilespmem:$0x18800] =	vst v63  }
0x2d5: {  	_ =	swait.ge [sflag:s10], $0x6000  }
0x2d6: {  	[sflag:s10] =	ssyncset.done $0x0  }
0x2d7: {  	s29 =	rddreg [dreg:$0x11];
	[sflag:s10] =	ssyncadd.s32 $0xFFFFA000  }
0x2d8: {  	[hbm4b:s29+s3] =	stream.linear.scatter [tilespmem:s4], [sflag:$0x2], $0x6000, $0x38;
	[tilespmem:$0x18800] =	vst v63  }
0x2d9: {  	_ =	swait.ge [sflag:s11], $0x6000  }
0x2da: {  	[sflag:s11] =	ssyncset.done $0x0  }
0x2db: {  	s30 =	rddreg [dreg:$0x12];
	[sflag:s11] =	ssyncadd.s32 $0xFFFFA000  }
0x2dc: {  	[hbm4b:s30+s3] =	stream.linear.scatter [tilespmem:s20], [sflag:$0x3], $0x6000, $0x38;
	[tilespmem:$0x18800] =	vst v63  }
0x2dd: {  	_ =	swait.ge [sflag:s12], $0x6000  }
0x2de: {  	[sflag:s12] =	ssyncset.done $0x0  }
0x2df: {  	s31 =	rddreg [dreg:$0x13];
	[sflag:s12] =	ssyncadd.s32 $0xFFFFA000  }
0x2e0: {  	[hbm4b:s31+s3] =	stream.linear.scatter [tilespmem:s0], [sflag:$0x4], $0x6000, $0x38;
	[tilespmem:$0x18800] =	vst v63  }
0x2e1: {  	_ =	swait.ge [sflag:s8], $0x6000  }
0x2e2: {  	[sflag:s8] =	ssyncset.done $0x0  }
0x2e3: {  	[sflag:s8] =	ssyncadd.s32 $0xFFFFA000  }
0x2e4: {  	_ =	swait.ge [sflag:s10], $0x6000  }
0x2e5: {  	[sflag:s10] =	ssyncset.done $0x0  }
0x2e6: {  	[sflag:s10] =	ssyncadd.s32 $0xFFFFA000  }
0x2e7: {  	p0 =	sne.s32 s7, $0x1;
	_ =	swait.ge [sflag:s11], $0x6000  }
.Ltmp0:
0x2e8: {  	[sflag:s11] =	ssyncset.done $0x0;
	(pc) =	sbr.rel @p0 .LBB2_1-.Ltmp0, $4  }
0x2e9: {  	[sflag:s11] =	ssyncadd.s32 $0xFFFFA000  }
0x2ea: {  	_ =	swait.ge [sflag:s12], $0x6000  }
0x2eb: {  	[sflag:s12] =	ssyncset.done $0x0  }
0x2ec: {  	s7 =	sadd.s32 $0xFFFFFFFF, s7;
	[sflag:s12] =	ssyncadd.s32 $0xFFFFA000  }
0x2ed: {  	_ =	sfence.sel $0x180000  }
0x2ee: {  	[bflag:$0x0] =	sbarrier.arrive $0xFFFF  }
0x2ef: {  	_ =	strace $0x90000047  }
0x2f0: {  	s0 =	stileid.u32;
	[bflag:$0x2] =	sbarrier.arrive $0xFFFF  }
0x2f1: {  	p0 =	sne.s32 s0, $0x0;
	s0 =	rddreg [dreg:$0x3]  }
0x2f2: {  	s0 =	sadd.s32 @!p0 $0x100000, s0  }
0x2f3: {  	[sflag:s0] =	ssyncadd.tile.s32 @!p0 $0x1;
	_ =	shalt  }
.Lfunc_end2:
_tile_overlayer_lowered:
.L_overlay_start_2:
0x2f4: {  	(tag) =	ssettag $0x2  }
0x2f5: {  	s0 =	rddreg [dreg:$0x0];
	s2 =	stileid.u32  }
0x2f6: {  	s1 =	rddreg [dreg:$0x1];
	p0 =	sne.s32 s2, $0x0  }
0x2f7: {  	s3 =	rddreg [dreg:$0x2];
	[bflag:$0x3] =	sbarrier.arrive $0xFFFF;
	s2 =	simm.s32 @!p0 $0x1C05  }
0x2f8: {  	[timem:s3], [sflag:s2] =	dma.local @!p0 [hbm:s0], s1  }
0x2f9: {  	s0 =	simm.s32 @!p0 $0x5  }
0x2fa: {  	_ =	swait.ge @!p0 [sflag:s0], s1  }
0x2fb: {  	s1 =	ssub.s32 @!p0 $0x0, s1;
	[sflag:s0] =	ssyncset.done @!p0 $0x0  }
0x2fc: {  	[sflag:s0] =	ssyncadd.s32 @!p0 s1  }
0x2fd: {  	[bflag:$0x3] =	sbarrier.arrive $0xFFFF  }
0x2fe: {  	_ =	shalt  }

</sc_bundles>
